<compile_context>
chip_gen: v7x
topology: tpu7x:2x2x1
jax: 0.10.2.dev20260603
libtpu: 0.0.44.dev20260713+nightly
codegen_flags: <defaults>
</compile_context>

<pallas_src>
import functools

import jax
import jax.numpy as jnp
from jax import lax
from jax.experimental import pallas as pl
from jax.experimental.pallas import tpu as pltpu
from jax.experimental.pallas import tpu_sc as plsc

N = 10000
E = 160000
D = 128
H = 128
AH = 16

ROWS = 1000

NS = 16
EP = E // NS
CH = 16
T = EP // CH
NP = 10240
RP = NP // NS
RZ = 40


def _dot_t(a, b):
    return lax.dot_general(a, b, (((1,), (1,)), ((), ())),
                           preferred_element_type=jnp.float32)


def _attention(self_v, outgoing, incoming, A1, b1, A2):
    A2r = A2.astype(jnp.bfloat16).astype(jnp.float32)
    ws = []
    for v in (self_v, outgoing, incoming):
        h = jnp.tanh(_dot_t(v, A1) + b1)
        hr = h.astype(jnp.bfloat16).astype(jnp.float32)
        s = _dot_t(hr, A2r)
        ws.append(jnp.tanh(s))
    w0, w1, w2 = ws
    fused = w0 * self_v + w1 * outgoing + w2 * incoming
    return fused, w0, w1, w2


def _bn_relu(x, g, be, rm, rv):
    return jnp.maximum((x - rm) / jnp.sqrt(rv + 1e-5) * g + be, 0.0)


def _layer0_body(x_ref, gin_ref, gout_ref, din_ref, dout_ref,
                 Ws_ref, bs_ref, Wc_ref, bc_ref, A1_ref, b1_ref, A2_ref,
                 g_ref, be_ref, rm_ref, rv_ref,
                 x1_ref, att_ref):
    x = x_ref[...]
    din = din_ref[:, 0:1]
    dout = dout_ref[:, 0:1]
    gin = gin_ref[...]
    gout = gout_ref[...]
    Wc = Wc_ref[...]
    WcA = Wc[:, :D]
    WcB = Wc[:, D:]
    bc = bc_ref[...]
    self_v = _dot_t(x, Ws_ref[...]) + bs_ref[...]
    outgoing = _dot_t(din * x - gin, WcA) + _dot_t(gin, WcB) + bc
    incoming = _dot_t(dout * x - gout, WcA) + _dot_t(gout, WcB) + bc
    fused, w0, w1, w2 = _attention(self_v, outgoing, incoming,
                                   A1_ref[...], b1_ref[...], A2_ref[...])
    x1_ref[...] = _bn_relu(fused, g_ref[...], be_ref[...], rm_ref[...], rv_ref[...])
    att_ref[...] = jnp.concatenate([w0, w1, w2], axis=1)


def _layer1_body(x_ref, gin_ref, gout_ref, din_ref, dout_ref,
                 Ws_ref, bs_ref, Wc_ref, bc_ref, A1_ref, b1_ref, A2_ref,
                 g_ref, be_ref, rm_ref, rv_ref,
                 D1_ref, d1b_ref, D2_ref, d2b_ref,
                 logp_ref):
    x = x_ref[...]
    din = din_ref[:, 0:1]
    dout = dout_ref[:, 0:1]
    gin = gin_ref[...]
    gout = gout_ref[...]
    Wc = Wc_ref[...]
    WcA = Wc[:, :H]
    WcB = Wc[:, H:]
    bc = bc_ref[...]
    self_v = _dot_t(x, Ws_ref[...]) + bs_ref[...]
    outgoing = _dot_t(din * x - gin, WcA) + _dot_t(gin, WcB) + bc
    incoming = _dot_t(dout * x - gout, WcA) + _dot_t(gout, WcB) + bc
    fused, _, _, _ = _attention(self_v, outgoing, incoming,
                                A1_ref[...], b1_ref[...], A2_ref[...])
    y = _bn_relu(fused, g_ref[...], be_ref[...], rm_ref[...], rv_ref[...])
    z = jnp.maximum(_dot_t(y, D1_ref[...]) + d1b_ref[...], 0.0)
    logits = _dot_t(z, D2_ref[...]) + d2b_ref[...]
    shifted = logits - jnp.max(logits, axis=1, keepdims=True)
    logp_ref[...] = shifted - jnp.log(
        jnp.sum(jnp.exp(shifted), axis=1, keepdims=True))


def _row_spec(cols):
    return pl.BlockSpec((ROWS, cols), lambda i: (i, 0))


def _full_spec(shape):
    return pl.BlockSpec(shape, lambda i: tuple(0 for _ in shape))


def _dense_layer0(x, gin, gout, din16, dout16, Ws, bs, Wc, bc, A1, b1, A2,
                  g, be, rm, rv):
    grid = (N // ROWS,)
    in_specs = [
        _row_spec(D), _row_spec(D), _row_spec(D), _row_spec(16), _row_spec(16),
        _full_spec((H, D)), _full_spec((1, H)), _full_spec((H, 2 * D)),
        _full_spec((1, H)), _full_spec((AH, H)), _full_spec((1, AH)),
        _full_spec((1, AH)),
        _full_spec((1, H)), _full_spec((1, H)), _full_spec((1, H)),
        _full_spec((1, H)),
    ]
    out_specs = [_row_spec(H), _row_spec(3)]
    out_shape = [jax.ShapeDtypeStruct((N, H), jnp.float32),
                 jax.ShapeDtypeStruct((N, 3), jnp.float32)]
    return pl.pallas_call(
        _layer0_body, grid=grid, in_specs=in_specs, out_specs=out_specs,
        out_shape=out_shape,
    )(x, gin, gout, din16, dout16, Ws, bs.reshape(1, -1), Wc,
      bc.reshape(1, -1), A1, b1.reshape(1, -1), A2,
      g.reshape(1, -1), be.reshape(1, -1), rm.reshape(1, -1), rv.reshape(1, -1))


def _dense_layer1(x, gin, gout, din16, dout16, Ws, bs, Wc, bc, A1, b1, A2,
                  g, be, rm, rv, D1, d1b, D2, d2b):
    grid = (N // ROWS,)
    in_specs = [
        _row_spec(H), _row_spec(H), _row_spec(H), _row_spec(16), _row_spec(16),
        _full_spec((H, H)), _full_spec((1, H)), _full_spec((H, 2 * H)),
        _full_spec((1, H)), _full_spec((AH, H)), _full_spec((1, AH)),
        _full_spec((1, AH)),
        _full_spec((1, H)), _full_spec((1, H)), _full_spec((1, H)),
        _full_spec((1, H)),
        _full_spec((H, H)), _full_spec((1, H)), _full_spec((2, H)),
        _full_spec((1, 2)),
    ]
    out_specs = [_row_spec(2)]
    out_shape = [jax.ShapeDtypeStruct((N, 2), jnp.float32)]
    return pl.pallas_call(
        _layer1_body, grid=grid, in_specs=in_specs, out_specs=out_specs,
        out_shape=out_shape,
    )(x, gin, gout, din16, dout16, Ws, bs.reshape(1, -1), Wc,
      bc.reshape(1, -1), A1, b1.reshape(1, -1), A2,
      g.reshape(1, -1), be.reshape(1, -1), rm.reshape(1, -1), rv.reshape(1, -1),
      D1, d1b.reshape(1, -1), D2, d2b.reshape(1, -1))[0]


def _make_sc_scatter():
    mesh = plsc.VectorSubcoreMesh(core_axis_name="c", subcore_axis_name="s")
    out_type = [jax.ShapeDtypeStruct((2 * NP, H), jnp.float32)]
    scratch = [
        pltpu.VMEM_SHARED((NP, H), jnp.float32),
        pltpu.VMEM((CH,), jnp.int32),
        pltpu.VMEM((CH,), jnp.int32),
        pltpu.VMEM((CH,), jnp.int32),
        pltpu.VMEM((CH,), jnp.int32),
        pltpu.VMEM((CH, H), jnp.float32),
        pltpu.VMEM((CH, H), jnp.float32),
        pltpu.VMEM((RZ, H), jnp.float32),
        pltpu.SemaphoreType.DMA,
        pltpu.SemaphoreType.DMA,
    ]

    def body(x_hbm, gidx_hbm, sidx_hbm, gsum_hbm,
             acc, g0, s0, g1, s1, r0, r1, zbuf, m0, m1):
        cid = lax.axis_index("c")
        sid = lax.axis_index("s")
        row0 = sid * RP

        def zero_zbuf(k, carry):
            zbuf[k // 8, pl.ds((k % 8) * 16, 16)] = jnp.zeros((16,), jnp.float32)
            return carry
        lax.fori_loop(0, RZ * 8, zero_zbuf, 0)
        for r in range(RP // RZ):
            pltpu.sync_copy(zbuf, acc.at[pl.ds(row0 + r * RZ, RZ)])
        plsc.subcore_barrier()

        base = cid * E + sid * EP

        def fetch(j, g, s, r, m):
            off = base + j * CH
            pltpu.sync_copy(gidx_hbm.at[pl.ds(off, CH)], g)
            pltpu.sync_copy(sidx_hbm.at[pl.ds(off, CH)], s)
            pltpu.async_copy(x_hbm.at[g], r, m)

        def drain_add(g, s, r, m):
            pltpu.make_async_copy(x_hbm.at[g], r, m).wait()
            pltpu.sync_copy(r, acc.at[s], add=True)

        fetch(0, g0, s0, r0, m0)

        def pair(p, carry):
            j = 2 * p
            fetch(j + 1, g1, s1, r1, m1)
            drain_add(g0, s0, r0, m0)
            fetch(j + 2, g0, s0, r0, m0)
            drain_add(g1, s1, r1, m1)
            return carry
        lax.fori_loop(0, (T - 1) // 2, pair, 0)
        drain_add(g0, s0, r0, m0)

        plsc.subcore_barrier()
        pltpu.sync_copy(acc.at[pl.ds(row0, RP)],
                        gsum_hbm.at[pl.ds(cid * NP + row0, RP)])

    return pl.kernel(body, out_type=out_type, mesh=mesh,
                     scratch_types=scratch)


@functools.lru_cache(maxsize=None)
def _sc_scatter_fn():
    return _make_sc_scatter()


def kernel(node_features, edge_index, Ws0, bs0, Wc0, bc0, A1_0, b1_0, A2_0,
           g0, be0, rm0, rv0, Ws1, bs1, Wc1, bc1, A1_1, b1_1, A2_1, g1, be1,
           rm1, rv1, D1, d1b, D2, d2b):
    x = node_features
    src = edge_index[0]
    dst = edge_index[1]
    gidx = jnp.concatenate([src, dst])
    sidx = jnp.concatenate([dst, src])

    (g0s,) = _sc_scatter_fn()(x, gidx, sidx)
    g0s = g0s.reshape(2, NP, H)
    gin0, gout0 = g0s[0, :N], g0s[1, :N]
    ones_e = jnp.ones((E,), jnp.float32)
    din = jnp.zeros((N,), jnp.float32).at[dst].add(ones_e)
    dout = jnp.zeros((N,), jnp.float32).at[src].add(ones_e)
    din16 = jnp.broadcast_to(din[:, None], (N, 16))
    dout16 = jnp.broadcast_to(dout[:, None], (N, 16))
    x1, att = _dense_layer0(x, gin0, gout0, din16, dout16, Ws0, bs0, Wc0,
                            bc0, A1_0, b1_0, A2_0, g0, be0, rm0, rv0)
    (g1s,) = _sc_scatter_fn()(x1, gidx, sidx)
    g1s = g1s.reshape(2, NP, H)
    logp = _dense_layer1(x1, g1s[0, :N], g1s[1, :N], din16, dout16, Ws1, bs1,
                         Wc1, bc1, A1_1, b1_1, A2_1, g1, be1, rm1, rv1,
                         D1, d1b, D2, d2b)
    return (logp, att.reshape(N, 3, 1))

# --- scband reference (transcript-rebuilt; emitter-appended) ---
"""Pipeline reference for scband-mgd-11484742550057 (READ-ONLY COPY).

The authoritative reference and input builder live on the scoring server;
editing this copy changes nothing except your own understanding.
"""

import jax, jax.numpy as jnp
import numpy as np

N = 10000
E = 160000
D = 128
H = 128
C = 2
AH = 16

def _p(key, shape):
    return jax.random.normal(key, shape, dtype=jnp.float32) * 0.05

def setup_inputs(seed: int = 0):
    key = jax.random.key(seed)
    ks = jax.random.split(key, 40)
    inp = {}
    inp["node_features"] = jax.random.normal(ks[0], (N, D), dtype=jnp.float32)
    inp["edge_index"] = jax.random.randint(ks[1], (2, E), 0, N, dtype=jnp.int32)
    i = 2
    for l, ind in [(0, D), (1, H)]:
        inp["Ws%d" % l] = _p(ks[i], (H, ind)); i += 1
        inp["bs%d" % l] = jnp.zeros((H,), jnp.float32)
        inp["Wc%d" % l] = _p(ks[i], (H, 2 * ind)); i += 1
        inp["bc%d" % l] = jnp.zeros((H,), jnp.float32)
        inp["A1_%d" % l] = _p(ks[i], (AH, H)); i += 1
        inp["b1_%d" % l] = jnp.zeros((AH,), jnp.float32)
        inp["A2_%d" % l] = _p(ks[i], (1, AH)); i += 1
        inp["g%d" % l] = jnp.ones((H,), jnp.float32)
        inp["be%d" % l] = jnp.zeros((H,), jnp.float32)
        inp["rm%d" % l] = jnp.zeros((H,), jnp.float32)
        inp["rv%d" % l] = jnp.ones((H,), jnp.float32)
    inp["D1"] = _p(ks[i], (H, H)); i += 1
    inp["d1b"] = jnp.zeros((H,), jnp.float32)
    inp["D2"] = _p(ks[i], (C, H)); i += 1
    inp["d2b"] = jnp.zeros((C,), jnp.float32)
    return inp

def _conv(x, src, dst, Ws, bs, Wc, bc, A1, b1, A2):
    n = x.shape[0]
    self_view = x @ Ws.T + bs
    def ctx(s, t):
        # PyG message: x_i = x[target], x_j = x[source]; msg = cat([x_i - x_j, x_j])
        msg = jnp.concatenate([x[t] - x[s], x[s]], axis=-1)
        agg = jax.ops.segment_sum(msg, t, num_segments=n)
        return agg @ Wc.T + bc
    outgoing = ctx(src, dst)
    incoming = ctx(dst, src)
    mv = jnp.stack([self_view, outgoing, incoming], axis=1)
    scores = jnp.tanh(mv @ A1.T + b1) @ A2.T
    w = jnp.tanh(scores)  # activation_type='tanh' for MGD layers
    return (w * mv).sum(axis=1), w

def reference(node_features, edge_index, Ws0, bs0, Wc0, bc0, A1_0, b1_0, A2_0, g0, be0, rm0, rv0, Ws1, bs1, Wc1, bc1, A1_1, b1_1, A2_1, g1, be1, rm1, rv1, D1, d1b, D2, d2b):
    src = edge_index[0]
    dst = edge_index[1]
    x = node_features
    x, att0 = _conv(x, src, dst, Ws0, bs0, Wc0, bc0, A1_0, b1_0, A2_0)
    first_att = jax.lax.stop_gradient(att0)
    x = (x - rm0) / jnp.sqrt(rv0 + 1e-5) * g0 + be0  # BatchNorm1d eval mode
    x = jax.nn.relu(x)
    # dropout is identity in eval mode
    x, _ = _conv(x, src, dst, Ws1, bs1, Wc1, bc1, A1_1, b1_1, A2_1)
    x = (x - rm1) / jnp.sqrt(rv1 + 1e-5) * g1 + be1
    x = jax.nn.relu(x)
    x = jax.nn.relu(x @ D1.T + d1b)
    x = x @ D2.T + d2b
    logp = jax.nn.log_softmax(x, axis=1)
    return (logp, first_att)

if __name__ == "__main__":
    import jax
    _d = setup_inputs()
    print(jax.jit(kernel)(*tuple(_d.values())))

</pallas_src>

<mosaic_0001>
#map = affine_map<(d0, d1) -> (0, 0)>
#map1 = affine_map<(d0, d1) -> (0)>
module attributes {stable_mosaic.version = 14 : i64} {
  func.func @body(%arg0: i32, %arg1: i32, %arg2: memref<10000x128xf32, #tpu.memory_space<hbm>>, %arg3: memref<320000xi32, #tpu.memory_space<hbm>>, %arg4: memref<320000xi32, #tpu.memory_space<hbm>>, %arg5: memref<20480x128xf32, #tpu.memory_space<hbm>>, %arg6: memref<10240x128xf32, #tpu.memory_space<vmem_shared>>, %arg7: memref<16xi32, #tpu.memory_space<vmem>>, %arg8: memref<16xi32, #tpu.memory_space<vmem>>, %arg9: memref<16xi32, #tpu.memory_space<vmem>>, %arg10: memref<16xi32, #tpu.memory_space<vmem>>, %arg11: memref<16x128xf32, #tpu.memory_space<vmem>>, %arg12: memref<16x128xf32, #tpu.memory_space<vmem>>, %arg13: memref<40x128xf32, #tpu.memory_space<vmem>>, %arg14: memref<!tpu.dma_semaphore, #tpu.memory_space<semaphore_mem>>, %arg15: memref<!tpu.dma_semaphore, #tpu.memory_space<semaphore_mem>>) attributes {dimension_semantics = [#tpu.dimension_semantics<core_parallel>, #tpu.dimension_semantics<subcore_parallel>], iteration_bounds = array<i64: 2, 16>, scalar_prefetch = 0 : i64, scratch_operands = 10 : i64, tpu.core_type = #tpu.core_type<sc_vector_subcore>, window_params = [{transform_indices = #map}, {transform_indices = #map1}, {transform_indices = #map1}, {transform_indices = #map}]} {
    %mul3A = arith.constant 640 : i32
    %mul3A_0 = arith.muli %arg1, %mul3A : i32
    %scan3A = arith.constant 0 : i32
    %scan3A_1 = arith.constant 0 : i32
    %scan3A_2 = arith.constant 320 : i32
    %scan3A_3 = arith.addi %scan3A_1, %scan3A_2 : i32
    %scan3A_4 = arith.constant 1 : i32
    scf.for %scan3A_58 = %scan3A_1 to %scan3A_3 step %scan3A_4  : i32 {
      %broadcast_in_dim3A = arith.constant 0.000000e+00 : f32
      %broadcast_in_dim3A_59 = vector.broadcast %broadcast_in_dim3A : f32 to vector<16xf32>
      %jit3A = arith.constant 8 : i32
      %div3A = arith.divsi %scan3A_58, %jit3A : i32
      %sign3A = arith.constant 0 : i32
      %sign3A_60 = arith.cmpi sgt, %scan3A_58, %sign3A : i32
      %sign3A_61 = arith.extui %sign3A_60 : i1 to i32
      %sign3A_62 = arith.constant 0 : i32
      %sign3A_63 = arith.cmpi slt, %scan3A_58, %sign3A_62 : i32
      %sign3A_64 = arith.extui %sign3A_63 : i1 to i32
      %sign3A_65 = arith.subi %sign3A_61, %sign3A_64 : i32
      %sign3A_66 = arith.constant 0 : i32
      %sign3A_67 = arith.cmpi sgt, %jit3A, %sign3A_66 : i32
      %sign3A_68 = arith.extui %sign3A_67 : i1 to i32
      %sign3A_69 = arith.constant 0 : i32
      %sign3A_70 = arith.cmpi slt, %jit3A, %sign3A_69 : i32
      %sign3A_71 = arith.extui %sign3A_70 : i1 to i32
      %sign3A_72 = arith.subi %sign3A_68, %sign3A_71 : i32
      %ne3A = arith.cmpi ne, %sign3A_65, %sign3A_72 : i32
      %rem3A = arith.remsi %scan3A_58, %jit3A : i32
      %ne3A_73 = arith.constant 0 : i32
      %ne3A_74 = arith.cmpi ne, %rem3A, %ne3A_73 : i32
      %and3A = arith.andi %ne3A, %ne3A_74 : i1
      %sub3A = arith.constant 1 : i32
      %sub3A_75 = arith.subi %div3A, %sub3A : i32
      %select_n3A = arith.select %and3A, %sub3A_75, %div3A : i32
      %jit3A_76 = arith.constant 8 : i32
      %eq3A = arith.constant 0 : i32
      %eq3A_77 = arith.cmpi eq, %jit3A_76, %eq3A : i32
      %jit3A_78 = arith.constant 1 : i32
      %select_n3A_79 = arith.select %eq3A_77, %jit3A_78, %jit3A_76 : i32
      %rem3A_80 = arith.remsi %scan3A_58, %select_n3A_79 : i32
      %ne3A_81 = arith.constant 0 : i32
      %ne3A_82 = arith.cmpi ne, %rem3A_80, %ne3A_81 : i32
      %lt3A = arith.constant 0 : i32
      %lt3A_83 = arith.cmpi slt, %rem3A_80, %lt3A : i32
      %lt3A_84 = arith.constant 0 : i32
      %lt3A_85 = arith.cmpi slt, %select_n3A_79, %lt3A_84 : i32
      %ne3A_86 = arith.xori %lt3A_83, %lt3A_85 : i1
      %and3A_87 = arith.andi %ne3A_86, %ne3A_82 : i1
      %add3A_88 = arith.addi %rem3A_80, %select_n3A_79 : i32
      %select_n3A_89 = arith.select %and3A_87, %add3A_88, %rem3A_80 : i32
      %mul3A_90 = arith.constant 16 : i32
      %mul3A_91 = arith.muli %select_n3A_89, %mul3A_90 : i32
      %swap3A = arith.index_cast %select_n3A : i32 to index
      %swap3A_92 = arith.index_cast %mul3A_91 : i32 to index
      %swap3A_93 = tpu.vector_load %arg13[%swap3A, %swap3A_92] {strides = array<i32>} : memref<40x128xf32, #tpu.memory_space<vmem>>, vector<1x16xf32>,
      %swap3A_94 = vector.shape_cast %swap3A_93 : vector<1x16xf32> to vector<16xf32>
      %swap3A_95 = vector.shape_cast %broadcast_in_dim3A_59 : vector<16xf32> to vector<1x16xf32>
      tpu.vector_store %arg13[%swap3A, %swap3A_92], %swap3A_95 {strides = array<i32>} : memref<40x128xf32, #tpu.memory_space<vmem>>, vector<1x16xf32>,
    }
    %scan3A_5 = arith.constant 320 : i32
    %add3A = arith.constant 0 : i32
    %add3A_6 = arith.addi %mul3A_0, %add3A : i32
    "tpu.region"() ({
      %run_scoped3A = tpu.sem_alloc : memref<!tpu.dma_semaphore, #tpu.memory_space<semaphore_mem>>
      %dma_start3A_58 = arith.constant 0 : i32
      %dma_start3A_59 = tpu.memref_slice %arg6[%add3A_6, %dma_start3A_58] : memref<10240x128xf32, #tpu.memory_space<vmem_shared>> -> memref<40x128xf32, #tpu.memory_space<vmem_shared>>
      %dma_start3A_60 = arith.constant 0 : i32
      %dma_start3A_61 = tpu.memref_slice %arg6[%add3A_6, %dma_start3A_60] : memref<10240x128xf32, #tpu.memory_space<vmem_shared>> -> memref<40x128xf32, #tpu.memory_space<vmem_shared>>
      tpu.enqueue_dma source(%arg13 : memref<40x128xf32, #tpu.memory_space<vmem>>) target(%dma_start3A_61 : memref<40x128xf32, #tpu.memory_space<vmem_shared>>) target_semaphore(%run_scoped3A : memref<!tpu.dma_semaphore, #tpu.memory_space<semaphore_mem>>)
      %dma_wait3A_62 = arith.constant 0 : i32
      %dma_wait3A_63 = tpu.memref_slice %arg6[%add3A_6, %dma_wait3A_62] : memref<10240x128xf32, #tpu.memory_space<vmem_shared>> -> memref<40x128xf32, #tpu.memory_space<vmem_shared>>
      %dma_wait3A_64 = arith.constant 0 : i32
      %dma_wait3A_65 = tpu.memref_slice %arg6[%add3A_6, %dma_wait3A_64] : memref<10240x128xf32, #tpu.memory_space<vmem_shared>> -> memref<40x128xf32, #tpu.memory_space<vmem_shared>>
      tpu.wait_dma2 semaphore(%run_scoped3A : memref<!tpu.dma_semaphore, #tpu.memory_space<semaphore_mem>>) src(%arg13 : memref<40x128xf32, #tpu.memory_space<vmem>>) dst(%dma_wait3A_65 : memref<40x128xf32, #tpu.memory_space<vmem_shared>>)
      tpu.yield
    }) : () -> ()
    %add3A_7 = arith.constant 40 : i32
    %add3A_8 = arith.addi %mul3A_0, %add3A_7 : i32
    "tpu.region"() ({
      %run_scoped3A = tpu.sem_alloc : memref<!tpu.dma_semaphore, #tpu.memory_space<semaphore_mem>>
      %dma_start3A_58 = arith.constant 0 : i32
      %dma_start3A_59 = tpu.memref_slice %arg6[%add3A_8, %dma_start3A_58] : memref<10240x128xf32, #tpu.memory_space<vmem_shared>> -> memref<40x128xf32, #tpu.memory_space<vmem_shared>>
      %dma_start3A_60 = arith.constant 0 : i32
      %dma_start3A_61 = tpu.memref_slice %arg6[%add3A_8, %dma_start3A_60] : memref<10240x128xf32, #tpu.memory_space<vmem_shared>> -> memref<40x128xf32, #tpu.memory_space<vmem_shared>>
      tpu.enqueue_dma source(%arg13 : memref<40x128xf32, #tpu.memory_space<vmem>>) target(%dma_start3A_61 : memref<40x128xf32, #tpu.memory_space<vmem_shared>>) target_semaphore(%run_scoped3A : memref<!tpu.dma_semaphore, #tpu.memory_space<semaphore_mem>>)
      %dma_wait3A_62 = arith.constant 0 : i32
      %dma_wait3A_63 = tpu.memref_slice %arg6[%add3A_8, %dma_wait3A_62] : memref<10240x128xf32, #tpu.memory_space<vmem_shared>> -> memref<40x128xf32, #tpu.memory_space<vmem_shared>>
      %dma_wait3A_64 = arith.constant 0 : i32
      %dma_wait3A_65 = tpu.memref_slice %arg6[%add3A_8, %dma_wait3A_64] : memref<10240x128xf32, #tpu.memory_space<vmem_shared>> -> memref<40x128xf32, #tpu.memory_space<vmem_shared>>
      tpu.wait_dma2 semaphore(%run_scoped3A : memref<!tpu.dma_semaphore, #tpu.memory_space<semaphore_mem>>) src(%arg13 : memref<40x128xf32, #tpu.memory_space<vmem>>) dst(%dma_wait3A_65 : memref<40x128xf32, #tpu.memory_space<vmem_shared>>)
      tpu.yield
    }) : () -> ()
    %add3A_9 = arith.constant 80 : i32
    %add3A_10 = arith.addi %mul3A_0, %add3A_9 : i32
    "tpu.region"() ({
      %run_scoped3A = tpu.sem_alloc : memref<!tpu.dma_semaphore, #tpu.memory_space<semaphore_mem>>
      %dma_start3A_58 = arith.constant 0 : i32
      %dma_start3A_59 = tpu.memref_slice %arg6[%add3A_10, %dma_start3A_58] : memref<10240x128xf32, #tpu.memory_space<vmem_shared>> -> memref<40x128xf32, #tpu.memory_space<vmem_shared>>
      %dma_start3A_60 = arith.constant 0 : i32
      %dma_start3A_61 = tpu.memref_slice %arg6[%add3A_10, %dma_start3A_60] : memref<10240x128xf32, #tpu.memory_space<vmem_shared>> -> memref<40x128xf32, #tpu.memory_space<vmem_shared>>
      tpu.enqueue_dma source(%arg13 : memref<40x128xf32, #tpu.memory_space<vmem>>) target(%dma_start3A_61 : memref<40x128xf32, #tpu.memory_space<vmem_shared>>) target_semaphore(%run_scoped3A : memref<!tpu.dma_semaphore, #tpu.memory_space<semaphore_mem>>)
      %dma_wait3A_62 = arith.constant 0 : i32
      %dma_wait3A_63 = tpu.memref_slice %arg6[%add3A_10, %dma_wait3A_62] : memref<10240x128xf32, #tpu.memory_space<vmem_shared>> -> memref<40x128xf32, #tpu.memory_space<vmem_shared>>
      %dma_wait3A_64 = arith.constant 0 : i32
      %dma_wait3A_65 = tpu.memref_slice %arg6[%add3A_10, %dma_wait3A_64] : memref<10240x128xf32, #tpu.memory_space<vmem_shared>> -> memref<40x128xf32, #tpu.memory_space<vmem_shared>>
      tpu.wait_dma2 semaphore(%run_scoped3A : memref<!tpu.dma_semaphore, #tpu.memory_space<semaphore_mem>>) src(%arg13 : memref<40x128xf32, #tpu.memory_space<vmem>>) dst(%dma_wait3A_65 : memref<40x128xf32, #tpu.memory_space<vmem_shared>>)
      tpu.yield
    }) : () -> ()
    %add3A_11 = arith.constant 120 : i32
    %add3A_12 = arith.addi %mul3A_0, %add3A_11 : i32
    "tpu.region"() ({
      %run_scoped3A = tpu.sem_alloc : memref<!tpu.dma_semaphore, #tpu.memory_space<semaphore_mem>>
      %dma_start3A_58 = arith.constant 0 : i32
      %dma_start3A_59 = tpu.memref_slice %arg6[%add3A_12, %dma_start3A_58] : memref<10240x128xf32, #tpu.memory_space<vmem_shared>> -> memref<40x128xf32, #tpu.memory_space<vmem_shared>>
      %dma_start3A_60 = arith.constant 0 : i32
      %dma_start3A_61 = tpu.memref_slice %arg6[%add3A_12, %dma_start3A_60] : memref<10240x128xf32, #tpu.memory_space<vmem_shared>> -> memref<40x128xf32, #tpu.memory_space<vmem_shared>>
      tpu.enqueue_dma source(%arg13 : memref<40x128xf32, #tpu.memory_space<vmem>>) target(%dma_start3A_61 : memref<40x128xf32, #tpu.memory_space<vmem_shared>>) target_semaphore(%run_scoped3A : memref<!tpu.dma_semaphore, #tpu.memory_space<semaphore_mem>>)
      %dma_wait3A_62 = arith.constant 0 : i32
      %dma_wait3A_63 = tpu.memref_slice %arg6[%add3A_12, %dma_wait3A_62] : memref<10240x128xf32, #tpu.memory_space<vmem_shared>> -> memref<40x128xf32, #tpu.memory_space<vmem_shared>>
      %dma_wait3A_64 = arith.constant 0 : i32
      %dma_wait3A_65 = tpu.memref_slice %arg6[%add3A_12, %dma_wait3A_64] : memref<10240x128xf32, #tpu.memory_space<vmem_shared>> -> memref<40x128xf32, #tpu.memory_space<vmem_shared>>
      tpu.wait_dma2 semaphore(%run_scoped3A : memref<!tpu.dma_semaphore, #tpu.memory_space<semaphore_mem>>) src(%arg13 : memref<40x128xf32, #tpu.memory_space<vmem>>) dst(%dma_wait3A_65 : memref<40x128xf32, #tpu.memory_space<vmem_shared>>)
      tpu.yield
    }) : () -> ()
    %add3A_13 = arith.constant 160 : i32
    %add3A_14 = arith.addi %mul3A_0, %add3A_13 : i32
    "tpu.region"() ({
      %run_scoped3A = tpu.sem_alloc : memref<!tpu.dma_semaphore, #tpu.memory_space<semaphore_mem>>
      %dma_start3A_58 = arith.constant 0 : i32
      %dma_start3A_59 = tpu.memref_slice %arg6[%add3A_14, %dma_start3A_58] : memref<10240x128xf32, #tpu.memory_space<vmem_shared>> -> memref<40x128xf32, #tpu.memory_space<vmem_shared>>
      %dma_start3A_60 = arith.constant 0 : i32
      %dma_start3A_61 = tpu.memref_slice %arg6[%add3A_14, %dma_start3A_60] : memref<10240x128xf32, #tpu.memory_space<vmem_shared>> -> memref<40x128xf32, #tpu.memory_space<vmem_shared>>
      tpu.enqueue_dma source(%arg13 : memref<40x128xf32, #tpu.memory_space<vmem>>) target(%dma_start3A_61 : memref<40x128xf32, #tpu.memory_space<vmem_shared>>) target_semaphore(%run_scoped3A : memref<!tpu.dma_semaphore, #tpu.memory_space<semaphore_mem>>)
      %dma_wait3A_62 = arith.constant 0 : i32
      %dma_wait3A_63 = tpu.memref_slice %arg6[%add3A_14, %dma_wait3A_62] : memref<10240x128xf32, #tpu.memory_space<vmem_shared>> -> memref<40x128xf32, #tpu.memory_space<vmem_shared>>
      %dma_wait3A_64 = arith.constant 0 : i32
      %dma_wait3A_65 = tpu.memref_slice %arg6[%add3A_14, %dma_wait3A_64] : memref<10240x128xf32, #tpu.memory_space<vmem_shared>> -> memref<40x128xf32, #tpu.memory_space<vmem_shared>>
      tpu.wait_dma2 semaphore(%run_scoped3A : memref<!tpu.dma_semaphore, #tpu.memory_space<semaphore_mem>>) src(%arg13 : memref<40x128xf32, #tpu.memory_space<vmem>>) dst(%dma_wait3A_65 : memref<40x128xf32, #tpu.memory_space<vmem_shared>>)
      tpu.yield
    }) : () -> ()
    %add3A_15 = arith.constant 200 : i32
    %add3A_16 = arith.addi %mul3A_0, %add3A_15 : i32
    "tpu.region"() ({
      %run_scoped3A = tpu.sem_alloc : memref<!tpu.dma_semaphore, #tpu.memory_space<semaphore_mem>>
      %dma_start3A_58 = arith.constant 0 : i32
      %dma_start3A_59 = tpu.memref_slice %arg6[%add3A_16, %dma_start3A_58] : memref<10240x128xf32, #tpu.memory_space<vmem_shared>> -> memref<40x128xf32, #tpu.memory_space<vmem_shared>>
      %dma_start3A_60 = arith.constant 0 : i32
      %dma_start3A_61 = tpu.memref_slice %arg6[%add3A_16, %dma_start3A_60] : memref<10240x128xf32, #tpu.memory_space<vmem_shared>> -> memref<40x128xf32, #tpu.memory_space<vmem_shared>>
      tpu.enqueue_dma source(%arg13 : memref<40x128xf32, #tpu.memory_space<vmem>>) target(%dma_start3A_61 : memref<40x128xf32, #tpu.memory_space<vmem_shared>>) target_semaphore(%run_scoped3A : memref<!tpu.dma_semaphore, #tpu.memory_space<semaphore_mem>>)
      %dma_wait3A_62 = arith.constant 0 : i32
      %dma_wait3A_63 = tpu.memref_slice %arg6[%add3A_16, %dma_wait3A_62] : memref<10240x128xf32, #tpu.memory_space<vmem_shared>> -> memref<40x128xf32, #tpu.memory_space<vmem_shared>>
      %dma_wait3A_64 = arith.constant 0 : i32
      %dma_wait3A_65 = tpu.memref_slice %arg6[%add3A_16, %dma_wait3A_64] : memref<10240x128xf32, #tpu.memory_space<vmem_shared>> -> memref<40x128xf32, #tpu.memory_space<vmem_shared>>
      tpu.wait_dma2 semaphore(%run_scoped3A : memref<!tpu.dma_semaphore, #tpu.memory_space<semaphore_mem>>) src(%arg13 : memref<40x128xf32, #tpu.memory_space<vmem>>) dst(%dma_wait3A_65 : memref<40x128xf32, #tpu.memory_space<vmem_shared>>)
      tpu.yield
    }) : () -> ()
    %add3A_17 = arith.constant 240 : i32
    %add3A_18 = arith.addi %mul3A_0, %add3A_17 : i32
    "tpu.region"() ({
      %run_scoped3A = tpu.sem_alloc : memref<!tpu.dma_semaphore, #tpu.memory_space<semaphore_mem>>
      %dma_start3A_58 = arith.constant 0 : i32
      %dma_start3A_59 = tpu.memref_slice %arg6[%add3A_18, %dma_start3A_58] : memref<10240x128xf32, #tpu.memory_space<vmem_shared>> -> memref<40x128xf32, #tpu.memory_space<vmem_shared>>
      %dma_start3A_60 = arith.constant 0 : i32
      %dma_start3A_61 = tpu.memref_slice %arg6[%add3A_18, %dma_start3A_60] : memref<10240x128xf32, #tpu.memory_space<vmem_shared>> -> memref<40x128xf32, #tpu.memory_space<vmem_shared>>
      tpu.enqueue_dma source(%arg13 : memref<40x128xf32, #tpu.memory_space<vmem>>) target(%dma_start3A_61 : memref<40x128xf32, #tpu.memory_space<vmem_shared>>) target_semaphore(%run_scoped3A : memref<!tpu.dma_semaphore, #tpu.memory_space<semaphore_mem>>)
      %dma_wait3A_62 = arith.constant 0 : i32
      %dma_wait3A_63 = tpu.memref_slice %arg6[%add3A_18, %dma_wait3A_62] : memref<10240x128xf32, #tpu.memory_space<vmem_shared>> -> memref<40x128xf32, #tpu.memory_space<vmem_shared>>
      %dma_wait3A_64 = arith.constant 0 : i32
      %dma_wait3A_65 = tpu.memref_slice %arg6[%add3A_18, %dma_wait3A_64] : memref<10240x128xf32, #tpu.memory_space<vmem_shared>> -> memref<40x128xf32, #tpu.memory_space<vmem_shared>>
      tpu.wait_dma2 semaphore(%run_scoped3A : memref<!tpu.dma_semaphore, #tpu.memory_space<semaphore_mem>>) src(%arg13 : memref<40x128xf32, #tpu.memory_space<vmem>>) dst(%dma_wait3A_65 : memref<40x128xf32, #tpu.memory_space<vmem_shared>>)
      tpu.yield
    }) : () -> ()
    %add3A_19 = arith.constant 280 : i32
    %add3A_20 = arith.addi %mul3A_0, %add3A_19 : i32
    "tpu.region"() ({
      %run_scoped3A = tpu.sem_alloc : memref<!tpu.dma_semaphore, #tpu.memory_space<semaphore_mem>>
      %dma_start3A_58 = arith.constant 0 : i32
      %dma_start3A_59 = tpu.memref_slice %arg6[%add3A_20, %dma_start3A_58] : memref<10240x128xf32, #tpu.memory_space<vmem_shared>> -> memref<40x128xf32, #tpu.memory_space<vmem_shared>>
      %dma_start3A_60 = arith.constant 0 : i32
      %dma_start3A_61 = tpu.memref_slice %arg6[%add3A_20, %dma_start3A_60] : memref<10240x128xf32, #tpu.memory_space<vmem_shared>> -> memref<40x128xf32, #tpu.memory_space<vmem_shared>>
      tpu.enqueue_dma source(%arg13 : memref<40x128xf32, #tpu.memory_space<vmem>>) target(%dma_start3A_61 : memref<40x128xf32, #tpu.memory_space<vmem_shared>>) target_semaphore(%run_scoped3A : memref<!tpu.dma_semaphore, #tpu.memory_space<semaphore_mem>>)
      %dma_wait3A_62 = arith.constant 0 : i32
      %dma_wait3A_63 = tpu.memref_slice %arg6[%add3A_20, %dma_wait3A_62] : memref<10240x128xf32, #tpu.memory_space<vmem_shared>> -> memref<40x128xf32, #tpu.memory_space<vmem_shared>>
      %dma_wait3A_64 = arith.constant 0 : i32
      %dma_wait3A_65 = tpu.memref_slice %arg6[%add3A_20, %dma_wait3A_64] : memref<10240x128xf32, #tpu.memory_space<vmem_shared>> -> memref<40x128xf32, #tpu.memory_space<vmem_shared>>
      tpu.wait_dma2 semaphore(%run_scoped3A : memref<!tpu.dma_semaphore, #tpu.memory_space<semaphore_mem>>) src(%arg13 : memref<40x128xf32, #tpu.memory_space<vmem>>) dst(%dma_wait3A_65 : memref<40x128xf32, #tpu.memory_space<vmem_shared>>)
      tpu.yield
    }) : () -> ()
    %add3A_21 = arith.constant 320 : i32
    %add3A_22 = arith.addi %mul3A_0, %add3A_21 : i32
    "tpu.region"() ({
      %run_scoped3A = tpu.sem_alloc : memref<!tpu.dma_semaphore, #tpu.memory_space<semaphore_mem>>
      %dma_start3A_58 = arith.constant 0 : i32
      %dma_start3A_59 = tpu.memref_slice %arg6[%add3A_22, %dma_start3A_58] : memref<10240x128xf32, #tpu.memory_space<vmem_shared>> -> memref<40x128xf32, #tpu.memory_space<vmem_shared>>
      %dma_start3A_60 = arith.constant 0 : i32
      %dma_start3A_61 = tpu.memref_slice %arg6[%add3A_22, %dma_start3A_60] : memref<10240x128xf32, #tpu.memory_space<vmem_shared>> -> memref<40x128xf32, #tpu.memory_space<vmem_shared>>
      tpu.enqueue_dma source(%arg13 : memref<40x128xf32, #tpu.memory_space<vmem>>) target(%dma_start3A_61 : memref<40x128xf32, #tpu.memory_space<vmem_shared>>) target_semaphore(%run_scoped3A : memref<!tpu.dma_semaphore, #tpu.memory_space<semaphore_mem>>)
      %dma_wait3A_62 = arith.constant 0 : i32
      %dma_wait3A_63 = tpu.memref_slice %arg6[%add3A_22, %dma_wait3A_62] : memref<10240x128xf32, #tpu.memory_space<vmem_shared>> -> memref<40x128xf32, #tpu.memory_space<vmem_shared>>
      %dma_wait3A_64 = arith.constant 0 : i32
      %dma_wait3A_65 = tpu.memref_slice %arg6[%add3A_22, %dma_wait3A_64] : memref<10240x128xf32, #tpu.memory_space<vmem_shared>> -> memref<40x128xf32, #tpu.memory_space<vmem_shared>>
      tpu.wait_dma2 semaphore(%run_scoped3A : memref<!tpu.dma_semaphore, #tpu.memory_space<semaphore_mem>>) src(%arg13 : memref<40x128xf32, #tpu.memory_space<vmem>>) dst(%dma_wait3A_65 : memref<40x128xf32, #tpu.memory_space<vmem_shared>>)
      tpu.yield
    }) : () -> ()
    %add3A_23 = arith.constant 360 : i32
    %add3A_24 = arith.addi %mul3A_0, %add3A_23 : i32
    "tpu.region"() ({
      %run_scoped3A = tpu.sem_alloc : memref<!tpu.dma_semaphore, #tpu.memory_space<semaphore_mem>>
      %dma_start3A_58 = arith.constant 0 : i32
      %dma_start3A_59 = tpu.memref_slice %arg6[%add3A_24, %dma_start3A_58] : memref<10240x128xf32, #tpu.memory_space<vmem_shared>> -> memref<40x128xf32, #tpu.memory_space<vmem_shared>>
      %dma_start3A_60 = arith.constant 0 : i32
      %dma_start3A_61 = tpu.memref_slice %arg6[%add3A_24, %dma_start3A_60] : memref<10240x128xf32, #tpu.memory_space<vmem_shared>> -> memref<40x128xf32, #tpu.memory_space<vmem_shared>>
      tpu.enqueue_dma source(%arg13 : memref<40x128xf32, #tpu.memory_space<vmem>>) target(%dma_start3A_61 : memref<40x128xf32, #tpu.memory_space<vmem_shared>>) target_semaphore(%run_scoped3A : memref<!tpu.dma_semaphore, #tpu.memory_space<semaphore_mem>>)
      %dma_wait3A_62 = arith.constant 0 : i32
      %dma_wait3A_63 = tpu.memref_slice %arg6[%add3A_24, %dma_wait3A_62] : memref<10240x128xf32, #tpu.memory_space<vmem_shared>> -> memref<40x128xf32, #tpu.memory_space<vmem_shared>>
      %dma_wait3A_64 = arith.constant 0 : i32
      %dma_wait3A_65 = tpu.memref_slice %arg6[%add3A_24, %dma_wait3A_64] : memref<10240x128xf32, #tpu.memory_space<vmem_shared>> -> memref<40x128xf32, #tpu.memory_space<vmem_shared>>
      tpu.wait_dma2 semaphore(%run_scoped3A : memref<!tpu.dma_semaphore, #tpu.memory_space<semaphore_mem>>) src(%arg13 : memref<40x128xf32, #tpu.memory_space<vmem>>) dst(%dma_wait3A_65 : memref<40x128xf32, #tpu.memory_space<vmem_shared>>)
      tpu.yield
    }) : () -> ()
    %add3A_25 = arith.constant 400 : i32
    %add3A_26 = arith.addi %mul3A_0, %add3A_25 : i32
    "tpu.region"() ({
      %run_scoped3A = tpu.sem_alloc : memref<!tpu.dma_semaphore, #tpu.memory_space<semaphore_mem>>
      %dma_start3A_58 = arith.constant 0 : i32
      %dma_start3A_59 = tpu.memref_slice %arg6[%add3A_26, %dma_start3A_58] : memref<10240x128xf32, #tpu.memory_space<vmem_shared>> -> memref<40x128xf32, #tpu.memory_space<vmem_shared>>
      %dma_start3A_60 = arith.constant 0 : i32
      %dma_start3A_61 = tpu.memref_slice %arg6[%add3A_26, %dma_start3A_60] : memref<10240x128xf32, #tpu.memory_space<vmem_shared>> -> memref<40x128xf32, #tpu.memory_space<vmem_shared>>
      tpu.enqueue_dma source(%arg13 : memref<40x128xf32, #tpu.memory_space<vmem>>) target(%dma_start3A_61 : memref<40x128xf32, #tpu.memory_space<vmem_shared>>) target_semaphore(%run_scoped3A : memref<!tpu.dma_semaphore, #tpu.memory_space<semaphore_mem>>)
      %dma_wait3A_62 = arith.constant 0 : i32
      %dma_wait3A_63 = tpu.memref_slice %arg6[%add3A_26, %dma_wait3A_62] : memref<10240x128xf32, #tpu.memory_space<vmem_shared>> -> memref<40x128xf32, #tpu.memory_space<vmem_shared>>
      %dma_wait3A_64 = arith.constant 0 : i32
      %dma_wait3A_65 = tpu.memref_slice %arg6[%add3A_26, %dma_wait3A_64] : memref<10240x128xf32, #tpu.memory_space<vmem_shared>> -> memref<40x128xf32, #tpu.memory_space<vmem_shared>>
      tpu.wait_dma2 semaphore(%run_scoped3A : memref<!tpu.dma_semaphore, #tpu.memory_space<semaphore_mem>>) src(%arg13 : memref<40x128xf32, #tpu.memory_space<vmem>>) dst(%dma_wait3A_65 : memref<40x128xf32, #tpu.memory_space<vmem_shared>>)
      tpu.yield
    }) : () -> ()
    %add3A_27 = arith.constant 440 : i32
    %add3A_28 = arith.addi %mul3A_0, %add3A_27 : i32
    "tpu.region"() ({
      %run_scoped3A = tpu.sem_alloc : memref<!tpu.dma_semaphore, #tpu.memory_space<semaphore_mem>>
      %dma_start3A_58 = arith.constant 0 : i32
      %dma_start3A_59 = tpu.memref_slice %arg6[%add3A_28, %dma_start3A_58] : memref<10240x128xf32, #tpu.memory_space<vmem_shared>> -> memref<40x128xf32, #tpu.memory_space<vmem_shared>>
      %dma_start3A_60 = arith.constant 0 : i32
      %dma_start3A_61 = tpu.memref_slice %arg6[%add3A_28, %dma_start3A_60] : memref<10240x128xf32, #tpu.memory_space<vmem_shared>> -> memref<40x128xf32, #tpu.memory_space<vmem_shared>>
      tpu.enqueue_dma source(%arg13 : memref<40x128xf32, #tpu.memory_space<vmem>>) target(%dma_start3A_61 : memref<40x128xf32, #tpu.memory_space<vmem_shared>>) target_semaphore(%run_scoped3A : memref<!tpu.dma_semaphore, #tpu.memory_space<semaphore_mem>>)
      %dma_wait3A_62 = arith.constant 0 : i32
      %dma_wait3A_63 = tpu.memref_slice %arg6[%add3A_28, %dma_wait3A_62] : memref<10240x128xf32, #tpu.memory_space<vmem_shared>> -> memref<40x128xf32, #tpu.memory_space<vmem_shared>>
      %dma_wait3A_64 = arith.constant 0 : i32
      %dma_wait3A_65 = tpu.memref_slice %arg6[%add3A_28, %dma_wait3A_64] : memref<10240x128xf32, #tpu.memory_space<vmem_shared>> -> memref<40x128xf32, #tpu.memory_space<vmem_shared>>
      tpu.wait_dma2 semaphore(%run_scoped3A : memref<!tpu.dma_semaphore, #tpu.memory_space<semaphore_mem>>) src(%arg13 : memref<40x128xf32, #tpu.memory_space<vmem>>) dst(%dma_wait3A_65 : memref<40x128xf32, #tpu.memory_space<vmem_shared>>)
      tpu.yield
    }) : () -> ()
    %add3A_29 = arith.constant 480 : i32
    %add3A_30 = arith.addi %mul3A_0, %add3A_29 : i32
    "tpu.region"() ({
      %run_scoped3A = tpu.sem_alloc : memref<!tpu.dma_semaphore, #tpu.memory_space<semaphore_mem>>
      %dma_start3A_58 = arith.constant 0 : i32
      %dma_start3A_59 = tpu.memref_slice %arg6[%add3A_30, %dma_start3A_58] : memref<10240x128xf32, #tpu.memory_space<vmem_shared>> -> memref<40x128xf32, #tpu.memory_space<vmem_shared>>
      %dma_start3A_60 = arith.constant 0 : i32
      %dma_start3A_61 = tpu.memref_slice %arg6[%add3A_30, %dma_start3A_60] : memref<10240x128xf32, #tpu.memory_space<vmem_shared>> -> memref<40x128xf32, #tpu.memory_space<vmem_shared>>
      tpu.enqueue_dma source(%arg13 : memref<40x128xf32, #tpu.memory_space<vmem>>) target(%dma_start3A_61 : memref<40x128xf32, #tpu.memory_space<vmem_shared>>) target_semaphore(%run_scoped3A : memref<!tpu.dma_semaphore, #tpu.memory_space<semaphore_mem>>)
      %dma_wait3A_62 = arith.constant 0 : i32
      %dma_wait3A_63 = tpu.memref_slice %arg6[%add3A_30, %dma_wait3A_62] : memref<10240x128xf32, #tpu.memory_space<vmem_shared>> -> memref<40x128xf32, #tpu.memory_space<vmem_shared>>
      %dma_wait3A_64 = arith.constant 0 : i32
      %dma_wait3A_65 = tpu.memref_slice %arg6[%add3A_30, %dma_wait3A_64] : memref<10240x128xf32, #tpu.memory_space<vmem_shared>> -> memref<40x128xf32, #tpu.memory_space<vmem_shared>>
      tpu.wait_dma2 semaphore(%run_scoped3A : memref<!tpu.dma_semaphore, #tpu.memory_space<semaphore_mem>>) src(%arg13 : memref<40x128xf32, #tpu.memory_space<vmem>>) dst(%dma_wait3A_65 : memref<40x128xf32, #tpu.memory_space<vmem_shared>>)
      tpu.yield
    }) : () -> ()
    %add3A_31 = arith.constant 520 : i32
    %add3A_32 = arith.addi %mul3A_0, %add3A_31 : i32
    "tpu.region"() ({
      %run_scoped3A = tpu.sem_alloc : memref<!tpu.dma_semaphore, #tpu.memory_space<semaphore_mem>>
      %dma_start3A_58 = arith.constant 0 : i32
      %dma_start3A_59 = tpu.memref_slice %arg6[%add3A_32, %dma_start3A_58] : memref<10240x128xf32, #tpu.memory_space<vmem_shared>> -> memref<40x128xf32, #tpu.memory_space<vmem_shared>>
      %dma_start3A_60 = arith.constant 0 : i32
      %dma_start3A_61 = tpu.memref_slice %arg6[%add3A_32, %dma_start3A_60] : memref<10240x128xf32, #tpu.memory_space<vmem_shared>> -> memref<40x128xf32, #tpu.memory_space<vmem_shared>>
      tpu.enqueue_dma source(%arg13 : memref<40x128xf32, #tpu.memory_space<vmem>>) target(%dma_start3A_61 : memref<40x128xf32, #tpu.memory_space<vmem_shared>>) target_semaphore(%run_scoped3A : memref<!tpu.dma_semaphore, #tpu.memory_space<semaphore_mem>>)
      %dma_wait3A_62 = arith.constant 0 : i32
      %dma_wait3A_63 = tpu.memref_slice %arg6[%add3A_32, %dma_wait3A_62] : memref<10240x128xf32, #tpu.memory_space<vmem_shared>> -> memref<40x128xf32, #tpu.memory_space<vmem_shared>>
      %dma_wait3A_64 = arith.constant 0 : i32
      %dma_wait3A_65 = tpu.memref_slice %arg6[%add3A_32, %dma_wait3A_64] : memref<10240x128xf32, #tpu.memory_space<vmem_shared>> -> memref<40x128xf32, #tpu.memory_space<vmem_shared>>
      tpu.wait_dma2 semaphore(%run_scoped3A : memref<!tpu.dma_semaphore, #tpu.memory_space<semaphore_mem>>) src(%arg13 : memref<40x128xf32, #tpu.memory_space<vmem>>) dst(%dma_wait3A_65 : memref<40x128xf32, #tpu.memory_space<vmem_shared>>)
      tpu.yield
    }) : () -> ()
    %add3A_33 = arith.constant 560 : i32
    %add3A_34 = arith.addi %mul3A_0, %add3A_33 : i32
    "tpu.region"() ({
      %run_scoped3A = tpu.sem_alloc : memref<!tpu.dma_semaphore, #tpu.memory_space<semaphore_mem>>
      %dma_start3A_58 = arith.constant 0 : i32
      %dma_start3A_59 = tpu.memref_slice %arg6[%add3A_34, %dma_start3A_58] : memref<10240x128xf32, #tpu.memory_space<vmem_shared>> -> memref<40x128xf32, #tpu.memory_space<vmem_shared>>
      %dma_start3A_60 = arith.constant 0 : i32
      %dma_start3A_61 = tpu.memref_slice %arg6[%add3A_34, %dma_start3A_60] : memref<10240x128xf32, #tpu.memory_space<vmem_shared>> -> memref<40x128xf32, #tpu.memory_space<vmem_shared>>
      tpu.enqueue_dma source(%arg13 : memref<40x128xf32, #tpu.memory_space<vmem>>) target(%dma_start3A_61 : memref<40x128xf32, #tpu.memory_space<vmem_shared>>) target_semaphore(%run_scoped3A : memref<!tpu.dma_semaphore, #tpu.memory_space<semaphore_mem>>)
      %dma_wait3A_62 = arith.constant 0 : i32
      %dma_wait3A_63 = tpu.memref_slice %arg6[%add3A_34, %dma_wait3A_62] : memref<10240x128xf32, #tpu.memory_space<vmem_shared>> -> memref<40x128xf32, #tpu.memory_space<vmem_shared>>
      %dma_wait3A_64 = arith.constant 0 : i32
      %dma_wait3A_65 = tpu.memref_slice %arg6[%add3A_34, %dma_wait3A_64] : memref<10240x128xf32, #tpu.memory_space<vmem_shared>> -> memref<40x128xf32, #tpu.memory_space<vmem_shared>>
      tpu.wait_dma2 semaphore(%run_scoped3A : memref<!tpu.dma_semaphore, #tpu.memory_space<semaphore_mem>>) src(%arg13 : memref<40x128xf32, #tpu.memory_space<vmem>>) dst(%dma_wait3A_65 : memref<40x128xf32, #tpu.memory_space<vmem_shared>>)
      tpu.yield
    }) : () -> ()
    %add3A_35 = arith.constant 600 : i32
    %add3A_36 = arith.addi %mul3A_0, %add3A_35 : i32
    "tpu.region"() ({
      %run_scoped3A = tpu.sem_alloc : memref<!tpu.dma_semaphore, #tpu.memory_space<semaphore_mem>>
      %dma_start3A_58 = arith.constant 0 : i32
      %dma_start3A_59 = tpu.memref_slice %arg6[%add3A_36, %dma_start3A_58] : memref<10240x128xf32, #tpu.memory_space<vmem_shared>> -> memref<40x128xf32, #tpu.memory_space<vmem_shared>>
      %dma_start3A_60 = arith.constant 0 : i32
      %dma_start3A_61 = tpu.memref_slice %arg6[%add3A_36, %dma_start3A_60] : memref<10240x128xf32, #tpu.memory_space<vmem_shared>> -> memref<40x128xf32, #tpu.memory_space<vmem_shared>>
      tpu.enqueue_dma source(%arg13 : memref<40x128xf32, #tpu.memory_space<vmem>>) target(%dma_start3A_61 : memref<40x128xf32, #tpu.memory_space<vmem_shared>>) target_semaphore(%run_scoped3A : memref<!tpu.dma_semaphore, #tpu.memory_space<semaphore_mem>>)
      %dma_wait3A_62 = arith.constant 0 : i32
      %dma_wait3A_63 = tpu.memref_slice %arg6[%add3A_36, %dma_wait3A_62] : memref<10240x128xf32, #tpu.memory_space<vmem_shared>> -> memref<40x128xf32, #tpu.memory_space<vmem_shared>>
      %dma_wait3A_64 = arith.constant 0 : i32
      %dma_wait3A_65 = tpu.memref_slice %arg6[%add3A_36, %dma_wait3A_64] : memref<10240x128xf32, #tpu.memory_space<vmem_shared>> -> memref<40x128xf32, #tpu.memory_space<vmem_shared>>
      tpu.wait_dma2 semaphore(%run_scoped3A : memref<!tpu.dma_semaphore, #tpu.memory_space<semaphore_mem>>) src(%arg13 : memref<40x128xf32, #tpu.memory_space<vmem>>) dst(%dma_wait3A_65 : memref<40x128xf32, #tpu.memory_space<vmem_shared>>)
      tpu.yield
    }) : () -> ()
    %barrier3A = arith.constant 0 : index
    tpu.barrier barrier_id(%barrier3A)
    %mul3A_37 = arith.constant 160000 : i32
    %mul3A_38 = arith.muli %arg0, %mul3A_37 : i32
    %mul3A_39 = arith.constant 10000 : i32
    %mul3A_40 = arith.muli %arg1, %mul3A_39 : i32
    %add3A_41 = arith.addi %mul3A_38, %mul3A_40 : i32
    %add3A_42 = arith.constant 0 : i32
    %add3A_43 = arith.addi %add3A_41, %add3A_42 : i32
    "tpu.region"() ({
      %run_scoped3A = tpu.sem_alloc : memref<!tpu.dma_semaphore, #tpu.memory_space<semaphore_mem>>
      %dma_start3A_58 = tpu.memref_slice %arg3[%add3A_43] : memref<320000xi32, #tpu.memory_space<hbm>> -> memref<16xi32, #tpu.memory_space<hbm>>
      %dma_start3A_59 = tpu.memref_slice %arg3[%add3A_43] : memref<320000xi32, #tpu.memory_space<hbm>> -> memref<16xi32, #tpu.memory_space<hbm>>
      tpu.enqueue_dma source(%dma_start3A_59 : memref<16xi32, #tpu.memory_space<hbm>>) target(%arg7 : memref<16xi32, #tpu.memory_space<vmem>>) target_semaphore(%run_scoped3A : memref<!tpu.dma_semaphore, #tpu.memory_space<semaphore_mem>>)
      %dma_wait3A_60 = tpu.memref_slice %arg3[%add3A_43] : memref<320000xi32, #tpu.memory_space<hbm>> -> memref<16xi32, #tpu.memory_space<hbm>>
      %dma_wait3A_61 = tpu.memref_slice %arg3[%add3A_43] : memref<320000xi32, #tpu.memory_space<hbm>> -> memref<16xi32, #tpu.memory_space<hbm>>
      tpu.wait_dma2 semaphore(%run_scoped3A : memref<!tpu.dma_semaphore, #tpu.memory_space<semaphore_mem>>) src(%dma_wait3A_61 : memref<16xi32, #tpu.memory_space<hbm>>) dst(%arg7 : memref<16xi32, #tpu.memory_space<vmem>>)
      tpu.yield
    }) : () -> ()
    "tpu.region"() ({
      %run_scoped3A = tpu.sem_alloc : memref<!tpu.dma_semaphore, #tpu.memory_space<semaphore_mem>>
      %dma_start3A_58 = tpu.memref_slice %arg4[%add3A_43] : memref<320000xi32, #tpu.memory_space<hbm>> -> memref<16xi32, #tpu.memory_space<hbm>>
      %dma_start3A_59 = tpu.memref_slice %arg4[%add3A_43] : memref<320000xi32, #tpu.memory_space<hbm>> -> memref<16xi32, #tpu.memory_space<hbm>>
      tpu.enqueue_dma source(%dma_start3A_59 : memref<16xi32, #tpu.memory_space<hbm>>) target(%arg8 : memref<16xi32, #tpu.memory_space<vmem>>) target_semaphore(%run_scoped3A : memref<!tpu.dma_semaphore, #tpu.memory_space<semaphore_mem>>)
      %dma_wait3A_60 = tpu.memref_slice %arg4[%add3A_43] : memref<320000xi32, #tpu.memory_space<hbm>> -> memref<16xi32, #tpu.memory_space<hbm>>
      %dma_wait3A_61 = tpu.memref_slice %arg4[%add3A_43] : memref<320000xi32, #tpu.memory_space<hbm>> -> memref<16xi32, #tpu.memory_space<hbm>>
      tpu.wait_dma2 semaphore(%run_scoped3A : memref<!tpu.dma_semaphore, #tpu.memory_space<semaphore_mem>>) src(%dma_wait3A_61 : memref<16xi32, #tpu.memory_space<hbm>>) dst(%arg8 : memref<16xi32, #tpu.memory_space<vmem>>)
      tpu.yield
    }) : () -> ()
    %dma_start3A = arith.constant 0 : i32
    %dma_start3A_44 = arith.constant 0 : i32
    %dma_start3A_45 = tpu.memref_slice %arg2[%dma_start3A, %dma_start3A_44] : memref<10000x128xf32, #tpu.memory_space<hbm>> -> memref<10000x128xf32, #tpu.memory_space<hbm>>
    tpu.enqueue_indirect_dma source(%dma_start3A_45 : memref<10000x128xf32, #tpu.memory_space<hbm>>) target(%arg11 : memref<16x128xf32, #tpu.memory_space<vmem>>) offsets(%arg7 : memref<16xi32, #tpu.memory_space<vmem>>) semaphore(%arg14 : memref<!tpu.dma_semaphore, #tpu.memory_space<semaphore_mem>>)
    %scan3A_46 = arith.constant 0 : i32
    %scan3A_47 = arith.constant 0 : i32
    %scan3A_48 = arith.constant 312 : i32
    %scan3A_49 = arith.addi %scan3A_47, %scan3A_48 : i32
    %scan3A_50 = arith.constant 1 : i32
    scf.for %scan3A_58 = %scan3A_47 to %scan3A_49 step %scan3A_50  : i32 {
      %mul3A_59 = arith.constant 2 : i32
      %mul3A_60 = arith.muli %mul3A_59, %scan3A_58 : i32
      %add3A_61 = arith.constant 1 : i32
      %add3A_62 = arith.addi %mul3A_60, %add3A_61 : i32
      %mul3A_63 = arith.constant 16 : i32
      %mul3A_64 = arith.muli %add3A_62, %mul3A_63 : i32
      %add3A_65 = arith.addi %add3A_41, %mul3A_64 : i32
      "tpu.region"() ({
        %run_scoped3A = tpu.sem_alloc : memref<!tpu.dma_semaphore, #tpu.memory_space<semaphore_mem>>
        %dma_start3A_83 = tpu.memref_slice %arg3[%add3A_65] : memref<320000xi32, #tpu.memory_space<hbm>> -> memref<16xi32, #tpu.memory_space<hbm>>
        %dma_start3A_84 = tpu.memref_slice %arg3[%add3A_65] : memref<320000xi32, #tpu.memory_space<hbm>> -> memref<16xi32, #tpu.memory_space<hbm>>
        tpu.enqueue_dma source(%dma_start3A_84 : memref<16xi32, #tpu.memory_space<hbm>>) target(%arg9 : memref<16xi32, #tpu.memory_space<vmem>>) target_semaphore(%run_scoped3A : memref<!tpu.dma_semaphore, #tpu.memory_space<semaphore_mem>>)
        %dma_wait3A_85 = tpu.memref_slice %arg3[%add3A_65] : memref<320000xi32, #tpu.memory_space<hbm>> -> memref<16xi32, #tpu.memory_space<hbm>>
        %dma_wait3A_86 = tpu.memref_slice %arg3[%add3A_65] : memref<320000xi32, #tpu.memory_space<hbm>> -> memref<16xi32, #tpu.memory_space<hbm>>
        tpu.wait_dma2 semaphore(%run_scoped3A : memref<!tpu.dma_semaphore, #tpu.memory_space<semaphore_mem>>) src(%dma_wait3A_86 : memref<16xi32, #tpu.memory_space<hbm>>) dst(%arg9 : memref<16xi32, #tpu.memory_space<vmem>>)
        tpu.yield
      }) : () -> ()
      "tpu.region"() ({
        %run_scoped3A = tpu.sem_alloc : memref<!tpu.dma_semaphore, #tpu.memory_space<semaphore_mem>>
        %dma_start3A_83 = tpu.memref_slice %arg4[%add3A_65] : memref<320000xi32, #tpu.memory_space<hbm>> -> memref<16xi32, #tpu.memory_space<hbm>>
        %dma_start3A_84 = tpu.memref_slice %arg4[%add3A_65] : memref<320000xi32, #tpu.memory_space<hbm>> -> memref<16xi32, #tpu.memory_space<hbm>>
        tpu.enqueue_dma source(%dma_start3A_84 : memref<16xi32, #tpu.memory_space<hbm>>) target(%arg10 : memref<16xi32, #tpu.memory_space<vmem>>) target_semaphore(%run_scoped3A : memref<!tpu.dma_semaphore, #tpu.memory_space<semaphore_mem>>)
        %dma_wait3A_85 = tpu.memref_slice %arg4[%add3A_65] : memref<320000xi32, #tpu.memory_space<hbm>> -> memref<16xi32, #tpu.memory_space<hbm>>
        %dma_wait3A_86 = tpu.memref_slice %arg4[%add3A_65] : memref<320000xi32, #tpu.memory_space<hbm>> -> memref<16xi32, #tpu.memory_space<hbm>>
        tpu.wait_dma2 semaphore(%run_scoped3A : memref<!tpu.dma_semaphore, #tpu.memory_space<semaphore_mem>>) src(%dma_wait3A_86 : memref<16xi32, #tpu.memory_space<hbm>>) dst(%arg10 : memref<16xi32, #tpu.memory_space<vmem>>)
        tpu.yield
      }) : () -> ()
      %dma_start3A_66 = arith.constant 0 : i32
      %dma_start3A_67 = arith.constant 0 : i32
      %dma_start3A_68 = tpu.memref_slice %arg2[%dma_start3A_66, %dma_start3A_67] : memref<10000x128xf32, #tpu.memory_space<hbm>> -> memref<10000x128xf32, #tpu.memory_space<hbm>>
      tpu.enqueue_indirect_dma source(%dma_start3A_68 : memref<10000x128xf32, #tpu.memory_space<hbm>>) target(%arg12 : memref<16x128xf32, #tpu.memory_space<vmem>>) offsets(%arg9 : memref<16xi32, #tpu.memory_space<vmem>>) semaphore(%arg15 : memref<!tpu.dma_semaphore, #tpu.memory_space<semaphore_mem>>)
      %dma_wait3A_69 = arith.constant 0 : i32
      %dma_wait3A_70 = arith.constant 0 : i32
      %dma_wait3A_71 = tpu.memref_slice %arg2[%dma_wait3A_69, %dma_wait3A_70] : memref<10000x128xf32, #tpu.memory_space<hbm>> -> memref<10000x128xf32, #tpu.memory_space<hbm>>
      tpu.wait_indirect_dma semaphore(%arg14 : memref<!tpu.dma_semaphore, #tpu.memory_space<semaphore_mem>>) src(%dma_wait3A_71 : memref<10000x128xf32, #tpu.memory_space<hbm>>) dst(%arg11 : memref<16x128xf32, #tpu.memory_space<vmem>>)
      "tpu.region"() ({
        %run_scoped3A = tpu.sem_alloc : memref<!tpu.dma_semaphore, #tpu.memory_space<semaphore_mem>>
        %dma_start3A_83 = arith.constant 0 : i32
        %dma_start3A_84 = arith.constant 0 : i32
        %dma_start3A_85 = tpu.memref_slice %arg6[%dma_start3A_83, %dma_start3A_84] : memref<10240x128xf32, #tpu.memory_space<vmem_shared>> -> memref<10240x128xf32, #tpu.memory_space<vmem_shared>>
        tpu.enqueue_indirect_dma source(%arg11 : memref<16x128xf32, #tpu.memory_space<vmem>>) target(%dma_start3A_85 : memref<10240x128xf32, #tpu.memory_space<vmem_shared>>) offsets(%arg8 : memref<16xi32, #tpu.memory_space<vmem>>) semaphore(%run_scoped3A : memref<!tpu.dma_semaphore, #tpu.memory_space<semaphore_mem>>) {add = true}
        %dma_wait3A_86 = arith.constant 0 : i32
        %dma_wait3A_87 = arith.constant 0 : i32
        %dma_wait3A_88 = tpu.memref_slice %arg6[%dma_wait3A_86, %dma_wait3A_87] : memref<10240x128xf32, #tpu.memory_space<vmem_shared>> -> memref<10240x128xf32, #tpu.memory_space<vmem_shared>>
        tpu.wait_indirect_dma semaphore(%run_scoped3A : memref<!tpu.dma_semaphore, #tpu.memory_space<semaphore_mem>>) src(%arg11 : memref<16x128xf32, #tpu.memory_space<vmem>>) dst(%dma_wait3A_88 : memref<10240x128xf32, #tpu.memory_space<vmem_shared>>)
        tpu.yield
      }) : () -> ()
      %add3A_72 = arith.constant 2 : i32
      %add3A_73 = arith.addi %mul3A_60, %add3A_72 : i32
      %mul3A_74 = arith.constant 16 : i32
      %mul3A_75 = arith.muli %add3A_73, %mul3A_74 : i32
      %add3A_76 = arith.addi %add3A_41, %mul3A_75 : i32
      "tpu.region"() ({
        %run_scoped3A = tpu.sem_alloc : memref<!tpu.dma_semaphore, #tpu.memory_space<semaphore_mem>>
        %dma_start3A_83 = tpu.memref_slice %arg3[%add3A_76] : memref<320000xi32, #tpu.memory_space<hbm>> -> memref<16xi32, #tpu.memory_space<hbm>>
        %dma_start3A_84 = tpu.memref_slice %arg3[%add3A_76] : memref<320000xi32, #tpu.memory_space<hbm>> -> memref<16xi32, #tpu.memory_space<hbm>>
        tpu.enqueue_dma source(%dma_start3A_84 : memref<16xi32, #tpu.memory_space<hbm>>) target(%arg7 : memref<16xi32, #tpu.memory_space<vmem>>) target_semaphore(%run_scoped3A : memref<!tpu.dma_semaphore, #tpu.memory_space<semaphore_mem>>)
        %dma_wait3A_85 = tpu.memref_slice %arg3[%add3A_76] : memref<320000xi32, #tpu.memory_space<hbm>> -> memref<16xi32, #tpu.memory_space<hbm>>
        %dma_wait3A_86 = tpu.memref_slice %arg3[%add3A_76] : memref<320000xi32, #tpu.memory_space<hbm>> -> memref<16xi32, #tpu.memory_space<hbm>>
        tpu.wait_dma2 semaphore(%run_scoped3A : memref<!tpu.dma_semaphore, #tpu.memory_space<semaphore_mem>>) src(%dma_wait3A_86 : memref<16xi32, #tpu.memory_space<hbm>>) dst(%arg7 : memref<16xi32, #tpu.memory_space<vmem>>)
        tpu.yield
      }) : () -> ()
      "tpu.region"() ({
        %run_scoped3A = tpu.sem_alloc : memref<!tpu.dma_semaphore, #tpu.memory_space<semaphore_mem>>
        %dma_start3A_83 = tpu.memref_slice %arg4[%add3A_76] : memref<320000xi32, #tpu.memory_space<hbm>> -> memref<16xi32, #tpu.memory_space<hbm>>
        %dma_start3A_84 = tpu.memref_slice %arg4[%add3A_76] : memref<320000xi32, #tpu.memory_space<hbm>> -> memref<16xi32, #tpu.memory_space<hbm>>
        tpu.enqueue_dma source(%dma_start3A_84 : memref<16xi32, #tpu.memory_space<hbm>>) target(%arg8 : memref<16xi32, #tpu.memory_space<vmem>>) target_semaphore(%run_scoped3A : memref<!tpu.dma_semaphore, #tpu.memory_space<semaphore_mem>>)
        %dma_wait3A_85 = tpu.memref_slice %arg4[%add3A_76] : memref<320000xi32, #tpu.memory_space<hbm>> -> memref<16xi32, #tpu.memory_space<hbm>>
        %dma_wait3A_86 = tpu.memref_slice %arg4[%add3A_76] : memref<320000xi32, #tpu.memory_space<hbm>> -> memref<16xi32, #tpu.memory_space<hbm>>
        tpu.wait_dma2 semaphore(%run_scoped3A : memref<!tpu.dma_semaphore, #tpu.memory_space<semaphore_mem>>) src(%dma_wait3A_86 : memref<16xi32, #tpu.memory_space<hbm>>) dst(%arg8 : memref<16xi32, #tpu.memory_space<vmem>>)
        tpu.yield
      }) : () -> ()
      %dma_start3A_77 = arith.constant 0 : i32
      %dma_start3A_78 = arith.constant 0 : i32
      %dma_start3A_79 = tpu.memref_slice %arg2[%dma_start3A_77, %dma_start3A_78] : memref<10000x128xf32, #tpu.memory_space<hbm>> -> memref<10000x128xf32, #tpu.memory_space<hbm>>
      tpu.enqueue_indirect_dma source(%dma_start3A_79 : memref<10000x128xf32, #tpu.memory_space<hbm>>) target(%arg11 : memref<16x128xf32, #tpu.memory_space<vmem>>) offsets(%arg7 : memref<16xi32, #tpu.memory_space<vmem>>) semaphore(%arg14 : memref<!tpu.dma_semaphore, #tpu.memory_space<semaphore_mem>>)
      %dma_wait3A_80 = arith.constant 0 : i32
      %dma_wait3A_81 = arith.constant 0 : i32
      %dma_wait3A_82 = tpu.memref_slice %arg2[%dma_wait3A_80, %dma_wait3A_81] : memref<10000x128xf32, #tpu.memory_space<hbm>> -> memref<10000x128xf32, #tpu.memory_space<hbm>>
      tpu.wait_indirect_dma semaphore(%arg15 : memref<!tpu.dma_semaphore, #tpu.memory_space<semaphore_mem>>) src(%dma_wait3A_82 : memref<10000x128xf32, #tpu.memory_space<hbm>>) dst(%arg12 : memref<16x128xf32, #tpu.memory_space<vmem>>)
      "tpu.region"() ({
        %run_scoped3A = tpu.sem_alloc : memref<!tpu.dma_semaphore, #tpu.memory_space<semaphore_mem>>
        %dma_start3A_83 = arith.constant 0 : i32
        %dma_start3A_84 = arith.constant 0 : i32
        %dma_start3A_85 = tpu.memref_slice %arg6[%dma_start3A_83, %dma_start3A_84] : memref<10240x128xf32, #tpu.memory_space<vmem_shared>> -> memref<10240x128xf32, #tpu.memory_space<vmem_shared>>
        tpu.enqueue_indirect_dma source(%arg12 : memref<16x128xf32, #tpu.memory_space<vmem>>) target(%dma_start3A_85 : memref<10240x128xf32, #tpu.memory_space<vmem_shared>>) offsets(%arg10 : memref<16xi32, #tpu.memory_space<vmem>>) semaphore(%run_scoped3A : memref<!tpu.dma_semaphore, #tpu.memory_space<semaphore_mem>>) {add = true}
        %dma_wait3A_86 = arith.constant 0 : i32
        %dma_wait3A_87 = arith.constant 0 : i32
        %dma_wait3A_88 = tpu.memref_slice %arg6[%dma_wait3A_86, %dma_wait3A_87] : memref<10240x128xf32, #tpu.memory_space<vmem_shared>> -> memref<10240x128xf32, #tpu.memory_space<vmem_shared>>
        tpu.wait_indirect_dma semaphore(%run_scoped3A : memref<!tpu.dma_semaphore, #tpu.memory_space<semaphore_mem>>) src(%arg12 : memref<16x128xf32, #tpu.memory_space<vmem>>) dst(%dma_wait3A_88 : memref<10240x128xf32, #tpu.memory_space<vmem_shared>>)
        tpu.yield
      }) : () -> ()
    }
    %scan3A_51 = arith.constant 312 : i32
    %dma_wait3A = arith.constant 0 : i32
    %dma_wait3A_52 = arith.constant 0 : i32
    %dma_wait3A_53 = tpu.memref_slice %arg2[%dma_wait3A, %dma_wait3A_52] : memref<10000x128xf32, #tpu.memory_space<hbm>> -> memref<10000x128xf32, #tpu.memory_space<hbm>>
    tpu.wait_indirect_dma semaphore(%arg14 : memref<!tpu.dma_semaphore, #tpu.memory_space<semaphore_mem>>) src(%dma_wait3A_53 : memref<10000x128xf32, #tpu.memory_space<hbm>>) dst(%arg11 : memref<16x128xf32, #tpu.memory_space<vmem>>)
    "tpu.region"() ({
      %run_scoped3A = tpu.sem_alloc : memref<!tpu.dma_semaphore, #tpu.memory_space<semaphore_mem>>
      %dma_start3A_58 = arith.constant 0 : i32
      %dma_start3A_59 = arith.constant 0 : i32
      %dma_start3A_60 = tpu.memref_slice %arg6[%dma_start3A_58, %dma_start3A_59] : memref<10240x128xf32, #tpu.memory_space<vmem_shared>> -> memref<10240x128xf32, #tpu.memory_space<vmem_shared>>
      tpu.enqueue_indirect_dma source(%arg11 : memref<16x128xf32, #tpu.memory_space<vmem>>) target(%dma_start3A_60 : memref<10240x128xf32, #tpu.memory_space<vmem_shared>>) offsets(%arg8 : memref<16xi32, #tpu.memory_space<vmem>>) semaphore(%run_scoped3A : memref<!tpu.dma_semaphore, #tpu.memory_space<semaphore_mem>>) {add = true}
      %dma_wait3A_61 = arith.constant 0 : i32
      %dma_wait3A_62 = arith.constant 0 : i32
      %dma_wait3A_63 = tpu.memref_slice %arg6[%dma_wait3A_61, %dma_wait3A_62] : memref<10240x128xf32, #tpu.memory_space<vmem_shared>> -> memref<10240x128xf32, #tpu.memory_space<vmem_shared>>
      tpu.wait_indirect_dma semaphore(%run_scoped3A : memref<!tpu.dma_semaphore, #tpu.memory_space<semaphore_mem>>) src(%arg11 : memref<16x128xf32, #tpu.memory_space<vmem>>) dst(%dma_wait3A_63 : memref<10240x128xf32, #tpu.memory_space<vmem_shared>>)
      tpu.yield
    }) : () -> ()
    %barrier3A_54 = arith.constant 0 : index
    tpu.barrier barrier_id(%barrier3A_54)
    %mul3A_55 = arith.constant 10240 : i32
    %mul3A_56 = arith.muli %arg0, %mul3A_55 : i32
    %add3A_57 = arith.addi %mul3A_56, %mul3A_0 : i32
    "tpu.region"() ({
      %run_scoped3A = tpu.sem_alloc : memref<!tpu.dma_semaphore, #tpu.memory_space<semaphore_mem>>
      %dma_start3A_58 = arith.constant 0 : i32
      %dma_start3A_59 = tpu.memref_slice %arg5[%add3A_57, %dma_start3A_58] : memref<20480x128xf32, #tpu.memory_space<hbm>> -> memref<640x128xf32, #tpu.memory_space<hbm>>
      %dma_start3A_60 = arith.constant 0 : i32
      %dma_start3A_61 = tpu.memref_slice %arg6[%mul3A_0, %dma_start3A_60] : memref<10240x128xf32, #tpu.memory_space<vmem_shared>> -> memref<640x128xf32, #tpu.memory_space<vmem_shared>>
      tpu.enqueue_dma source(%dma_start3A_61 : memref<640x128xf32, #tpu.memory_space<vmem_shared>>) target(%dma_start3A_59 : memref<640x128xf32, #tpu.memory_space<hbm>>) target_semaphore(%run_scoped3A : memref<!tpu.dma_semaphore, #tpu.memory_space<semaphore_mem>>)
      %dma_wait3A_62 = arith.constant 0 : i32
      %dma_wait3A_63 = tpu.memref_slice %arg5[%add3A_57, %dma_wait3A_62] : memref<20480x128xf32, #tpu.memory_space<hbm>> -> memref<640x128xf32, #tpu.memory_space<hbm>>
      %dma_wait3A_64 = arith.constant 0 : i32
      %dma_wait3A_65 = tpu.memref_slice %arg6[%mul3A_0, %dma_wait3A_64] : memref<10240x128xf32, #tpu.memory_space<vmem_shared>> -> memref<640x128xf32, #tpu.memory_space<vmem_shared>>
      tpu.wait_dma2 semaphore(%run_scoped3A : memref<!tpu.dma_semaphore, #tpu.memory_space<semaphore_mem>>) src(%dma_wait3A_65 : memref<640x128xf32, #tpu.memory_space<vmem_shared>>) dst(%dma_wait3A_63 : memref<640x128xf32, #tpu.memory_space<hbm>>)
      tpu.yield
    }) : () -> ()
    return
  }
}

#map = affine_map<(d0, d1) -> (0, 0)>
#map1 = affine_map<(d0, d1) -> (0)>
module attributes {stable_mosaic.version = 14 : i64} {
  func.func @body(%arg0: i32, %arg1: i32, %arg2: memref<10000x128xf32, #tpu.memory_space<hbm>>, %arg3: memref<320000xi32, #tpu.memory_space<hbm>>, %arg4: memref<320000xi32, #tpu.memory_space<hbm>>, %arg5: memref<20480x128xf32, #tpu.memory_space<hbm>>, %arg6: memref<10240x128xf32, #tpu.memory_space<vmem_shared>>, %arg7: memref<16xi32, #tpu.memory_space<vmem>>, %arg8: memref<16xi32, #tpu.memory_space<vmem>>, %arg9: memref<16xi32, #tpu.memory_space<vmem>>, %arg10: memref<16xi32, #tpu.memory_space<vmem>>, %arg11: memref<16x128xf32, #tpu.memory_space<vmem>>, %arg12: memref<16x128xf32, #tpu.memory_space<vmem>>, %arg13: memref<40x128xf32, #tpu.memory_space<vmem>>, %arg14: memref<!tpu.dma_semaphore, #tpu.memory_space<semaphore_mem>>, %arg15: memref<!tpu.dma_semaphore, #tpu.memory_space<semaphore_mem>>) attributes {dimension_semantics = [#tpu.dimension_semantics<core_parallel>, #tpu.dimension_semantics<subcore_parallel>], iteration_bounds = array<i64: 2, 16>, scalar_prefetch = 0 : i64, scratch_operands = 10 : i64, tpu.core_type = #tpu.core_type<sc_vector_subcore>, window_params = [{transform_indices = #map}, {transform_indices = #map1}, {transform_indices = #map1}, {transform_indices = #map}]} {
    %mul3A = arith.constant 640 : i32
    %mul3A_0 = arith.muli %arg1, %mul3A : i32
    %scan3A = arith.constant 0 : i32
    %scan3A_1 = arith.constant 0 : i32
    %scan3A_2 = arith.constant 320 : i32
    %scan3A_3 = arith.addi %scan3A_1, %scan3A_2 : i32
    %scan3A_4 = arith.constant 1 : i32
    scf.for %scan3A_58 = %scan3A_1 to %scan3A_3 step %scan3A_4  : i32 {
      %broadcast_in_dim3A = arith.constant 0.000000e+00 : f32
      %broadcast_in_dim3A_59 = vector.broadcast %broadcast_in_dim3A : f32 to vector<16xf32>
      %jit3A = arith.constant 8 : i32
      %div3A = arith.divsi %scan3A_58, %jit3A : i32
      %sign3A = arith.constant 0 : i32
      %sign3A_60 = arith.cmpi sgt, %scan3A_58, %sign3A : i32
      %sign3A_61 = arith.extui %sign3A_60 : i1 to i32
      %sign3A_62 = arith.constant 0 : i32
      %sign3A_63 = arith.cmpi slt, %scan3A_58, %sign3A_62 : i32
      %sign3A_64 = arith.extui %sign3A_63 : i1 to i32
      %sign3A_65 = arith.subi %sign3A_61, %sign3A_64 : i32
      %sign3A_66 = arith.constant 0 : i32
      %sign3A_67 = arith.cmpi sgt, %jit3A, %sign3A_66 : i32
      %sign3A_68 = arith.extui %sign3A_67 : i1 to i32
      %sign3A_69 = arith.constant 0 : i32
      %sign3A_70 = arith.cmpi slt, %jit3A, %sign3A_69 : i32
      %sign3A_71 = arith.extui %sign3A_70 : i1 to i32
      %sign3A_72 = arith.subi %sign3A_68, %sign3A_71 : i32
      %ne3A = arith.cmpi ne, %sign3A_65, %sign3A_72 : i32
      %rem3A = arith.remsi %scan3A_58, %jit3A : i32
      %ne3A_73 = arith.constant 0 : i32
      %ne3A_74 = arith.cmpi ne, %rem3A, %ne3A_73 : i32
      %and3A = arith.andi %ne3A, %ne3A_74 : i1
      %sub3A = arith.constant 1 : i32
      %sub3A_75 = arith.subi %div3A, %sub3A : i32
      %select_n3A = arith.select %and3A, %sub3A_75, %div3A : i32
      %jit3A_76 = arith.constant 8 : i32
      %eq3A = arith.constant 0 : i32
      %eq3A_77 = arith.cmpi eq, %jit3A_76, %eq3A : i32
      %jit3A_78 = arith.constant 1 : i32
      %select_n3A_79 = arith.select %eq3A_77, %jit3A_78, %jit3A_76 : i32
      %rem3A_80 = arith.remsi %scan3A_58, %select_n3A_79 : i32
      %ne3A_81 = arith.constant 0 : i32
      %ne3A_82 = arith.cmpi ne, %rem3A_80, %ne3A_81 : i32
      %lt3A = arith.constant 0 : i32
      %lt3A_83 = arith.cmpi slt, %rem3A_80, %lt3A : i32
      %lt3A_84 = arith.constant 0 : i32
      %lt3A_85 = arith.cmpi slt, %select_n3A_79, %lt3A_84 : i32
      %ne3A_86 = arith.xori %lt3A_83, %lt3A_85 : i1
      %and3A_87 = arith.andi %ne3A_86, %ne3A_82 : i1
      %add3A_88 = arith.addi %rem3A_80, %select_n3A_79 : i32
      %select_n3A_89 = arith.select %and3A_87, %add3A_88, %rem3A_80 : i32
      %mul3A_90 = arith.constant 16 : i32
      %mul3A_91 = arith.muli %select_n3A_89, %mul3A_90 : i32
      %swap3A = arith.index_cast %select_n3A : i32 to index
      %swap3A_92 = arith.index_cast %mul3A_91 : i32 to index
      %swap3A_93 = tpu.vector_load %arg13[%swap3A, %swap3A_92] {strides = array<i32>} : memref<40x128xf32, #tpu.memory_space<vmem>>, vector<1x16xf32>,
      %swap3A_94 = vector.shape_cast %swap3A_93 : vector<1x16xf32> to vector<16xf32>
      %swap3A_95 = vector.shape_cast %broadcast_in_dim3A_59 : vector<16xf32> to vector<1x16xf32>
      tpu.vector_store %arg13[%swap3A, %swap3A_92], %swap3A_95 {strides = array<i32>} : memref<40x128xf32, #tpu.memory_space<vmem>>, vector<1x16xf32>,
    }
    %scan3A_5 = arith.constant 320 : i32
    %add3A = arith.constant 0 : i32
    %add3A_6 = arith.addi %mul3A_0, %add3A : i32
    "tpu.region"() ({
      %run_scoped3A = tpu.sem_alloc : memref<!tpu.dma_semaphore, #tpu.memory_space<semaphore_mem>>
      %dma_start3A_58 = arith.constant 0 : i32
      %dma_start3A_59 = tpu.memref_slice %arg6[%add3A_6, %dma_start3A_58] : memref<10240x128xf32, #tpu.memory_space<vmem_shared>> -> memref<40x128xf32, #tpu.memory_space<vmem_shared>>
      %dma_start3A_60 = arith.constant 0 : i32
      %dma_start3A_61 = tpu.memref_slice %arg6[%add3A_6, %dma_start3A_60] : memref<10240x128xf32, #tpu.memory_space<vmem_shared>> -> memref<40x128xf32, #tpu.memory_space<vmem_shared>>
      tpu.enqueue_dma source(%arg13 : memref<40x128xf32, #tpu.memory_space<vmem>>) target(%dma_start3A_61 : memref<40x128xf32, #tpu.memory_space<vmem_shared>>) target_semaphore(%run_scoped3A : memref<!tpu.dma_semaphore, #tpu.memory_space<semaphore_mem>>)
      %dma_wait3A_62 = arith.constant 0 : i32
      %dma_wait3A_63 = tpu.memref_slice %arg6[%add3A_6, %dma_wait3A_62] : memref<10240x128xf32, #tpu.memory_space<vmem_shared>> -> memref<40x128xf32, #tpu.memory_space<vmem_shared>>
      %dma_wait3A_64 = arith.constant 0 : i32
      %dma_wait3A_65 = tpu.memref_slice %arg6[%add3A_6, %dma_wait3A_64] : memref<10240x128xf32, #tpu.memory_space<vmem_shared>> -> memref<40x128xf32, #tpu.memory_space<vmem_shared>>
      tpu.wait_dma2 semaphore(%run_scoped3A : memref<!tpu.dma_semaphore, #tpu.memory_space<semaphore_mem>>) src(%arg13 : memref<40x128xf32, #tpu.memory_space<vmem>>) dst(%dma_wait3A_65 : memref<40x128xf32, #tpu.memory_space<vmem_shared>>)
      tpu.yield
    }) : () -> ()
    %add3A_7 = arith.constant 40 : i32
    %add3A_8 = arith.addi %mul3A_0, %add3A_7 : i32
    "tpu.region"() ({
      %run_scoped3A = tpu.sem_alloc : memref<!tpu.dma_semaphore, #tpu.memory_space<semaphore_mem>>
      %dma_start3A_58 = arith.constant 0 : i32
      %dma_start3A_59 = tpu.memref_slice %arg6[%add3A_8, %dma_start3A_58] : memref<10240x128xf32, #tpu.memory_space<vmem_shared>> -> memref<40x128xf32, #tpu.memory_space<vmem_shared>>
      %dma_start3A_60 = arith.constant 0 : i32
      %dma_start3A_61 = tpu.memref_slice %arg6[%add3A_8, %dma_start3A_60] : memref<10240x128xf32, #tpu.memory_space<vmem_shared>> -> memref<40x128xf32, #tpu.memory_space<vmem_shared>>
      tpu.enqueue_dma source(%arg13 : memref<40x128xf32, #tpu.memory_space<vmem>>) target(%dma_start3A_61 : memref<40x128xf32, #tpu.memory_space<vmem_shared>>) target_semaphore(%run_scoped3A : memref<!tpu.dma_semaphore, #tpu.memory_space<semaphore_mem>>)
      %dma_wait3A_62 = arith.constant 0 : i32
      %dma_wait3A_63 = tpu.memref_slice %arg6[%add3A_8, %dma_wait3A_62] : memref<10240x128xf32, #tpu.memory_space<vmem_shared>> -> memref<40x128xf32, #tpu.memory_space<vmem_shared>>
      %dma_wait3A_64 = arith.constant 0 : i32
      %dma_wait3A_65 = tpu.memref_slice %arg6[%add3A_8, %dma_wait3A_64] : memref<10240x128xf32, #tpu.memory_space<vmem_shared>> -> memref<40x128xf32, #tpu.memory_space<vmem_shared>>
      tpu.wait_dma2 semaphore(%run_scoped3A : memref<!tpu.dma_semaphore, #tpu.memory_space<semaphore_mem>>) src(%arg13 : memref<40x128xf32, #tpu.memory_space<vmem>>) dst(%dma_wait3A_65 : memref<40x128xf32, #tpu.memory_space<vmem_shared>>)
      tpu.yield
    }) : () -> ()
    %add3A_9 = arith.constant 80 : i32
    %add3A_10 = arith.addi %mul3A_0, %add3A_9 : i32
    "tpu.region"() ({
      %run_scoped3A = tpu.sem_alloc : memref<!tpu.dma_semaphore, #tpu.memory_space<semaphore_mem>>
      %dma_start3A_58 = arith.constant 0 : i32
      %dma_start3A_59 = tpu.memref_slice %arg6[%add3A_10, %dma_start3A_58] : memref<10240x128xf32, #tpu.memory_space<vmem_shared>> -> memref<40x128xf32, #tpu.memory_space<vmem_shared>>
      %dma_start3A_60 = arith.constant 0 : i32
      %dma_start3A_61 = tpu.memref_slice %arg6[%add3A_10, %dma_start3A_60] : memref<10240x128xf32, #tpu.memory_space<vmem_shared>> -> memref<40x128xf32, #tpu.memory_space<vmem_shared>>
      tpu.enqueue_dma source(%arg13 : memref<40x128xf32, #tpu.memory_space<vmem>>) target(%dma_start3A_61 : memref<40x128xf32, #tpu.memory_space<vmem_shared>>) target_semaphore(%run_scoped3A : memref<!tpu.dma_semaphore, #tpu.memory_space<semaphore_mem>>)
      %dma_wait3A_62 = arith.constant 0 : i32
      %dma_wait3A_63 = tpu.memref_slice %arg6[%add3A_10, %dma_wait3A_62] : memref<10240x128xf32, #tpu.memory_space<vmem_shared>> -> memref<40x128xf32, #tpu.memory_space<vmem_shared>>
      %dma_wait3A_64 = arith.constant 0 : i32
      %dma_wait3A_65 = tpu.memref_slice %arg6[%add3A_10, %dma_wait3A_64] : memref<10240x128xf32, #tpu.memory_space<vmem_shared>> -> memref<40x128xf32, #tpu.memory_space<vmem_shared>>
      tpu.wait_dma2 semaphore(%run_scoped3A : memref<!tpu.dma_semaphore, #tpu.memory_space<semaphore_mem>>) src(%arg13 : memref<40x128xf32, #tpu.memory_space<vmem>>) dst(%dma_wait3A_65 : memref<40x128xf32, #tpu.memory_space<vmem_shared>>)
      tpu.yield
    }) : () -> ()
    %add3A_11 = arith.constant 120 : i32
    %add3A_12 = arith.addi %mul3A_0, %add3A_11 : i32
    "tpu.region"() ({
      %run_scoped3A = tpu.sem_alloc : memref<!tpu.dma_semaphore, #tpu.memory_space<semaphore_mem>>
      %dma_start3A_58 = arith.constant 0 : i32
      %dma_start3A_59 = tpu.memref_slice %arg6[%add3A_12, %dma_start3A_58] : memref<10240x128xf32, #tpu.memory_space<vmem_shared>> -> memref<40x128xf32, #tpu.memory_space<vmem_shared>>
      %dma_start3A_60 = arith.constant 0 : i32
      %dma_start3A_61 = tpu.memref_slice %arg6[%add3A_12, %dma_start3A_60] : memref<10240x128xf32, #tpu.memory_space<vmem_shared>> -> memref<40x128xf32, #tpu.memory_space<vmem_shared>>
      tpu.enqueue_dma source(%arg13 : memref<40x128xf32, #tpu.memory_space<vmem>>) target(%dma_start3A_61 : memref<40x128xf32, #tpu.memory_space<vmem_shared>>) target_semaphore(%run_scoped3A : memref<!tpu.dma_semaphore, #tpu.memory_space<semaphore_mem>>)
      %dma_wait3A_62 = arith.constant 0 : i32
      %dma_wait3A_63 = tpu.memref_slice %arg6[%add3A_12, %dma_wait3A_62] : memref<10240x128xf32, #tpu.memory_space<vmem_shared>> -> memref<40x128xf32, #tpu.memory_space<vmem_shared>>
      %dma_wait3A_64 = arith.constant 0 : i32
      %dma_wait3A_65 = tpu.memref_slice %arg6[%add3A_12, %dma_wait3A_64] : memref<10240x128xf32, #tpu.memory_space<vmem_shared>> -> memref<40x128xf32, #tpu.memory_space<vmem_shared>>
      tpu.wait_dma2 semaphore(%run_scoped3A : memref<!tpu.dma_semaphore, #tpu.memory_space<semaphore_mem>>) src(%arg13 : memref<40x128xf32, #tpu.memory_space<vmem>>) dst(%dma_wait3A_65 : memref<40x128xf32, #tpu.memory_space<vmem_shared>>)
      tpu.yield
    }) : () -> ()
    %add3A_13 = arith.constant 160 : i32
    %add3A_14 = arith.addi %mul3A_0, %add3A_13 : i32
    "tpu.region"() ({
      %run_scoped3A = tpu.sem_alloc : memref<!tpu.dma_semaphore, #tpu.memory_space<semaphore_mem>>
      %dma_start3A_58 = arith.constant 0 : i32
      %dma_start3A_59 = tpu.memref_slice %arg6[%add3A_14, %dma_start3A_58] : memref<10240x128xf32, #tpu.memory_space<vmem_shared>> -> memref<40x128xf32, #tpu.memory_space<vmem_shared>>
      %dma_start3A_60 = arith.constant 0 : i32
      %dma_start3A_61 = tpu.memref_slice %arg6[%add3A_14, %dma_start3A_60] : memref<10240x128xf32, #tpu.memory_space<vmem_shared>> -> memref<40x128xf32, #tpu.memory_space<vmem_shared>>
      tpu.enqueue_dma source(%arg13 : memref<40x128xf32, #tpu.memory_space<vmem>>) target(%dma_start3A_61 : memref<40x128xf32, #tpu.memory_space<vmem_shared>>) target_semaphore(%run_scoped3A : memref<!tpu.dma_semaphore, #tpu.memory_space<semaphore_mem>>)
      %dma_wait3A_62 = arith.constant 0 : i32
      %dma_wait3A_63 = tpu.memref_slice %arg6[%add3A_14, %dma_wait3A_62] : memref<10240x128xf32, #tpu.memory_space<vmem_shared>> -> memref<40x128xf32, #tpu.memory_space<vmem_shared>>
      %dma_wait3A_64 = arith.constant 0 : i32
      %dma_wait3A_65 = tpu.memref_slice %arg6[%add3A_14, %dma_wait3A_64] : memref<10240x128xf32, #tpu.memory_space<vmem_shared>> -> memref<40x128xf32, #tpu.memory_space<vmem_shared>>
      tpu.wait_dma2 semaphore(%run_scoped3A : memref<!tpu.dma_semaphore, #tpu.memory_space<semaphore_mem>>) src(%arg13 : memref<40x128xf32, #tpu.memory_space<vmem>>) dst(%dma_wait3A_65 : memref<40x128xf32, #tpu.memory_space<vmem_shared>>)
      tpu.yield
    }) : () -> ()
    %add3A_15 = arith.constant 200 : i32
    %add3A_16 = arith.addi %mul3A_0, %add3A_15 : i32
    "tpu.region"() ({
      %run_scoped3A = tpu.sem_alloc : memref<!tpu.dma_semaphore, #tpu.memory_space<semaphore_mem>>
      %dma_start3A_58 = arith.constant 0 : i32
      %dma_start3A_59 = tpu.memref_slice %arg6[%add3A_16, %dma_start3A_58] : memref<10240x128xf32, #tpu.memory_space<vmem_shared>> -> memref<40x128xf32, #tpu.memory_space<vmem_shared>>
      %dma_start3A_60 = arith.constant 0 : i32
      %dma_start3A_61 = tpu.memref_slice %arg6[%add3A_16, %dma_start3A_60] : memref<10240x128xf32, #tpu.memory_space<vmem_shared>> -> memref<40x128xf32, #tpu.memory_space<vmem_shared>>
      tpu.enqueue_dma source(%arg13 : memref<40x128xf32, #tpu.memory_space<vmem>>) target(%dma_start3A_61 : memref<40x128xf32, #tpu.memory_space<vmem_shared>>) target_semaphore(%run_scoped3A : memref<!tpu.dma_semaphore, #tpu.memory_space<semaphore_mem>>)
      %dma_wait3A_62 = arith.constant 0 : i32
      %dma_wait3A_63 = tpu.memref_slice %arg6[%add3A_16, %dma_wait3A_62] : memref<10240x128xf32, #tpu.memory_space<vmem_shared>> -> memref<40x128xf32, #tpu.memory_space<vmem_shared>>
      %dma_wait3A_64 = arith.constant 0 : i32
      %dma_wait3A_65 = tpu.memref_slice %arg6[%add3A_16, %dma_wait3A_64] : memref<10240x128xf32, #tpu.memory_space<vmem_shared>> -> memref<40x128xf32, #tpu.memory_space<vmem_shared>>
      tpu.wait_dma2 semaphore(%run_scoped3A : memref<!tpu.dma_semaphore, #tpu.memory_space<semaphore_mem>>) src(%arg13 : memref<40x128xf32, #tpu.memory_space<vmem>>) dst(%dma_wait3A_65 : memref<40x128xf32, #tpu.memory_space<vmem_shared>>)
      tpu.yield
    }) : () -> ()
    %add3A_17 = arith.constant 240 : i32
    %add3A_18 = arith.addi %mul3A_0, %add3A_17 : i32
    "tpu.region"() ({
      %run_scoped3A = tpu.sem_alloc : memref<!tpu.dma_semaphore, #tpu.memory_space<semaphore_mem>>
      %dma_start3A_58 = arith.constant 0 : i32
      %dma_start3A_59 = tpu.memref_slice %arg6[%add3A_18, %dma_start3A_58] : memref<10240x128xf32, #tpu.memory_space<vmem_shared>> -> memref<40x128xf32, #tpu.memory_space<vmem_shared>>
      %dma_start3A_60 = arith.constant 0 : i32
      %dma_start3A_61 = tpu.memref_slice %arg6[%add3A_18, %dma_start3A_60] : memref<10240x128xf32, #tpu.memory_space<vmem_shared>> -> memref<40x128xf32, #tpu.memory_space<vmem_shared>>
      tpu.enqueue_dma source(%arg13 : memref<40x128xf32, #tpu.memory_space<vmem>>) target(%dma_start3A_61 : memref<40x128xf32, #tpu.memory_space<vmem_shared>>) target_semaphore(%run_scoped3A : memref<!tpu.dma_semaphore, #tpu.memory_space<semaphore_mem>>)
      %dma_wait3A_62 = arith.constant 0 : i32
      %dma_wait3A_63 = tpu.memref_slice %arg6[%add3A_18, %dma_wait3A_62] : memref<10240x128xf32, #tpu.memory_space<vmem_shared>> -> memref<40x128xf32, #tpu.memory_space<vmem_shared>>
      %dma_wait3A_64 = arith.constant 0 : i32
      %dma_wait3A_65 = tpu.memref_slice %arg6[%add3A_18, %dma_wait3A_64] : memref<10240x128xf32, #tpu.memory_space<vmem_shared>> -> memref<40x128xf32, #tpu.memory_space<vmem_shared>>
      tpu.wait_dma2 semaphore(%run_scoped3A : memref<!tpu.dma_semaphore, #tpu.memory_space<semaphore_mem>>) src(%arg13 : memref<40x128xf32, #tpu.memory_space<vmem>>) dst(%dma_wait3A_65 : memref<40x128xf32, #tpu.memory_space<vmem_shared>>)
      tpu.yield
    }) : () -> ()
    %add3A_19 = arith.constant 280 : i32
    %add3A_20 = arith.addi %mul3A_0, %add3A_19 : i32
    "tpu.region"() ({
      %run_scoped3A = tpu.sem_alloc : memref<!tpu.dma_semaphore, #tpu.memory_space<semaphore_mem>>
      %dma_start3A_58 = arith.constant 0 : i32
      %dma_start3A_59 = tpu.memref_slice %arg6[%add3A_20, %dma_start3A_58] : memref<10240x128xf32, #tpu.memory_space<vmem_shared>> -> memref<40x128xf32, #tpu.memory_space<vmem_shared>>
      %dma_start3A_60 = arith.constant 0 : i32
      %dma_start3A_61 = tpu.memref_slice %arg6[%add3A_20, %dma_start3A_60] : memref<10240x128xf32, #tpu.memory_space<vmem_shared>> -> memref<40x128xf32, #tpu.memory_space<vmem_shared>>
      tpu.enqueue_dma source(%arg13 : memref<40x128xf32, #tpu.memory_space<vmem>>) target(%dma_start3A_61 : memref<40x128xf32, #tpu.memory_space<vmem_shared>>) target_semaphore(%run_scoped3A : memref<!tpu.dma_semaphore, #tpu.memory_space<semaphore_mem>>)
      %dma_wait3A_62 = arith.constant 0 : i32
      %dma_wait3A_63 = tpu.memref_slice %arg6[%add3A_20, %dma_wait3A_62] : memref<10240x128xf32, #tpu.memory_space<vmem_shared>> -> memref<40x128xf32, #tpu.memory_space<vmem_shared>>
      %dma_wait3A_64 = arith.constant 0 : i32
      %dma_wait3A_65 = tpu.memref_slice %arg6[%add3A_20, %dma_wait3A_64] : memref<10240x128xf32, #tpu.memory_space<vmem_shared>> -> memref<40x128xf32, #tpu.memory_space<vmem_shared>>
      tpu.wait_dma2 semaphore(%run_scoped3A : memref<!tpu.dma_semaphore, #tpu.memory_space<semaphore_mem>>) src(%arg13 : memref<40x128xf32, #tpu.memory_space<vmem>>) dst(%dma_wait3A_65 : memref<40x128xf32, #tpu.memory_space<vmem_shared>>)
      tpu.yield
    }) : () -> ()
    %add3A_21 = arith.constant 320 : i32
    %add3A_22 = arith.addi %mul3A_0, %add3A_21 : i32
    "tpu.region"() ({
      %run_scoped3A = tpu.sem_alloc : memref<!tpu.dma_semaphore, #tpu.memory_space<semaphore_mem>>
      %dma_start3A_58 = arith.constant 0 : i32
      %dma_start3A_59 = tpu.memref_slice %arg6[%add3A_22, %dma_start3A_58] : memref<10240x128xf32, #tpu.memory_space<vmem_shared>> -> memref<40x128xf32, #tpu.memory_space<vmem_shared>>
      %dma_start3A_60 = arith.constant 0 : i32
      %dma_start3A_61 = tpu.memref_slice %arg6[%add3A_22, %dma_start3A_60] : memref<10240x128xf32, #tpu.memory_space<vmem_shared>> -> memref<40x128xf32, #tpu.memory_space<vmem_shared>>
      tpu.enqueue_dma source(%arg13 : memref<40x128xf32, #tpu.memory_space<vmem>>) target(%dma_start3A_61 : memref<40x128xf32, #tpu.memory_space<vmem_shared>>) target_semaphore(%run_scoped3A : memref<!tpu.dma_semaphore, #tpu.memory_space<semaphore_mem>>)
      %dma_wait3A_62 = arith.constant 0 : i32
      %dma_wait3A_63 = tpu.memref_slice %arg6[%add3A_22, %dma_wait3A_62] : memref<10240x128xf32, #tpu.memory_space<vmem_shared>> -> memref<40x128xf32, #tpu.memory_space<vmem_shared>>
      %dma_wait3A_64 = arith.constant 0 : i32
      %dma_wait3A_65 = tpu.memref_slice %arg6[%add3A_22, %dma_wait3A_64] : memref<10240x128xf32, #tpu.memory_space<vmem_shared>> -> memref<40x128xf32, #tpu.memory_space<vmem_shared>>
      tpu.wait_dma2 semaphore(%run_scoped3A : memref<!tpu.dma_semaphore, #tpu.memory_space<semaphore_mem>>) src(%arg13 : memref<40x128xf32, #tpu.memory_space<vmem>>) dst(%dma_wait3A_65 : memref<40x128xf32, #tpu.memory_space<vmem_shared>>)
      tpu.yield
    }) : () -> ()
    %add3A_23 = arith.constant 360 : i32
    %add3A_24 = arith.addi %mul3A_0, %add3A_23 : i32
    "tpu.region"() ({
      %run_scoped3A = tpu.sem_alloc : memref<!tpu.dma_semaphore, #tpu.memory_space<semaphore_mem>>
      %dma_start3A_58 = arith.constant 0 : i32
      %dma_start3A_59 = tpu.memref_slice %arg6[%add3A_24, %dma_start3A_58] : memref<10240x128xf32, #tpu.memory_space<vmem_shared>> -> memref<40x128xf32, #tpu.memory_space<vmem_shared>>
      %dma_start3A_60 = arith.constant 0 : i32
      %dma_start3A_61 = tpu.memref_slice %arg6[%add3A_24, %dma_start3A_60] : memref<10240x128xf32, #tpu.memory_space<vmem_shared>> -> memref<40x128xf32, #tpu.memory_space<vmem_shared>>
      tpu.enqueue_dma source(%arg13 : memref<40x128xf32, #tpu.memory_space<vmem>>) target(%dma_start3A_61 : memref<40x128xf32, #tpu.memory_space<vmem_shared>>) target_semaphore(%run_scoped3A : memref<!tpu.dma_semaphore, #tpu.memory_space<semaphore_mem>>)
      %dma_wait3A_62 = arith.constant 0 : i32
      %dma_wait3A_63 = tpu.memref_slice %arg6[%add3A_24, %dma_wait3A_62] : memref<10240x128xf32, #tpu.memory_space<vmem_shared>> -> memref<40x128xf32, #tpu.memory_space<vmem_shared>>
      %dma_wait3A_64 = arith.constant 0 : i32
      %dma_wait3A_65 = tpu.memref_slice %arg6[%add3A_24, %dma_wait3A_64] : memref<10240x128xf32, #tpu.memory_space<vmem_shared>> -> memref<40x128xf32, #tpu.memory_space<vmem_shared>>
      tpu.wait_dma2 semaphore(%run_scoped3A : memref<!tpu.dma_semaphore, #tpu.memory_space<semaphore_mem>>) src(%arg13 : memref<40x128xf32, #tpu.memory_space<vmem>>) dst(%dma_wait3A_65 : memref<40x128xf32, #tpu.memory_space<vmem_shared>>)
      tpu.yield
    }) : () -> ()
    %add3A_25 = arith.constant 400 : i32
    %add3A_26 = arith.addi %mul3A_0, %add3A_25 : i32
    "tpu.region"() ({
      %run_scoped3A = tpu.sem_alloc : memref<!tpu.dma_semaphore, #tpu.memory_space<semaphore_mem>>
      %dma_start3A_58 = arith.constant 0 : i32
      %dma_start3A_59 = tpu.memref_slice %arg6[%add3A_26, %dma_start3A_58] : memref<10240x128xf32, #tpu.memory_space<vmem_shared>> -> memref<40x128xf32, #tpu.memory_space<vmem_shared>>
      %dma_start3A_60 = arith.constant 0 : i32
      %dma_start3A_61 = tpu.memref_slice %arg6[%add3A_26, %dma_start3A_60] : memref<10240x128xf32, #tpu.memory_space<vmem_shared>> -> memref<40x128xf32, #tpu.memory_space<vmem_shared>>
      tpu.enqueue_dma source(%arg13 : memref<40x128xf32, #tpu.memory_space<vmem>>) target(%dma_start3A_61 : memref<40x128xf32, #tpu.memory_space<vmem_shared>>) target_semaphore(%run_scoped3A : memref<!tpu.dma_semaphore, #tpu.memory_space<semaphore_mem>>)
      %dma_wait3A_62 = arith.constant 0 : i32
      %dma_wait3A_63 = tpu.memref_slice %arg6[%add3A_26, %dma_wait3A_62] : memref<10240x128xf32, #tpu.memory_space<vmem_shared>> -> memref<40x128xf32, #tpu.memory_space<vmem_shared>>
      %dma_wait3A_64 = arith.constant 0 : i32
      %dma_wait3A_65 = tpu.memref_slice %arg6[%add3A_26, %dma_wait3A_64] : memref<10240x128xf32, #tpu.memory_space<vmem_shared>> -> memref<40x128xf32, #tpu.memory_space<vmem_shared>>
      tpu.wait_dma2 semaphore(%run_scoped3A : memref<!tpu.dma_semaphore, #tpu.memory_space<semaphore_mem>>) src(%arg13 : memref<40x128xf32, #tpu.memory_space<vmem>>) dst(%dma_wait3A_65 : memref<40x128xf32, #tpu.memory_space<vmem_shared>>)
      tpu.yield
    }) : () -> ()
    %add3A_27 = arith.constant 440 : i32
    %add3A_28 = arith.addi %mul3A_0, %add3A_27 : i32
    "tpu.region"() ({
      %run_scoped3A = tpu.sem_alloc : memref<!tpu.dma_semaphore, #tpu.memory_space<semaphore_mem>>
      %dma_start3A_58 = arith.constant 0 : i32
      %dma_start3A_59 = tpu.memref_slice %arg6[%add3A_28, %dma_start3A_58] : memref<10240x128xf32, #tpu.memory_space<vmem_shared>> -> memref<40x128xf32, #tpu.memory_space<vmem_shared>>
      %dma_start3A_60 = arith.constant 0 : i32
      %dma_start3A_61 = tpu.memref_slice %arg6[%add3A_28, %dma_start3A_60] : memref<10240x128xf32, #tpu.memory_space<vmem_shared>> -> memref<40x128xf32, #tpu.memory_space<vmem_shared>>
      tpu.enqueue_dma source(%arg13 : memref<40x128xf32, #tpu.memory_space<vmem>>) target(%dma_start3A_61 : memref<40x128xf32, #tpu.memory_space<vmem_shared>>) target_semaphore(%run_scoped3A : memref<!tpu.dma_semaphore, #tpu.memory_space<semaphore_mem>>)
      %dma_wait3A_62 = arith.constant 0 : i32
      %dma_wait3A_63 = tpu.memref_slice %arg6[%add3A_28, %dma_wait3A_62] : memref<10240x128xf32, #tpu.memory_space<vmem_shared>> -> memref<40x128xf32, #tpu.memory_space<vmem_shared>>
      %dma_wait3A_64 = arith.constant 0 : i32
      %dma_wait3A_65 = tpu.memref_slice %arg6[%add3A_28, %dma_wait3A_64] : memref<10240x128xf32, #tpu.memory_space<vmem_shared>> -> memref<40x128xf32, #tpu.memory_space<vmem_shared>>
      tpu.wait_dma2 semaphore(%run_scoped3A : memref<!tpu.dma_semaphore, #tpu.memory_space<semaphore_mem>>) src(%arg13 : memref<40x128xf32, #tpu.memory_space<vmem>>) dst(%dma_wait3A_65 : memref<40x128xf32, #tpu.memory_space<vmem_shared>>)
      tpu.yield
    }) : () -> ()
    %add3A_29 = arith.constant 480 : i32
    %add3A_30 = arith.addi %mul3A_0, %add3A_29 : i32
    "tpu.region"() ({
      %run_scoped3A = tpu.sem_alloc : memref<!tpu.dma_semaphore, #tpu.memory_space<semaphore_mem>>
      %dma_start3A_58 = arith.constant 0 : i32
      %dma_start3A_59 = tpu.memref_slice %arg6[%add3A_30, %dma_start3A_58] : memref<10240x128xf32, #tpu.memory_space<vmem_shared>> -> memref<40x128xf32, #tpu.memory_space<vmem_shared>>
      %dma_start3A_60 = arith.constant 0 : i32
      %dma_start3A_61 = tpu.memref_slice %arg6[%add3A_30, %dma_start3A_60] : memref<10240x128xf32, #tpu.memory_space<vmem_shared>> -> memref<40x128xf32, #tpu.memory_space<vmem_shared>>
      tpu.enqueue_dma source(%arg13 : memref<40x128xf32, #tpu.memory_space<vmem>>) target(%dma_start3A_61 : memref<40x128xf32, #tpu.memory_space<vmem_shared>>) target_semaphore(%run_scoped3A : memref<!tpu.dma_semaphore, #tpu.memory_space<semaphore_mem>>)
      %dma_wait3A_62 = arith.constant 0 : i32
      %dma_wait3A_63 = tpu.memref_slice %arg6[%add3A_30, %dma_wait3A_62] : memref<10240x128xf32, #tpu.memory_space<vmem_shared>> -> memref<40x128xf32, #tpu.memory_space<vmem_shared>>
      %dma_wait3A_64 = arith.constant 0 : i32
      %dma_wait3A_65 = tpu.memref_slice %arg6[%add3A_30, %dma_wait3A_64] : memref<10240x128xf32, #tpu.memory_space<vmem_shared>> -> memref<40x128xf32, #tpu.memory_space<vmem_shared>>
      tpu.wait_dma2 semaphore(%run_scoped3A : memref<!tpu.dma_semaphore, #tpu.memory_space<semaphore_mem>>) src(%arg13 : memref<40x128xf32, #tpu.memory_space<vmem>>) dst(%dma_wait3A_65 : memref<40x128xf32, #tpu.memory_space<vmem_shared>>)
      tpu.yield
    }) : () -> ()
    %add3A_31 = arith.constant 520 : i32
    %add3A_32 = arith.addi %mul3A_0, %add3A_31 : i32
    "tpu.region"() ({
      %run_scoped3A = tpu.sem_alloc : memref<!tpu.dma_semaphore, #tpu.memory_space<semaphore_mem>>
      %dma_start3A_58 = arith.constant 0 : i32
      %dma_start3A_59 = tpu.memref_slice %arg6[%add3A_32, %dma_start3A_58] : memref<10240x128xf32, #tpu.memory_space<vmem_shared>> -> memref<40x128xf32, #tpu.memory_space<vmem_shared>>
      %dma_start3A_60 = arith.constant 0 : i32
      %dma_start3A_61 = tpu.memref_slice %arg6[%add3A_32, %dma_start3A_60] : memref<10240x128xf32, #tpu.memory_space<vmem_shared>> -> memref<40x128xf32, #tpu.memory_space<vmem_shared>>
      tpu.enqueue_dma source(%arg13 : memref<40x128xf32, #tpu.memory_space<vmem>>) target(%dma_start3A_61 : memref<40x128xf32, #tpu.memory_space<vmem_shared>>) target_semaphore(%run_scoped3A : memref<!tpu.dma_semaphore, #tpu.memory_space<semaphore_mem>>)
      %dma_wait3A_62 = arith.constant 0 : i32
      %dma_wait3A_63 = tpu.memref_slice %arg6[%add3A_32, %dma_wait3A_62] : memref<10240x128xf32, #tpu.memory_space<vmem_shared>> -> memref<40x128xf32, #tpu.memory_space<vmem_shared>>
      %dma_wait3A_64 = arith.constant 0 : i32
      %dma_wait3A_65 = tpu.memref_slice %arg6[%add3A_32, %dma_wait3A_64] : memref<10240x128xf32, #tpu.memory_space<vmem_shared>> -> memref<40x128xf32, #tpu.memory_space<vmem_shared>>
      tpu.wait_dma2 semaphore(%run_scoped3A : memref<!tpu.dma_semaphore, #tpu.memory_space<semaphore_mem>>) src(%arg13 : memref<40x128xf32, #tpu.memory_space<vmem>>) dst(%dma_wait3A_65 : memref<40x128xf32, #tpu.memory_space<vmem_shared>>)
      tpu.yield
    }) : () -> ()
    %add3A_33 = arith.constant 560 : i32
    %add3A_34 = arith.addi %mul3A_0, %add3A_33 : i32
    "tpu.region"() ({
      %run_scoped3A = tpu.sem_alloc : memref<!tpu.dma_semaphore, #tpu.memory_space<semaphore_mem>>
      %dma_start3A_58 = arith.constant 0 : i32
      %dma_start3A_59 = tpu.memref_slice %arg6[%add3A_34, %dma_start3A_58] : memref<10240x128xf32, #tpu.memory_space<vmem_shared>> -> memref<40x128xf32, #tpu.memory_space<vmem_shared>>
      %dma_start3A_60 = arith.constant 0 : i32
      %dma_start3A_61 = tpu.memref_slice %arg6[%add3A_34, %dma_start3A_60] : memref<10240x128xf32, #tpu.memory_space<vmem_shared>> -> memref<40x128xf32, #tpu.memory_space<vmem_shared>>
      tpu.enqueue_dma source(%arg13 : memref<40x128xf32, #tpu.memory_space<vmem>>) target(%dma_start3A_61 : memref<40x128xf32, #tpu.memory_space<vmem_shared>>) target_semaphore(%run_scoped3A : memref<!tpu.dma_semaphore, #tpu.memory_space<semaphore_mem>>)
      %dma_wait3A_62 = arith.constant 0 : i32
      %dma_wait3A_63 = tpu.memref_slice %arg6[%add3A_34, %dma_wait3A_62] : memref<10240x128xf32, #tpu.memory_space<vmem_shared>> -> memref<40x128xf32, #tpu.memory_space<vmem_shared>>
      %dma_wait3A_64 = arith.constant 0 : i32
      %dma_wait3A_65 = tpu.memref_slice %arg6[%add3A_34, %dma_wait3A_64] : memref<10240x128xf32, #tpu.memory_space<vmem_shared>> -> memref<40x128xf32, #tpu.memory_space<vmem_shared>>
      tpu.wait_dma2 semaphore(%run_scoped3A : memref<!tpu.dma_semaphore, #tpu.memory_space<semaphore_mem>>) src(%arg13 : memref<40x128xf32, #tpu.memory_space<vmem>>) dst(%dma_wait3A_65 : memref<40x128xf32, #tpu.memory_space<vmem_shared>>)
      tpu.yield
    }) : () -> ()
    %add3A_35 = arith.constant 600 : i32
    %add3A_36 = arith.addi %mul3A_0, %add3A_35 : i32
    "tpu.region"() ({
      %run_scoped3A = tpu.sem_alloc : memref<!tpu.dma_semaphore, #tpu.memory_space<semaphore_mem>>
      %dma_start3A_58 = arith.constant 0 : i32
      %dma_start3A_59 = tpu.memref_slice %arg6[%add3A_36, %dma_start3A_58] : memref<10240x128xf32, #tpu.memory_space<vmem_shared>> -> memref<40x128xf32, #tpu.memory_space<vmem_shared>>
      %dma_start3A_60 = arith.constant 0 : i32
      %dma_start3A_61 = tpu.memref_slice %arg6[%add3A_36, %dma_start3A_60] : memref<10240x128xf32, #tpu.memory_space<vmem_shared>> -> memref<40x128xf32, #tpu.memory_space<vmem_shared>>
      tpu.enqueue_dma source(%arg13 : memref<40x128xf32, #tpu.memory_space<vmem>>) target(%dma_start3A_61 : memref<40x128xf32, #tpu.memory_space<vmem_shared>>) target_semaphore(%run_scoped3A : memref<!tpu.dma_semaphore, #tpu.memory_space<semaphore_mem>>)
      %dma_wait3A_62 = arith.constant 0 : i32
      %dma_wait3A_63 = tpu.memref_slice %arg6[%add3A_36, %dma_wait3A_62] : memref<10240x128xf32, #tpu.memory_space<vmem_shared>> -> memref<40x128xf32, #tpu.memory_space<vmem_shared>>
      %dma_wait3A_64 = arith.constant 0 : i32
      %dma_wait3A_65 = tpu.memref_slice %arg6[%add3A_36, %dma_wait3A_64] : memref<10240x128xf32, #tpu.memory_space<vmem_shared>> -> memref<40x128xf32, #tpu.memory_space<vmem_shared>>
      tpu.wait_dma2 semaphore(%run_scoped3A : memref<!tpu.dma_semaphore, #tpu.memory_space<semaphore_mem>>) src(%arg13 : memref<40x128xf32, #tpu.memory_space<vmem>>) dst(%dma_wait3A_65 : memref<40x128xf32, #tpu.memory_space<vmem_shared>>)
      tpu.yield
    }) : () -> ()
    %barrier3A = arith.constant 0 : index
    tpu.barrier barrier_id(%barrier3A)
    %mul3A_37 = arith.constant 160000 : i32
    %mul3A_38 = arith.muli %arg0, %mul3A_37 : i32
    %mul3A_39 = arith.constant 10000 : i32
    %mul3A_40 = arith.muli %arg1, %mul3A_39 : i32
    %add3A_41 = arith.addi %mul3A_38, %mul3A_40 : i32
    %add3A_42 = arith.constant 0 : i32
    %add3A_43 = arith.addi %add3A_41, %add3A_42 : i32
    "tpu.region"() ({
      %run_scoped3A = tpu.sem_alloc : memref<!tpu.dma_semaphore, #tpu.memory_space<semaphore_mem>>
      %dma_start3A_58 = tpu.memref_slice %arg3[%add3A_43] : memref<320000xi32, #tpu.memory_space<hbm>> -> memref<16xi32, #tpu.memory_space<hbm>>
      %dma_start3A_59 = tpu.memref_slice %arg3[%add3A_43] : memref<320000xi32, #tpu.memory_space<hbm>> -> memref<16xi32, #tpu.memory_space<hbm>>
      tpu.enqueue_dma source(%dma_start3A_59 : memref<16xi32, #tpu.memory_space<hbm>>) target(%arg7 : memref<16xi32, #tpu.memory_space<vmem>>) target_semaphore(%run_scoped3A : memref<!tpu.dma_semaphore, #tpu.memory_space<semaphore_mem>>)
      %dma_wait3A_60 = tpu.memref_slice %arg3[%add3A_43] : memref<320000xi32, #tpu.memory_space<hbm>> -> memref<16xi32, #tpu.memory_space<hbm>>
      %dma_wait3A_61 = tpu.memref_slice %arg3[%add3A_43] : memref<320000xi32, #tpu.memory_space<hbm>> -> memref<16xi32, #tpu.memory_space<hbm>>
      tpu.wait_dma2 semaphore(%run_scoped3A : memref<!tpu.dma_semaphore, #tpu.memory_space<semaphore_mem>>) src(%dma_wait3A_61 : memref<16xi32, #tpu.memory_space<hbm>>) dst(%arg7 : memref<16xi32, #tpu.memory_space<vmem>>)
      tpu.yield
    }) : () -> ()
    "tpu.region"() ({
      %run_scoped3A = tpu.sem_alloc : memref<!tpu.dma_semaphore, #tpu.memory_space<semaphore_mem>>
      %dma_start3A_58 = tpu.memref_slice %arg4[%add3A_43] : memref<320000xi32, #tpu.memory_space<hbm>> -> memref<16xi32, #tpu.memory_space<hbm>>
      %dma_start3A_59 = tpu.memref_slice %arg4[%add3A_43] : memref<320000xi32, #tpu.memory_space<hbm>> -> memref<16xi32, #tpu.memory_space<hbm>>
      tpu.enqueue_dma source(%dma_start3A_59 : memref<16xi32, #tpu.memory_space<hbm>>) target(%arg8 : memref<16xi32, #tpu.memory_space<vmem>>) target_semaphore(%run_scoped3A : memref<!tpu.dma_semaphore, #tpu.memory_space<semaphore_mem>>)
      %dma_wait3A_60 = tpu.memref_slice %arg4[%add3A_43] : memref<320000xi32, #tpu.memory_space<hbm>> -> memref<16xi32, #tpu.memory_space<hbm>>
      %dma_wait3A_61 = tpu.memref_slice %arg4[%add3A_43] : memref<320000xi32, #tpu.memory_space<hbm>> -> memref<16xi32, #tpu.memory_space<hbm>>
      tpu.wait_dma2 semaphore(%run_scoped3A : memref<!tpu.dma_semaphore, #tpu.memory_space<semaphore_mem>>) src(%dma_wait3A_61 : memref<16xi32, #tpu.memory_space<hbm>>) dst(%arg8 : memref<16xi32, #tpu.memory_space<vmem>>)
      tpu.yield
    }) : () -> ()
    %dma_start3A = arith.constant 0 : i32
    %dma_start3A_44 = arith.constant 0 : i32
    %dma_start3A_45 = tpu.memref_slice %arg2[%dma_start3A, %dma_start3A_44] : memref<10000x128xf32, #tpu.memory_space<hbm>> -> memref<10000x128xf32, #tpu.memory_space<hbm>>
    tpu.enqueue_indirect_dma source(%dma_start3A_45 : memref<10000x128xf32, #tpu.memory_space<hbm>>) target(%arg11 : memref<16x128xf32, #tpu.memory_space<vmem>>) offsets(%arg7 : memref<16xi32, #tpu.memory_space<vmem>>) semaphore(%arg14 : memref<!tpu.dma_semaphore, #tpu.memory_space<semaphore_mem>>)
    %scan3A_46 = arith.constant 0 : i32
    %scan3A_47 = arith.constant 0 : i32
    %scan3A_48 = arith.constant 312 : i32
    %scan3A_49 = arith.addi %scan3A_47, %scan3A_48 : i32
    %scan3A_50 = arith.constant 1 : i32
    scf.for %scan3A_58 = %scan3A_47 to %scan3A_49 step %scan3A_50  : i32 {
      %mul3A_59 = arith.constant 2 : i32
      %mul3A_60 = arith.muli %mul3A_59, %scan3A_58 : i32
      %add3A_61 = arith.constant 1 : i32
      %add3A_62 = arith.addi %mul3A_60, %add3A_61 : i32
      %mul3A_63 = arith.constant 16 : i32
      %mul3A_64 = arith.muli %add3A_62, %mul3A_63 : i32
      %add3A_65 = arith.addi %add3A_41, %mul3A_64 : i32
      "tpu.region"() ({
        %run_scoped3A = tpu.sem_alloc : memref<!tpu.dma_semaphore, #tpu.memory_space<semaphore_mem>>
        %dma_start3A_83 = tpu.memref_slice %arg3[%add3A_65] : memref<320000xi32, #tpu.memory_space<hbm>> -> memref<16xi32, #tpu.memory_space<hbm>>
        %dma_start3A_84 = tpu.memref_slice %arg3[%add3A_65] : memref<320000xi32, #tpu.memory_space<hbm>> -> memref<16xi32, #tpu.memory_space<hbm>>
        tpu.enqueue_dma source(%dma_start3A_84 : memref<16xi32, #tpu.memory_space<hbm>>) target(%arg9 : memref<16xi32, #tpu.memory_space<vmem>>) target_semaphore(%run_scoped3A : memref<!tpu.dma_semaphore, #tpu.memory_space<semaphore_mem>>)
        %dma_wait3A_85 = tpu.memref_slice %arg3[%add3A_65] : memref<320000xi32, #tpu.memory_space<hbm>> -> memref<16xi32, #tpu.memory_space<hbm>>
        %dma_wait3A_86 = tpu.memref_slice %arg3[%add3A_65] : memref<320000xi32, #tpu.memory_space<hbm>> -> memref<16xi32, #tpu.memory_space<hbm>>
        tpu.wait_dma2 semaphore(%run_scoped3A : memref<!tpu.dma_semaphore, #tpu.memory_space<semaphore_mem>>) src(%dma_wait3A_86 : memref<16xi32, #tpu.memory_space<hbm>>) dst(%arg9 : memref<16xi32, #tpu.memory_space<vmem>>)
        tpu.yield
      }) : () -> ()
      "tpu.region"() ({
        %run_scoped3A = tpu.sem_alloc : memref<!tpu.dma_semaphore, #tpu.memory_space<semaphore_mem>>
        %dma_start3A_83 = tpu.memref_slice %arg4[%add3A_65] : memref<320000xi32, #tpu.memory_space<hbm>> -> memref<16xi32, #tpu.memory_space<hbm>>
        %dma_start3A_84 = tpu.memref_slice %arg4[%add3A_65] : memref<320000xi32, #tpu.memory_space<hbm>> -> memref<16xi32, #tpu.memory_space<hbm>>
        tpu.enqueue_dma source(%dma_start3A_84 : memref<16xi32, #tpu.memory_space<hbm>>) target(%arg10 : memref<16xi32, #tpu.memory_space<vmem>>) target_semaphore(%run_scoped3A : memref<!tpu.dma_semaphore, #tpu.memory_space<semaphore_mem>>)
        %dma_wait3A_85 = tpu.memref_slice %arg4[%add3A_65] : memref<320000xi32, #tpu.memory_space<hbm>> -> memref<16xi32, #tpu.memory_space<hbm>>
        %dma_wait3A_86 = tpu.memref_slice %arg4[%add3A_65] : memref<320000xi32, #tpu.memory_space<hbm>> -> memref<16xi32, #tpu.memory_space<hbm>>
        tpu.wait_dma2 semaphore(%run_scoped3A : memref<!tpu.dma_semaphore, #tpu.memory_space<semaphore_mem>>) src(%dma_wait3A_86 : memref<16xi32, #tpu.memory_space<hbm>>) dst(%arg10 : memref<16xi32, #tpu.memory_space<vmem>>)
        tpu.yield
      }) : () -> ()
      %dma_start3A_66 = arith.constant 0 : i32
      %dma_start3A_67 = arith.constant 0 : i32
      %dma_start3A_68 = tpu.memref_slice %arg2[%dma_start3A_66, %dma_start3A_67] : memref<10000x128xf32, #tpu.memory_space<hbm>> -> memref<10000x128xf32, #tpu.memory_space<hbm>>
      tpu.enqueue_indirect_dma source(%dma_start3A_68 : memref<10000x128xf32, #tpu.memory_space<hbm>>) target(%arg12 : memref<16x128xf32, #tpu.memory_space<vmem>>) offsets(%arg9 : memref<16xi32, #tpu.memory_space<vmem>>) semaphore(%arg15 : memref<!tpu.dma_semaphore, #tpu.memory_space<semaphore_mem>>)
      %dma_wait3A_69 = arith.constant 0 : i32
      %dma_wait3A_70 = arith.constant 0 : i32
      %dma_wait3A_71 = tpu.memref_slice %arg2[%dma_wait3A_69, %dma_wait3A_70] : memref<10000x128xf32, #tpu.memory_space<hbm>> -> memref<10000x128xf32, #tpu.memory_space<hbm>>
      tpu.wait_indirect_dma semaphore(%arg14 : memref<!tpu.dma_semaphore, #tpu.memory_space<semaphore_mem>>) src(%dma_wait3A_71 : memref<10000x128xf32, #tpu.memory_space<hbm>>) dst(%arg11 : memref<16x128xf32, #tpu.memory_space<vmem>>)
      "tpu.region"() ({
        %run_scoped3A = tpu.sem_alloc : memref<!tpu.dma_semaphore, #tpu.memory_space<semaphore_mem>>
        %dma_start3A_83 = arith.constant 0 : i32
        %dma_start3A_84 = arith.constant 0 : i32
        %dma_start3A_85 = tpu.memref_slice %arg6[%dma_start3A_83, %dma_start3A_84] : memref<10240x128xf32, #tpu.memory_space<vmem_shared>> -> memref<10240x128xf32, #tpu.memory_space<vmem_shared>>
        tpu.enqueue_indirect_dma source(%arg11 : memref<16x128xf32, #tpu.memory_space<vmem>>) target(%dma_start3A_85 : memref<10240x128xf32, #tpu.memory_space<vmem_shared>>) offsets(%arg8 : memref<16xi32, #tpu.memory_space<vmem>>) semaphore(%run_scoped3A : memref<!tpu.dma_semaphore, #tpu.memory_space<semaphore_mem>>) {add = true}
        %dma_wait3A_86 = arith.constant 0 : i32
        %dma_wait3A_87 = arith.constant 0 : i32
        %dma_wait3A_88 = tpu.memref_slice %arg6[%dma_wait3A_86, %dma_wait3A_87] : memref<10240x128xf32, #tpu.memory_space<vmem_shared>> -> memref<10240x128xf32, #tpu.memory_space<vmem_shared>>
        tpu.wait_indirect_dma semaphore(%run_scoped3A : memref<!tpu.dma_semaphore, #tpu.memory_space<semaphore_mem>>) src(%arg11 : memref<16x128xf32, #tpu.memory_space<vmem>>) dst(%dma_wait3A_88 : memref<10240x128xf32, #tpu.memory_space<vmem_shared>>)
        tpu.yield
      }) : () -> ()
      %add3A_72 = arith.constant 2 : i32
      %add3A_73 = arith.addi %mul3A_60, %add3A_72 : i32
      %mul3A_74 = arith.constant 16 : i32
      %mul3A_75 = arith.muli %add3A_73, %mul3A_74 : i32
      %add3A_76 = arith.addi %add3A_41, %mul3A_75 : i32
      "tpu.region"() ({
        %run_scoped3A = tpu.sem_alloc : memref<!tpu.dma_semaphore, #tpu.memory_space<semaphore_mem>>
        %dma_start3A_83 = tpu.memref_slice %arg3[%add3A_76] : memref<320000xi32, #tpu.memory_space<hbm>> -> memref<16xi32, #tpu.memory_space<hbm>>
        %dma_start3A_84 = tpu.memref_slice %arg3[%add3A_76] : memref<320000xi32, #tpu.memory_space<hbm>> -> memref<16xi32, #tpu.memory_space<hbm>>
        tpu.enqueue_dma source(%dma_start3A_84 : memref<16xi32, #tpu.memory_space<hbm>>) target(%arg7 : memref<16xi32, #tpu.memory_space<vmem>>) target_semaphore(%run_scoped3A : memref<!tpu.dma_semaphore, #tpu.memory_space<semaphore_mem>>)
        %dma_wait3A_85 = tpu.memref_slice %arg3[%add3A_76] : memref<320000xi32, #tpu.memory_space<hbm>> -> memref<16xi32, #tpu.memory_space<hbm>>
        %dma_wait3A_86 = tpu.memref_slice %arg3[%add3A_76] : memref<320000xi32, #tpu.memory_space<hbm>> -> memref<16xi32, #tpu.memory_space<hbm>>
        tpu.wait_dma2 semaphore(%run_scoped3A : memref<!tpu.dma_semaphore, #tpu.memory_space<semaphore_mem>>) src(%dma_wait3A_86 : memref<16xi32, #tpu.memory_space<hbm>>) dst(%arg7 : memref<16xi32, #tpu.memory_space<vmem>>)
        tpu.yield
      }) : () -> ()
      "tpu.region"() ({
        %run_scoped3A = tpu.sem_alloc : memref<!tpu.dma_semaphore, #tpu.memory_space<semaphore_mem>>
        %dma_start3A_83 = tpu.memref_slice %arg4[%add3A_76] : memref<320000xi32, #tpu.memory_space<hbm>> -> memref<16xi32, #tpu.memory_space<hbm>>
        %dma_start3A_84 = tpu.memref_slice %arg4[%add3A_76] : memref<320000xi32, #tpu.memory_space<hbm>> -> memref<16xi32, #tpu.memory_space<hbm>>
        tpu.enqueue_dma source(%dma_start3A_84 : memref<16xi32, #tpu.memory_space<hbm>>) target(%arg8 : memref<16xi32, #tpu.memory_space<vmem>>) target_semaphore(%run_scoped3A : memref<!tpu.dma_semaphore, #tpu.memory_space<semaphore_mem>>)
        %dma_wait3A_85 = tpu.memref_slice %arg4[%add3A_76] : memref<320000xi32, #tpu.memory_space<hbm>> -> memref<16xi32, #tpu.memory_space<hbm>>
        %dma_wait3A_86 = tpu.memref_slice %arg4[%add3A_76] : memref<320000xi32, #tpu.memory_space<hbm>> -> memref<16xi32, #tpu.memory_space<hbm>>
        tpu.wait_dma2 semaphore(%run_scoped3A : memref<!tpu.dma_semaphore, #tpu.memory_space<semaphore_mem>>) src(%dma_wait3A_86 : memref<16xi32, #tpu.memory_space<hbm>>) dst(%arg8 : memref<16xi32, #tpu.memory_space<vmem>>)
        tpu.yield
      }) : () -> ()
      %dma_start3A_77 = arith.constant 0 : i32
      %dma_start3A_78 = arith.constant 0 : i32
      %dma_start3A_79 = tpu.memref_slice %arg2[%dma_start3A_77, %dma_start3A_78] : memref<10000x128xf32, #tpu.memory_space<hbm>> -> memref<10000x128xf32, #tpu.memory_space<hbm>>
      tpu.enqueue_indirect_dma source(%dma_start3A_79 : memref<10000x128xf32, #tpu.memory_space<hbm>>) target(%arg11 : memref<16x128xf32, #tpu.memory_space<vmem>>) offsets(%arg7 : memref<16xi32, #tpu.memory_space<vmem>>) semaphore(%arg14 : memref<!tpu.dma_semaphore, #tpu.memory_space<semaphore_mem>>)
      %dma_wait3A_80 = arith.constant 0 : i32
      %dma_wait3A_81 = arith.constant 0 : i32
      %dma_wait3A_82 = tpu.memref_slice %arg2[%dma_wait3A_80, %dma_wait3A_81] : memref<10000x128xf32, #tpu.memory_space<hbm>> -> memref<10000x128xf32, #tpu.memory_space<hbm>>
      tpu.wait_indirect_dma semaphore(%arg15 : memref<!tpu.dma_semaphore, #tpu.memory_space<semaphore_mem>>) src(%dma_wait3A_82 : memref<10000x128xf32, #tpu.memory_space<hbm>>) dst(%arg12 : memref<16x128xf32, #tpu.memory_space<vmem>>)
      "tpu.region"() ({
        %run_scoped3A = tpu.sem_alloc : memref<!tpu.dma_semaphore, #tpu.memory_space<semaphore_mem>>
        %dma_start3A_83 = arith.constant 0 : i32
        %dma_start3A_84 = arith.constant 0 : i32
        %dma_start3A_85 = tpu.memref_slice %arg6[%dma_start3A_83, %dma_start3A_84] : memref<10240x128xf32, #tpu.memory_space<vmem_shared>> -> memref<10240x128xf32, #tpu.memory_space<vmem_shared>>
        tpu.enqueue_indirect_dma source(%arg12 : memref<16x128xf32, #tpu.memory_space<vmem>>) target(%dma_start3A_85 : memref<10240x128xf32, #tpu.memory_space<vmem_shared>>) offsets(%arg10 : memref<16xi32, #tpu.memory_space<vmem>>) semaphore(%run_scoped3A : memref<!tpu.dma_semaphore, #tpu.memory_space<semaphore_mem>>) {add = true}
        %dma_wait3A_86 = arith.constant 0 : i32
        %dma_wait3A_87 = arith.constant 0 : i32
        %dma_wait3A_88 = tpu.memref_slice %arg6[%dma_wait3A_86, %dma_wait3A_87] : memref<10240x128xf32, #tpu.memory_space<vmem_shared>> -> memref<10240x128xf32, #tpu.memory_space<vmem_shared>>
        tpu.wait_indirect_dma semaphore(%run_scoped3A : memref<!tpu.dma_semaphore, #tpu.memory_space<semaphore_mem>>) src(%arg12 : memref<16x128xf32, #tpu.memory_space<vmem>>) dst(%dma_wait3A_88 : memref<10240x128xf32, #tpu.memory_space<vmem_shared>>)
        tpu.yield
      }) : () -> ()
    }
    %scan3A_51 = arith.constant 312 : i32
    %dma_wait3A = arith.constant 0 : i32
    %dma_wait3A_52 = arith.constant 0 : i32
    %dma_wait3A_53 = tpu.memref_slice %arg2[%dma_wait3A, %dma_wait3A_52] : memref<10000x128xf32, #tpu.memory_space<hbm>> -> memref<10000x128xf32, #tpu.memory_space<hbm>>
    tpu.wait_indirect_dma semaphore(%arg14 : memref<!tpu.dma_semaphore, #tpu.memory_space<semaphore_mem>>) src(%dma_wait3A_53 : memref<10000x128xf32, #tpu.memory_space<hbm>>) dst(%arg11 : memref<16x128xf32, #tpu.memory_space<vmem>>)
    "tpu.region"() ({
      %run_scoped3A = tpu.sem_alloc : memref<!tpu.dma_semaphore, #tpu.memory_space<semaphore_mem>>
      %dma_start3A_58 = arith.constant 0 : i32
      %dma_start3A_59 = arith.constant 0 : i32
      %dma_start3A_60 = tpu.memref_slice %arg6[%dma_start3A_58, %dma_start3A_59] : memref<10240x128xf32, #tpu.memory_space<vmem_shared>> -> memref<10240x128xf32, #tpu.memory_space<vmem_shared>>
      tpu.enqueue_indirect_dma source(%arg11 : memref<16x128xf32, #tpu.memory_space<vmem>>) target(%dma_start3A_60 : memref<10240x128xf32, #tpu.memory_space<vmem_shared>>) offsets(%arg8 : memref<16xi32, #tpu.memory_space<vmem>>) semaphore(%run_scoped3A : memref<!tpu.dma_semaphore, #tpu.memory_space<semaphore_mem>>) {add = true}
      %dma_wait3A_61 = arith.constant 0 : i32
      %dma_wait3A_62 = arith.constant 0 : i32
      %dma_wait3A_63 = tpu.memref_slice %arg6[%dma_wait3A_61, %dma_wait3A_62] : memref<10240x128xf32, #tpu.memory_space<vmem_shared>> -> memref<10240x128xf32, #tpu.memory_space<vmem_shared>>
      tpu.wait_indirect_dma semaphore(%run_scoped3A : memref<!tpu.dma_semaphore, #tpu.memory_space<semaphore_mem>>) src(%arg11 : memref<16x128xf32, #tpu.memory_space<vmem>>) dst(%dma_wait3A_63 : memref<10240x128xf32, #tpu.memory_space<vmem_shared>>)
      tpu.yield
    }) : () -> ()
    %barrier3A_54 = arith.constant 0 : index
    tpu.barrier barrier_id(%barrier3A_54)
    %mul3A_55 = arith.constant 10240 : i32
    %mul3A_56 = arith.muli %arg0, %mul3A_55 : i32
    %add3A_57 = arith.addi %mul3A_56, %mul3A_0 : i32
    "tpu.region"() ({
      %run_scoped3A = tpu.sem_alloc : memref<!tpu.dma_semaphore, #tpu.memory_space<semaphore_mem>>
      %dma_start3A_58 = arith.constant 0 : i32
      %dma_start3A_59 = tpu.memref_slice %arg5[%add3A_57, %dma_start3A_58] : memref<20480x128xf32, #tpu.memory_space<hbm>> -> memref<640x128xf32, #tpu.memory_space<hbm>>
      %dma_start3A_60 = arith.constant 0 : i32
      %dma_start3A_61 = tpu.memref_slice %arg6[%mul3A_0, %dma_start3A_60] : memref<10240x128xf32, #tpu.memory_space<vmem_shared>> -> memref<640x128xf32, #tpu.memory_space<vmem_shared>>
      tpu.enqueue_dma source(%dma_start3A_61 : memref<640x128xf32, #tpu.memory_space<vmem_shared>>) target(%dma_start3A_59 : memref<640x128xf32, #tpu.memory_space<hbm>>) target_semaphore(%run_scoped3A : memref<!tpu.dma_semaphore, #tpu.memory_space<semaphore_mem>>)
      %dma_wait3A_62 = arith.constant 0 : i32
      %dma_wait3A_63 = tpu.memref_slice %arg5[%add3A_57, %dma_wait3A_62] : memref<20480x128xf32, #tpu.memory_space<hbm>> -> memref<640x128xf32, #tpu.memory_space<hbm>>
      %dma_wait3A_64 = arith.constant 0 : i32
      %dma_wait3A_65 = tpu.memref_slice %arg6[%mul3A_0, %dma_wait3A_64] : memref<10240x128xf32, #tpu.memory_space<vmem_shared>> -> memref<640x128xf32, #tpu.memory_space<vmem_shared>>
      tpu.wait_dma2 semaphore(%run_scoped3A : memref<!tpu.dma_semaphore, #tpu.memory_space<semaphore_mem>>) src(%dma_wait3A_65 : memref<640x128xf32, #tpu.memory_space<vmem_shared>>) dst(%dma_wait3A_63 : memref<640x128xf32, #tpu.memory_space<hbm>>)
      tpu.yield
    }) : () -> ()
    return
  }
}

module attributes {stable_mosaic.version = 14 : i64} {
  func.func @_layer0_body(%arg0: i32, %arg1: memref<1000x128xf32, #tpu.memory_space<vmem>>, %arg2: memref<1000x128xf32, #tpu.memory_space<vmem>>, %arg3: memref<1000x128xf32, #tpu.memory_space<vmem>>, %arg4: memref<1000x16xf32, #tpu.memory_space<vmem>>, %arg5: memref<1000x16xf32, #tpu.memory_space<vmem>>, %arg6: memref<128x128xf32, #tpu.memory_space<vmem>>, %arg7: memref<1x128xf32, #tpu.memory_space<vmem>>, %arg8: memref<128x256xf32, #tpu.memory_space<vmem>>, %arg9: memref<1x128xf32, #tpu.memory_space<vmem>>, %arg10: memref<16x128xf32, #tpu.memory_space<vmem>>, %arg11: memref<1x16xf32, #tpu.memory_space<vmem>>, %arg12: memref<1x16xf32, #tpu.memory_space<vmem>>, %arg13: memref<1x128xf32, #tpu.memory_space<vmem>>, %arg14: memref<1x128xf32, #tpu.memory_space<vmem>>, %arg15: memref<1x128xf32, #tpu.memory_space<vmem>>, %arg16: memref<1x128xf32, #tpu.memory_space<vmem>>, %arg17: memref<1000x128xf32, #tpu.memory_space<vmem>>, %arg18: memref<1000x3xf32, #tpu.memory_space<vmem>>) attributes {dimension_semantics = [#tpu.dimension_semantics<arbitrary>], iteration_bounds = array<i64: 10>, scalar_prefetch = 0 : i64, scratch_operands = 0 : i64, tpu.core_type = #tpu.core_type<tc>, window_params = [{transform_indices = @transform_0, window_bounds = array<i64: 1000, 128>}, {transform_indices = @transform_1, window_bounds = array<i64: 1000, 128>}, {transform_indices = @transform_2, window_bounds = array<i64: 1000, 128>}, {transform_indices = @transform_3, window_bounds = array<i64: 1000, 16>}, {transform_indices = @transform_4, window_bounds = array<i64: 1000, 16>}, {pipeline_mode = #tpu.pipeline_mode<synchronous>, transform_indices = @transform_5, window_bounds = array<i64: 128, 128>}, {pipeline_mode = #tpu.pipeline_mode<synchronous>, transform_indices = @transform_6, window_bounds = array<i64: 1, 128>}, {pipeline_mode = #tpu.pipeline_mode<synchronous>, transform_indices = @transform_7, window_bounds = array<i64: 128, 256>}, {pipeline_mode = #tpu.pipeline_mode<synchronous>, transform_indices = @transform_8, window_bounds = array<i64: 1, 128>}, {pipeline_mode = #tpu.pipeline_mode<synchronous>, transform_indices = @transform_9, window_bounds = array<i64: 16, 128>}, {pipeline_mode = #tpu.pipeline_mode<synchronous>, transform_indices = @transform_10, window_bounds = array<i64: 1, 16>}, {pipeline_mode = #tpu.pipeline_mode<synchronous>, transform_indices = @transform_11, window_bounds = array<i64: 1, 16>}, {pipeline_mode = #tpu.pipeline_mode<synchronous>, transform_indices = @transform_12, window_bounds = array<i64: 1, 128>}, {pipeline_mode = #tpu.pipeline_mode<synchronous>, transform_indices = @transform_13, window_bounds = array<i64: 1, 128>}, {pipeline_mode = #tpu.pipeline_mode<synchronous>, transform_indices = @transform_14, window_bounds = array<i64: 1, 128>}, {pipeline_mode = #tpu.pipeline_mode<synchronous>, transform_indices = @transform_15, window_bounds = array<i64: 1, 128>}, {transform_indices = @transform_16, window_bounds = array<i64: 1000, 128>}, {transform_indices = @transform_17, window_bounds = array<i64: 1000, 3>}]} {
    %get3A = arith.constant 0 : index
    %get3A_0 = arith.constant 0 : index
    %get3A_1 = vector.load %arg1[%get3A, %get3A_0] : memref<1000x128xf32, #tpu.memory_space<vmem>>, vector<1000x128xf32>
    %get3A_2 = arith.constant 0 : index
    %get3A_3 = arith.constant 0 : index
    %get3A_4 = vector.load %arg4[%get3A_2, %get3A_3] : memref<1000x16xf32, #tpu.memory_space<vmem>>, vector<1000x1xf32>
    %get3A_5 = arith.constant 0 : index
    %get3A_6 = arith.constant 0 : index
    %get3A_7 = vector.load %arg5[%get3A_5, %get3A_6] : memref<1000x16xf32, #tpu.memory_space<vmem>>, vector<1000x1xf32>
    %get3A_8 = arith.constant 0 : index
    %get3A_9 = arith.constant 0 : index
    %get3A_10 = vector.load %arg2[%get3A_8, %get3A_9] : memref<1000x128xf32, #tpu.memory_space<vmem>>, vector<1000x128xf32>
    %get3A_11 = arith.constant 0 : index
    %get3A_12 = arith.constant 0 : index
    %get3A_13 = vector.load %arg3[%get3A_11, %get3A_12] : memref<1000x128xf32, #tpu.memory_space<vmem>>, vector<1000x128xf32>
    %get3A_14 = arith.constant 0 : index
    %get3A_15 = arith.constant 0 : index
    %get3A_16 = vector.load %arg8[%get3A_14, %get3A_15] : memref<128x256xf32, #tpu.memory_space<vmem>>, vector<128x256xf32>
    %slice3A = vector.extract_strided_slice %get3A_16 {offsets = [0, 0], sizes = [128, 128], strides = [1, 1]} : vector<128x256xf32> to vector<128x128xf32>
    %slice3A_17 = vector.extract_strided_slice %get3A_16 {offsets = [0, 128], sizes = [128, 128], strides = [1, 1]} : vector<128x256xf32> to vector<128x128xf32>
    %get3A_18 = arith.constant 0 : index
    %get3A_19 = arith.constant 0 : index
    %get3A_20 = vector.load %arg9[%get3A_18, %get3A_19] : memref<1x128xf32, #tpu.memory_space<vmem>>, vector<1x128xf32>
    %get3A_21 = arith.constant 0 : index
    %get3A_22 = arith.constant 0 : index
    %get3A_23 = vector.load %arg6[%get3A_21, %get3A_22] : memref<128x128xf32, #tpu.memory_space<vmem>>, vector<128x128xf32>
    %dot_general3A = arith.constant dense<0.000000e+00> : vector<1000x128xf32>
    %dot_general3A_24 = tpu.matmul %get3A_1, %get3A_23, %dot_general3A {dimension_numbers = #tpu.dot_dimension_numbers<[1], [1], [0], [0], [0, 0, 1, 0], [], []>, transpose_lhs_hint = false} : vector<1000x128xf32>, vector<128x128xf32>, vector<1000x128xf32> -> vector<1000x128xf32>
    %get3A_25 = arith.constant 0 : index
    %get3A_26 = arith.constant 0 : index
    %get3A_27 = vector.load %arg7[%get3A_25, %get3A_26] : memref<1x128xf32, #tpu.memory_space<vmem>>, vector<1x128xf32>
    %add3A = vector.broadcast %get3A_27 : vector<1x128xf32> to vector<1000x128xf32>
    %add3A_28 = arith.addf %dot_general3A_24, %add3A : vector<1000x128xf32>
    %mul3A = vector.broadcast %get3A_4 : vector<1000x1xf32> to vector<1000x128xf32>
    %mul3A_29 = arith.mulf %mul3A, %get3A_1 : vector<1000x128xf32>
    %sub3A = arith.subf %mul3A_29, %get3A_10 : vector<1000x128xf32>
    %dot_general3A_30 = arith.constant dense<0.000000e+00> : vector<1000x128xf32>
    %dot_general3A_31 = tpu.matmul %sub3A, %slice3A, %dot_general3A_30 {dimension_numbers = #tpu.dot_dimension_numbers<[1], [1], [0], [0], [0, 0, 1, 0], [], []>, transpose_lhs_hint = false} : vector<1000x128xf32>, vector<128x128xf32>, vector<1000x128xf32> -> vector<1000x128xf32>
    %dot_general3A_32 = arith.constant dense<0.000000e+00> : vector<1000x128xf32>
    %dot_general3A_33 = tpu.matmul %get3A_10, %slice3A_17, %dot_general3A_32 {dimension_numbers = #tpu.dot_dimension_numbers<[1], [1], [0], [0], [0, 0, 1, 0], [], []>, transpose_lhs_hint = false} : vector<1000x128xf32>, vector<128x128xf32>, vector<1000x128xf32> -> vector<1000x128xf32>
    %add3A_34 = arith.addf %dot_general3A_31, %dot_general3A_33 : vector<1000x128xf32>
    %add3A_35 = vector.broadcast %get3A_20 : vector<1x128xf32> to vector<1000x128xf32>
    %add3A_36 = arith.addf %add3A_34, %add3A_35 : vector<1000x128xf32>
    %mul3A_37 = vector.broadcast %get3A_7 : vector<1000x1xf32> to vector<1000x128xf32>
    %mul3A_38 = arith.mulf %mul3A_37, %get3A_1 : vector<1000x128xf32>
    %sub3A_39 = arith.subf %mul3A_38, %get3A_13 : vector<1000x128xf32>
    %dot_general3A_40 = arith.constant dense<0.000000e+00> : vector<1000x128xf32>
    %dot_general3A_41 = tpu.matmul %sub3A_39, %slice3A, %dot_general3A_40 {dimension_numbers = #tpu.dot_dimension_numbers<[1], [1], [0], [0], [0, 0, 1, 0], [], []>, transpose_lhs_hint = false} : vector<1000x128xf32>, vector<128x128xf32>, vector<1000x128xf32> -> vector<1000x128xf32>
    %dot_general3A_42 = arith.constant dense<0.000000e+00> : vector<1000x128xf32>
    %dot_general3A_43 = tpu.matmul %get3A_13, %slice3A_17, %dot_general3A_42 {dimension_numbers = #tpu.dot_dimension_numbers<[1], [1], [0], [0], [0, 0, 1, 0], [], []>, transpose_lhs_hint = false} : vector<1000x128xf32>, vector<128x128xf32>, vector<1000x128xf32> -> vector<1000x128xf32>
    %add3A_44 = arith.addf %dot_general3A_41, %dot_general3A_43 : vector<1000x128xf32>
    %add3A_45 = vector.broadcast %get3A_20 : vector<1x128xf32> to vector<1000x128xf32>
    %add3A_46 = arith.addf %add3A_44, %add3A_45 : vector<1000x128xf32>
    %get3A_47 = arith.constant 0 : index
    %get3A_48 = arith.constant 0 : index
    %get3A_49 = vector.load %arg10[%get3A_47, %get3A_48] : memref<16x128xf32, #tpu.memory_space<vmem>>, vector<16x128xf32>
    %get3A_50 = arith.constant 0 : index
    %get3A_51 = arith.constant 0 : index
    %get3A_52 = vector.load %arg11[%get3A_50, %get3A_51] : memref<1x16xf32, #tpu.memory_space<vmem>>, vector<1x16xf32>
    %get3A_53 = arith.constant 0 : index
    %get3A_54 = arith.constant 0 : index
    %get3A_55 = vector.load %arg12[%get3A_53, %get3A_54] : memref<1x16xf32, #tpu.memory_space<vmem>>, vector<1x16xf32>
    %convert_element_type3A = arith.truncf %get3A_55 : vector<1x16xf32> to vector<1x16xbf16>
    %convert_element_type3A_56 = arith.extf %convert_element_type3A : vector<1x16xbf16> to vector<1x16xf32>
    %dot_general3A_57 = arith.constant dense<0.000000e+00> : vector<1000x16xf32>
    %dot_general3A_58 = tpu.matmul %add3A_28, %get3A_49, %dot_general3A_57 {dimension_numbers = #tpu.dot_dimension_numbers<[1], [1], [0], [0], [0, 0, 1, 0], [], []>, transpose_lhs_hint = false} : vector<1000x128xf32>, vector<16x128xf32>, vector<1000x16xf32> -> vector<1000x16xf32>
    %add3A_59 = vector.broadcast %get3A_52 : vector<1x16xf32> to vector<1000x16xf32>
    %add3A_60 = arith.addf %dot_general3A_58, %add3A_59 : vector<1000x16xf32>
    %tanh3A = math.tanh %add3A_60 : vector<1000x16xf32>
    %convert_element_type3A_61 = arith.truncf %tanh3A : vector<1000x16xf32> to vector<1000x16xbf16>
    %convert_element_type3A_62 = arith.extf %convert_element_type3A_61 : vector<1000x16xbf16> to vector<1000x16xf32>
    %dot_general3A_63 = arith.constant dense<0.000000e+00> : vector<1000x1xf32>
    %dot_general3A_64 = tpu.matmul %convert_element_type3A_62, %convert_element_type3A_56, %dot_general3A_63 {dimension_numbers = #tpu.dot_dimension_numbers<[1], [1], [0], [0], [0, 0, 1, 0], [], []>, transpose_lhs_hint = false} : vector<1000x16xf32>, vector<1x16xf32>, vector<1000x1xf32> -> vector<1000x1xf32>
    %tanh3A_65 = math.tanh %dot_general3A_64 : vector<1000x1xf32>
    %dot_general3A_66 = arith.constant dense<0.000000e+00> : vector<1000x16xf32>
    %dot_general3A_67 = tpu.matmul %add3A_36, %get3A_49, %dot_general3A_66 {dimension_numbers = #tpu.dot_dimension_numbers<[1], [1], [0], [0], [0, 0, 1, 0], [], []>, transpose_lhs_hint = false} : vector<1000x128xf32>, vector<16x128xf32>, vector<1000x16xf32> -> vector<1000x16xf32>
    %add3A_68 = vector.broadcast %get3A_52 : vector<1x16xf32> to vector<1000x16xf32>
    %add3A_69 = arith.addf %dot_general3A_67, %add3A_68 : vector<1000x16xf32>
    %tanh3A_70 = math.tanh %add3A_69 : vector<1000x16xf32>
    %convert_element_type3A_71 = arith.truncf %tanh3A_70 : vector<1000x16xf32> to vector<1000x16xbf16>
    %convert_element_type3A_72 = arith.extf %convert_element_type3A_71 : vector<1000x16xbf16> to vector<1000x16xf32>
    %dot_general3A_73 = arith.constant dense<0.000000e+00> : vector<1000x1xf32>
    %dot_general3A_74 = tpu.matmul %convert_element_type3A_72, %convert_element_type3A_56, %dot_general3A_73 {dimension_numbers = #tpu.dot_dimension_numbers<[1], [1], [0], [0], [0, 0, 1, 0], [], []>, transpose_lhs_hint = false} : vector<1000x16xf32>, vector<1x16xf32>, vector<1000x1xf32> -> vector<1000x1xf32>
    %tanh3A_75 = math.tanh %dot_general3A_74 : vector<1000x1xf32>
    %dot_general3A_76 = arith.constant dense<0.000000e+00> : vector<1000x16xf32>
    %dot_general3A_77 = tpu.matmul %add3A_46, %get3A_49, %dot_general3A_76 {dimension_numbers = #tpu.dot_dimension_numbers<[1], [1], [0], [0], [0, 0, 1, 0], [], []>, transpose_lhs_hint = false} : vector<1000x128xf32>, vector<16x128xf32>, vector<1000x16xf32> -> vector<1000x16xf32>
    %add3A_78 = vector.broadcast %get3A_52 : vector<1x16xf32> to vector<1000x16xf32>
    %add3A_79 = arith.addf %dot_general3A_77, %add3A_78 : vector<1000x16xf32>
    %tanh3A_80 = math.tanh %add3A_79 : vector<1000x16xf32>
    %convert_element_type3A_81 = arith.truncf %tanh3A_80 : vector<1000x16xf32> to vector<1000x16xbf16>
    %convert_element_type3A_82 = arith.extf %convert_element_type3A_81 : vector<1000x16xbf16> to vector<1000x16xf32>
    %dot_general3A_83 = arith.constant dense<0.000000e+00> : vector<1000x1xf32>
    %dot_general3A_84 = tpu.matmul %convert_element_type3A_82, %convert_element_type3A_56, %dot_general3A_83 {dimension_numbers = #tpu.dot_dimension_numbers<[1], [1], [0], [0], [0, 0, 1, 0], [], []>, transpose_lhs_hint = false} : vector<1000x16xf32>, vector<1x16xf32>, vector<1000x1xf32> -> vector<1000x1xf32>
    %tanh3A_85 = math.tanh %dot_general3A_84 : vector<1000x1xf32>
    %mul3A_86 = vector.broadcast %tanh3A_65 : vector<1000x1xf32> to vector<1000x128xf32>
    %mul3A_87 = arith.mulf %mul3A_86, %add3A_28 : vector<1000x128xf32>
    %mul3A_88 = vector.broadcast %tanh3A_75 : vector<1000x1xf32> to vector<1000x128xf32>
    %mul3A_89 = arith.mulf %mul3A_88, %add3A_36 : vector<1000x128xf32>
    %add3A_90 = arith.addf %mul3A_87, %mul3A_89 : vector<1000x128xf32>
    %mul3A_91 = vector.broadcast %tanh3A_85 : vector<1000x1xf32> to vector<1000x128xf32>
    %mul3A_92 = arith.mulf %mul3A_91, %add3A_46 : vector<1000x128xf32>
    %add3A_93 = arith.addf %add3A_90, %mul3A_92 : vector<1000x128xf32>
    %get3A_94 = arith.constant 0 : index
    %get3A_95 = arith.constant 0 : index
    %get3A_96 = vector.load %arg13[%get3A_94, %get3A_95] : memref<1x128xf32, #tpu.memory_space<vmem>>, vector<1x128xf32>
    %get3A_97 = arith.constant 0 : index
    %get3A_98 = arith.constant 0 : index
    %get3A_99 = vector.load %arg14[%get3A_97, %get3A_98] : memref<1x128xf32, #tpu.memory_space<vmem>>, vector<1x128xf32>
    %get3A_100 = arith.constant 0 : index
    %get3A_101 = arith.constant 0 : index
    %get3A_102 = vector.load %arg15[%get3A_100, %get3A_101] : memref<1x128xf32, #tpu.memory_space<vmem>>, vector<1x128xf32>
    %get3A_103 = arith.constant 0 : index
    %get3A_104 = arith.constant 0 : index
    %get3A_105 = vector.load %arg16[%get3A_103, %get3A_104] : memref<1x128xf32, #tpu.memory_space<vmem>>, vector<1x128xf32>
    %sub3A_106 = vector.broadcast %get3A_102 : vector<1x128xf32> to vector<1000x128xf32>
    %sub3A_107 = arith.subf %add3A_93, %sub3A_106 : vector<1000x128xf32>
    %add3A_108 = arith.constant 9.99999974E-6 : f32
    %add3A_109 = vector.broadcast %add3A_108 : f32 to vector<1x128xf32>
    %add3A_110 = arith.addf %get3A_105, %add3A_109 : vector<1x128xf32>
    %sqrt3A = math.sqrt %add3A_110 : vector<1x128xf32>
    %div3A = vector.broadcast %sqrt3A : vector<1x128xf32> to vector<1000x128xf32>
    %div3A_111 = arith.divf %sub3A_107, %div3A : vector<1000x128xf32>
    %mul3A_112 = vector.broadcast %get3A_96 : vector<1x128xf32> to vector<1000x128xf32>
    %mul3A_113 = arith.mulf %div3A_111, %mul3A_112 : vector<1000x128xf32>
    %add3A_114 = vector.broadcast %get3A_99 : vector<1x128xf32> to vector<1000x128xf32>
    %add3A_115 = arith.addf %mul3A_113, %add3A_114 : vector<1000x128xf32>
    %max3A = arith.constant 0.000000e+00 : f32
    %max3A_116 = vector.broadcast %max3A : f32 to vector<1000x128xf32>
    %max3A_117 = arith.maximumf %add3A_115, %max3A_116 : vector<1000x128xf32>
    %swap3A = arith.constant 0 : index
    %swap3A_118 = arith.constant 0 : index
    %swap3A_119 = vector.load %arg17[%swap3A, %swap3A_118] : memref<1000x128xf32, #tpu.memory_space<vmem>>, vector<1000x128xf32>
    tpu.vector_store %arg17[%swap3A, %swap3A_118], %max3A_117 {strides = array<i32>} : memref<1000x128xf32, #tpu.memory_space<vmem>>, vector<1000x128xf32>,
    %concatenate3A = tpu.concatenate %tanh3A_65, %tanh3A_75, %tanh3A_85 in 1 : vector<1000x1xf32>, vector<1000x1xf32>, vector<1000x1xf32> -> vector<1000x3xf32>
    %swap3A_120 = arith.constant 0 : index
    %swap3A_121 = arith.constant 0 : index
    %swap3A_122 = vector.load %arg18[%swap3A_120, %swap3A_121] : memref<1000x3xf32, #tpu.memory_space<vmem>>, vector<1000x3xf32>
    tpu.vector_store %arg18[%swap3A_120, %swap3A_121], %concatenate3A {strides = array<i32>} : memref<1000x3xf32, #tpu.memory_space<vmem>>, vector<1000x3xf32>,
    return
  }
  func.func @transform_0(%arg0: i32) -> (i32, i32) {
    %c0_i32 = arith.constant 0 : i32
    %c0_i32_0 = arith.constant 0 : i32
    return %arg0, %c0_i32 : i32, i32
  }
  func.func @transform_1(%arg0: i32) -> (i32, i32) {
    %c0_i32 = arith.constant 0 : i32
    %c0_i32_0 = arith.constant 0 : i32
    return %arg0, %c0_i32 : i32, i32
  }
  func.func @transform_2(%arg0: i32) -> (i32, i32) {
    %c0_i32 = arith.constant 0 : i32
    %c0_i32_0 = arith.constant 0 : i32
    return %arg0, %c0_i32 : i32, i32
  }
  func.func @transform_3(%arg0: i32) -> (i32, i32) {
    %c0_i32 = arith.constant 0 : i32
    %c0_i32_0 = arith.constant 0 : i32
    return %arg0, %c0_i32 : i32, i32
  }
  func.func @transform_4(%arg0: i32) -> (i32, i32) {
    %c0_i32 = arith.constant 0 : i32
    %c0_i32_0 = arith.constant 0 : i32
    return %arg0, %c0_i32 : i32, i32
  }
  func.func @transform_5(%arg0: i32) -> (i32, i32) {
    %c0_i32 = arith.constant 0 : i32
    %c0_i32_0 = arith.constant 0 : i32
    %c0_i32_1 = arith.constant 0 : i32
    return %c0_i32, %c0_i32_0 : i32, i32
  }
  func.func @transform_6(%arg0: i32) -> (i32, i32) {
    %c0_i32 = arith.constant 0 : i32
    %c0_i32_0 = arith.constant 0 : i32
    %c0_i32_1 = arith.constant 0 : i32
    return %c0_i32, %c0_i32_0 : i32, i32
  }
  func.func @transform_7(%arg0: i32) -> (i32, i32) {
    %c0_i32 = arith.constant 0 : i32
    %c0_i32_0 = arith.constant 0 : i32
    %c0_i32_1 = arith.constant 0 : i32
    return %c0_i32, %c0_i32_0 : i32, i32
  }
  func.func @transform_8(%arg0: i32) -> (i32, i32) {
    %c0_i32 = arith.constant 0 : i32
    %c0_i32_0 = arith.constant 0 : i32
    %c0_i32_1 = arith.constant 0 : i32
    return %c0_i32, %c0_i32_0 : i32, i32
  }
  func.func @transform_9(%arg0: i32) -> (i32, i32) {
    %c0_i32 = arith.constant 0 : i32
    %c0_i32_0 = arith.constant 0 : i32
    %c0_i32_1 = arith.constant 0 : i32
    return %c0_i32, %c0_i32_0 : i32, i32
  }
  func.func @transform_10(%arg0: i32) -> (i32, i32) {
    %c0_i32 = arith.constant 0 : i32
    %c0_i32_0 = arith.constant 0 : i32
    %c0_i32_1 = arith.constant 0 : i32
    return %c0_i32, %c0_i32_0 : i32, i32
  }
  func.func @transform_11(%arg0: i32) -> (i32, i32) {
    %c0_i32 = arith.constant 0 : i32
    %c0_i32_0 = arith.constant 0 : i32
    %c0_i32_1 = arith.constant 0 : i32
    return %c0_i32, %c0_i32_0 : i32, i32
  }
  func.func @transform_12(%arg0: i32) -> (i32, i32) {
    %c0_i32 = arith.constant 0 : i32
    %c0_i32_0 = arith.constant 0 : i32
    %c0_i32_1 = arith.constant 0 : i32
    return %c0_i32, %c0_i32_0 : i32, i32
  }
  func.func @transform_13(%arg0: i32) -> (i32, i32) {
    %c0_i32 = arith.constant 0 : i32
    %c0_i32_0 = arith.constant 0 : i32
    %c0_i32_1 = arith.constant 0 : i32
    return %c0_i32, %c0_i32_0 : i32, i32
  }
  func.func @transform_14(%arg0: i32) -> (i32, i32) {
    %c0_i32 = arith.constant 0 : i32
    %c0_i32_0 = arith.constant 0 : i32
    %c0_i32_1 = arith.constant 0 : i32
    return %c0_i32, %c0_i32_0 : i32, i32
  }
  func.func @transform_15(%arg0: i32) -> (i32, i32) {
    %c0_i32 = arith.constant 0 : i32
    %c0_i32_0 = arith.constant 0 : i32
    %c0_i32_1 = arith.constant 0 : i32
    return %c0_i32, %c0_i32_0 : i32, i32
  }
  func.func @transform_16(%arg0: i32) -> (i32, i32) {
    %c0_i32 = arith.constant 0 : i32
    %c0_i32_0 = arith.constant 0 : i32
    return %arg0, %c0_i32 : i32, i32
  }
  func.func @transform_17(%arg0: i32) -> (i32, i32) {
    %c0_i32 = arith.constant 0 : i32
    %c0_i32_0 = arith.constant 0 : i32
    return %arg0, %c0_i32 : i32, i32
  }
}

module attributes {stable_mosaic.version = 14 : i64} {
  func.func @_layer1_body(%arg0: i32, %arg1: memref<1000x128xf32, #tpu.memory_space<vmem>>, %arg2: memref<1000x128xf32, #tpu.memory_space<vmem>>, %arg3: memref<1000x128xf32, #tpu.memory_space<vmem>>, %arg4: memref<1000x16xf32, #tpu.memory_space<vmem>>, %arg5: memref<1000x16xf32, #tpu.memory_space<vmem>>, %arg6: memref<128x128xf32, #tpu.memory_space<vmem>>, %arg7: memref<1x128xf32, #tpu.memory_space<vmem>>, %arg8: memref<128x256xf32, #tpu.memory_space<vmem>>, %arg9: memref<1x128xf32, #tpu.memory_space<vmem>>, %arg10: memref<16x128xf32, #tpu.memory_space<vmem>>, %arg11: memref<1x16xf32, #tpu.memory_space<vmem>>, %arg12: memref<1x16xf32, #tpu.memory_space<vmem>>, %arg13: memref<1x128xf32, #tpu.memory_space<vmem>>, %arg14: memref<1x128xf32, #tpu.memory_space<vmem>>, %arg15: memref<1x128xf32, #tpu.memory_space<vmem>>, %arg16: memref<1x128xf32, #tpu.memory_space<vmem>>, %arg17: memref<128x128xf32, #tpu.memory_space<vmem>>, %arg18: memref<1x128xf32, #tpu.memory_space<vmem>>, %arg19: memref<2x128xf32, #tpu.memory_space<vmem>>, %arg20: memref<1x2xf32, #tpu.memory_space<vmem>>, %arg21: memref<1000x2xf32, #tpu.memory_space<vmem>>) attributes {dimension_semantics = [#tpu.dimension_semantics<arbitrary>], iteration_bounds = array<i64: 10>, scalar_prefetch = 0 : i64, scratch_operands = 0 : i64, tpu.core_type = #tpu.core_type<tc>, window_params = [{transform_indices = @transform_0, window_bounds = array<i64: 1000, 128>}, {transform_indices = @transform_1, window_bounds = array<i64: 1000, 128>}, {transform_indices = @transform_2, window_bounds = array<i64: 1000, 128>}, {transform_indices = @transform_3, window_bounds = array<i64: 1000, 16>}, {transform_indices = @transform_4, window_bounds = array<i64: 1000, 16>}, {pipeline_mode = #tpu.pipeline_mode<synchronous>, transform_indices = @transform_5, window_bounds = array<i64: 128, 128>}, {pipeline_mode = #tpu.pipeline_mode<synchronous>, transform_indices = @transform_6, window_bounds = array<i64: 1, 128>}, {pipeline_mode = #tpu.pipeline_mode<synchronous>, transform_indices = @transform_7, window_bounds = array<i64: 128, 256>}, {pipeline_mode = #tpu.pipeline_mode<synchronous>, transform_indices = @transform_8, window_bounds = array<i64: 1, 128>}, {pipeline_mode = #tpu.pipeline_mode<synchronous>, transform_indices = @transform_9, window_bounds = array<i64: 16, 128>}, {pipeline_mode = #tpu.pipeline_mode<synchronous>, transform_indices = @transform_10, window_bounds = array<i64: 1, 16>}, {pipeline_mode = #tpu.pipeline_mode<synchronous>, transform_indices = @transform_11, window_bounds = array<i64: 1, 16>}, {pipeline_mode = #tpu.pipeline_mode<synchronous>, transform_indices = @transform_12, window_bounds = array<i64: 1, 128>}, {pipeline_mode = #tpu.pipeline_mode<synchronous>, transform_indices = @transform_13, window_bounds = array<i64: 1, 128>}, {pipeline_mode = #tpu.pipeline_mode<synchronous>, transform_indices = @transform_14, window_bounds = array<i64: 1, 128>}, {pipeline_mode = #tpu.pipeline_mode<synchronous>, transform_indices = @transform_15, window_bounds = array<i64: 1, 128>}, {pipeline_mode = #tpu.pipeline_mode<synchronous>, transform_indices = @transform_16, window_bounds = array<i64: 128, 128>}, {pipeline_mode = #tpu.pipeline_mode<synchronous>, transform_indices = @transform_17, window_bounds = array<i64: 1, 128>}, {pipeline_mode = #tpu.pipeline_mode<synchronous>, transform_indices = @transform_18, window_bounds = array<i64: 2, 128>}, {pipeline_mode = #tpu.pipeline_mode<synchronous>, transform_indices = @transform_19, window_bounds = array<i64: 1, 2>}, {transform_indices = @transform_20, window_bounds = array<i64: 1000, 2>}]} {
    %get3A = arith.constant 0 : index
    %get3A_0 = arith.constant 0 : index
    %get3A_1 = vector.load %arg1[%get3A, %get3A_0] : memref<1000x128xf32, #tpu.memory_space<vmem>>, vector<1000x128xf32>
    %get3A_2 = arith.constant 0 : index
    %get3A_3 = arith.constant 0 : index
    %get3A_4 = vector.load %arg4[%get3A_2, %get3A_3] : memref<1000x16xf32, #tpu.memory_space<vmem>>, vector<1000x1xf32>
    %get3A_5 = arith.constant 0 : index
    %get3A_6 = arith.constant 0 : index
    %get3A_7 = vector.load %arg5[%get3A_5, %get3A_6] : memref<1000x16xf32, #tpu.memory_space<vmem>>, vector<1000x1xf32>
    %get3A_8 = arith.constant 0 : index
    %get3A_9 = arith.constant 0 : index
    %get3A_10 = vector.load %arg2[%get3A_8, %get3A_9] : memref<1000x128xf32, #tpu.memory_space<vmem>>, vector<1000x128xf32>
    %get3A_11 = arith.constant 0 : index
    %get3A_12 = arith.constant 0 : index
    %get3A_13 = vector.load %arg3[%get3A_11, %get3A_12] : memref<1000x128xf32, #tpu.memory_space<vmem>>, vector<1000x128xf32>
    %get3A_14 = arith.constant 0 : index
    %get3A_15 = arith.constant 0 : index
    %get3A_16 = vector.load %arg8[%get3A_14, %get3A_15] : memref<128x256xf32, #tpu.memory_space<vmem>>, vector<128x256xf32>
    %slice3A = vector.extract_strided_slice %get3A_16 {offsets = [0, 0], sizes = [128, 128], strides = [1, 1]} : vector<128x256xf32> to vector<128x128xf32>
    %slice3A_17 = vector.extract_strided_slice %get3A_16 {offsets = [0, 128], sizes = [128, 128], strides = [1, 1]} : vector<128x256xf32> to vector<128x128xf32>
    %get3A_18 = arith.constant 0 : index
    %get3A_19 = arith.constant 0 : index
    %get3A_20 = vector.load %arg9[%get3A_18, %get3A_19] : memref<1x128xf32, #tpu.memory_space<vmem>>, vector<1x128xf32>
    %get3A_21 = arith.constant 0 : index
    %get3A_22 = arith.constant 0 : index
    %get3A_23 = vector.load %arg6[%get3A_21, %get3A_22] : memref<128x128xf32, #tpu.memory_space<vmem>>, vector<128x128xf32>
    %dot_general3A = arith.constant dense<0.000000e+00> : vector<1000x128xf32>
    %dot_general3A_24 = tpu.matmul %get3A_1, %get3A_23, %dot_general3A {dimension_numbers = #tpu.dot_dimension_numbers<[1], [1], [0], [0], [0, 0, 1, 0], [], []>, transpose_lhs_hint = false} : vector<1000x128xf32>, vector<128x128xf32>, vector<1000x128xf32> -> vector<1000x128xf32>
    %get3A_25 = arith.constant 0 : index
    %get3A_26 = arith.constant 0 : index
    %get3A_27 = vector.load %arg7[%get3A_25, %get3A_26] : memref<1x128xf32, #tpu.memory_space<vmem>>, vector<1x128xf32>
    %add3A = vector.broadcast %get3A_27 : vector<1x128xf32> to vector<1000x128xf32>
    %add3A_28 = arith.addf %dot_general3A_24, %add3A : vector<1000x128xf32>
    %mul3A = vector.broadcast %get3A_4 : vector<1000x1xf32> to vector<1000x128xf32>
    %mul3A_29 = arith.mulf %mul3A, %get3A_1 : vector<1000x128xf32>
    %sub3A = arith.subf %mul3A_29, %get3A_10 : vector<1000x128xf32>
    %dot_general3A_30 = arith.constant dense<0.000000e+00> : vector<1000x128xf32>
    %dot_general3A_31 = tpu.matmul %sub3A, %slice3A, %dot_general3A_30 {dimension_numbers = #tpu.dot_dimension_numbers<[1], [1], [0], [0], [0, 0, 1, 0], [], []>, transpose_lhs_hint = false} : vector<1000x128xf32>, vector<128x128xf32>, vector<1000x128xf32> -> vector<1000x128xf32>
    %dot_general3A_32 = arith.constant dense<0.000000e+00> : vector<1000x128xf32>
    %dot_general3A_33 = tpu.matmul %get3A_10, %slice3A_17, %dot_general3A_32 {dimension_numbers = #tpu.dot_dimension_numbers<[1], [1], [0], [0], [0, 0, 1, 0], [], []>, transpose_lhs_hint = false} : vector<1000x128xf32>, vector<128x128xf32>, vector<1000x128xf32> -> vector<1000x128xf32>
    %add3A_34 = arith.addf %dot_general3A_31, %dot_general3A_33 : vector<1000x128xf32>
    %add3A_35 = vector.broadcast %get3A_20 : vector<1x128xf32> to vector<1000x128xf32>
    %add3A_36 = arith.addf %add3A_34, %add3A_35 : vector<1000x128xf32>
    %mul3A_37 = vector.broadcast %get3A_7 : vector<1000x1xf32> to vector<1000x128xf32>
    %mul3A_38 = arith.mulf %mul3A_37, %get3A_1 : vector<1000x128xf32>
    %sub3A_39 = arith.subf %mul3A_38, %get3A_13 : vector<1000x128xf32>
    %dot_general3A_40 = arith.constant dense<0.000000e+00> : vector<1000x128xf32>
    %dot_general3A_41 = tpu.matmul %sub3A_39, %slice3A, %dot_general3A_40 {dimension_numbers = #tpu.dot_dimension_numbers<[1], [1], [0], [0], [0, 0, 1, 0], [], []>, transpose_lhs_hint = false} : vector<1000x128xf32>, vector<128x128xf32>, vector<1000x128xf32> -> vector<1000x128xf32>
    %dot_general3A_42 = arith.constant dense<0.000000e+00> : vector<1000x128xf32>
    %dot_general3A_43 = tpu.matmul %get3A_13, %slice3A_17, %dot_general3A_42 {dimension_numbers = #tpu.dot_dimension_numbers<[1], [1], [0], [0], [0, 0, 1, 0], [], []>, transpose_lhs_hint = false} : vector<1000x128xf32>, vector<128x128xf32>, vector<1000x128xf32> -> vector<1000x128xf32>
    %add3A_44 = arith.addf %dot_general3A_41, %dot_general3A_43 : vector<1000x128xf32>
    %add3A_45 = vector.broadcast %get3A_20 : vector<1x128xf32> to vector<1000x128xf32>
    %add3A_46 = arith.addf %add3A_44, %add3A_45 : vector<1000x128xf32>
    %get3A_47 = arith.constant 0 : index
    %get3A_48 = arith.constant 0 : index
    %get3A_49 = vector.load %arg10[%get3A_47, %get3A_48] : memref<16x128xf32, #tpu.memory_space<vmem>>, vector<16x128xf32>
    %get3A_50 = arith.constant 0 : index
    %get3A_51 = arith.constant 0 : index
    %get3A_52 = vector.load %arg11[%get3A_50, %get3A_51] : memref<1x16xf32, #tpu.memory_space<vmem>>, vector<1x16xf32>
    %get3A_53 = arith.constant 0 : index
    %get3A_54 = arith.constant 0 : index
    %get3A_55 = vector.load %arg12[%get3A_53, %get3A_54] : memref<1x16xf32, #tpu.memory_space<vmem>>, vector<1x16xf32>
    %convert_element_type3A = arith.truncf %get3A_55 : vector<1x16xf32> to vector<1x16xbf16>
    %convert_element_type3A_56 = arith.extf %convert_element_type3A : vector<1x16xbf16> to vector<1x16xf32>
    %dot_general3A_57 = arith.constant dense<0.000000e+00> : vector<1000x16xf32>
    %dot_general3A_58 = tpu.matmul %add3A_28, %get3A_49, %dot_general3A_57 {dimension_numbers = #tpu.dot_dimension_numbers<[1], [1], [0], [0], [0, 0, 1, 0], [], []>, transpose_lhs_hint = false} : vector<1000x128xf32>, vector<16x128xf32>, vector<1000x16xf32> -> vector<1000x16xf32>
    %add3A_59 = vector.broadcast %get3A_52 : vector<1x16xf32> to vector<1000x16xf32>
    %add3A_60 = arith.addf %dot_general3A_58, %add3A_59 : vector<1000x16xf32>
    %tanh3A = math.tanh %add3A_60 : vector<1000x16xf32>
    %convert_element_type3A_61 = arith.truncf %tanh3A : vector<1000x16xf32> to vector<1000x16xbf16>
    %convert_element_type3A_62 = arith.extf %convert_element_type3A_61 : vector<1000x16xbf16> to vector<1000x16xf32>
    %dot_general3A_63 = arith.constant dense<0.000000e+00> : vector<1000x1xf32>
    %dot_general3A_64 = tpu.matmul %convert_element_type3A_62, %convert_element_type3A_56, %dot_general3A_63 {dimension_numbers = #tpu.dot_dimension_numbers<[1], [1], [0], [0], [0, 0, 1, 0], [], []>, transpose_lhs_hint = false} : vector<1000x16xf32>, vector<1x16xf32>, vector<1000x1xf32> -> vector<1000x1xf32>
    %tanh3A_65 = math.tanh %dot_general3A_64 : vector<1000x1xf32>
    %dot_general3A_66 = arith.constant dense<0.000000e+00> : vector<1000x16xf32>
    %dot_general3A_67 = tpu.matmul %add3A_36, %get3A_49, %dot_general3A_66 {dimension_numbers = #tpu.dot_dimension_numbers<[1], [1], [0], [0], [0, 0, 1, 0], [], []>, transpose_lhs_hint = false} : vector<1000x128xf32>, vector<16x128xf32>, vector<1000x16xf32> -> vector<1000x16xf32>
    %add3A_68 = vector.broadcast %get3A_52 : vector<1x16xf32> to vector<1000x16xf32>
    %add3A_69 = arith.addf %dot_general3A_67, %add3A_68 : vector<1000x16xf32>
    %tanh3A_70 = math.tanh %add3A_69 : vector<1000x16xf32>
    %convert_element_type3A_71 = arith.truncf %tanh3A_70 : vector<1000x16xf32> to vector<1000x16xbf16>
    %convert_element_type3A_72 = arith.extf %convert_element_type3A_71 : vector<1000x16xbf16> to vector<1000x16xf32>
    %dot_general3A_73 = arith.constant dense<0.000000e+00> : vector<1000x1xf32>
    %dot_general3A_74 = tpu.matmul %convert_element_type3A_72, %convert_element_type3A_56, %dot_general3A_73 {dimension_numbers = #tpu.dot_dimension_numbers<[1], [1], [0], [0], [0, 0, 1, 0], [], []>, transpose_lhs_hint = false} : vector<1000x16xf32>, vector<1x16xf32>, vector<1000x1xf32> -> vector<1000x1xf32>
    %tanh3A_75 = math.tanh %dot_general3A_74 : vector<1000x1xf32>
    %dot_general3A_76 = arith.constant dense<0.000000e+00> : vector<1000x16xf32>
    %dot_general3A_77 = tpu.matmul %add3A_46, %get3A_49, %dot_general3A_76 {dimension_numbers = #tpu.dot_dimension_numbers<[1], [1], [0], [0], [0, 0, 1, 0], [], []>, transpose_lhs_hint = false} : vector<1000x128xf32>, vector<16x128xf32>, vector<1000x16xf32> -> vector<1000x16xf32>
    %add3A_78 = vector.broadcast %get3A_52 : vector<1x16xf32> to vector<1000x16xf32>
    %add3A_79 = arith.addf %dot_general3A_77, %add3A_78 : vector<1000x16xf32>
    %tanh3A_80 = math.tanh %add3A_79 : vector<1000x16xf32>
    %convert_element_type3A_81 = arith.truncf %tanh3A_80 : vector<1000x16xf32> to vector<1000x16xbf16>
    %convert_element_type3A_82 = arith.extf %convert_element_type3A_81 : vector<1000x16xbf16> to vector<1000x16xf32>
    %dot_general3A_83 = arith.constant dense<0.000000e+00> : vector<1000x1xf32>
    %dot_general3A_84 = tpu.matmul %convert_element_type3A_82, %convert_element_type3A_56, %dot_general3A_83 {dimension_numbers = #tpu.dot_dimension_numbers<[1], [1], [0], [0], [0, 0, 1, 0], [], []>, transpose_lhs_hint = false} : vector<1000x16xf32>, vector<1x16xf32>, vector<1000x1xf32> -> vector<1000x1xf32>
    %tanh3A_85 = math.tanh %dot_general3A_84 : vector<1000x1xf32>
    %mul3A_86 = vector.broadcast %tanh3A_65 : vector<1000x1xf32> to vector<1000x128xf32>
    %mul3A_87 = arith.mulf %mul3A_86, %add3A_28 : vector<1000x128xf32>
    %mul3A_88 = vector.broadcast %tanh3A_75 : vector<1000x1xf32> to vector<1000x128xf32>
    %mul3A_89 = arith.mulf %mul3A_88, %add3A_36 : vector<1000x128xf32>
    %add3A_90 = arith.addf %mul3A_87, %mul3A_89 : vector<1000x128xf32>
    %mul3A_91 = vector.broadcast %tanh3A_85 : vector<1000x1xf32> to vector<1000x128xf32>
    %mul3A_92 = arith.mulf %mul3A_91, %add3A_46 : vector<1000x128xf32>
    %add3A_93 = arith.addf %add3A_90, %mul3A_92 : vector<1000x128xf32>
    %get3A_94 = arith.constant 0 : index
    %get3A_95 = arith.constant 0 : index
    %get3A_96 = vector.load %arg13[%get3A_94, %get3A_95] : memref<1x128xf32, #tpu.memory_space<vmem>>, vector<1x128xf32>
    %get3A_97 = arith.constant 0 : index
    %get3A_98 = arith.constant 0 : index
    %get3A_99 = vector.load %arg14[%get3A_97, %get3A_98] : memref<1x128xf32, #tpu.memory_space<vmem>>, vector<1x128xf32>
    %get3A_100 = arith.constant 0 : index
    %get3A_101 = arith.constant 0 : index
    %get3A_102 = vector.load %arg15[%get3A_100, %get3A_101] : memref<1x128xf32, #tpu.memory_space<vmem>>, vector<1x128xf32>
    %get3A_103 = arith.constant 0 : index
    %get3A_104 = arith.constant 0 : index
    %get3A_105 = vector.load %arg16[%get3A_103, %get3A_104] : memref<1x128xf32, #tpu.memory_space<vmem>>, vector<1x128xf32>
    %sub3A_106 = vector.broadcast %get3A_102 : vector<1x128xf32> to vector<1000x128xf32>
    %sub3A_107 = arith.subf %add3A_93, %sub3A_106 : vector<1000x128xf32>
    %add3A_108 = arith.constant 9.99999974E-6 : f32
    %add3A_109 = vector.broadcast %add3A_108 : f32 to vector<1x128xf32>
    %add3A_110 = arith.addf %get3A_105, %add3A_109 : vector<1x128xf32>
    %sqrt3A = math.sqrt %add3A_110 : vector<1x128xf32>
    %div3A = vector.broadcast %sqrt3A : vector<1x128xf32> to vector<1000x128xf32>
    %div3A_111 = arith.divf %sub3A_107, %div3A : vector<1000x128xf32>
    %mul3A_112 = vector.broadcast %get3A_96 : vector<1x128xf32> to vector<1000x128xf32>
    %mul3A_113 = arith.mulf %div3A_111, %mul3A_112 : vector<1000x128xf32>
    %add3A_114 = vector.broadcast %get3A_99 : vector<1x128xf32> to vector<1000x128xf32>
    %add3A_115 = arith.addf %mul3A_113, %add3A_114 : vector<1000x128xf32>
    %max3A = arith.constant 0.000000e+00 : f32
    %max3A_116 = vector.broadcast %max3A : f32 to vector<1000x128xf32>
    %max3A_117 = arith.maximumf %add3A_115, %max3A_116 : vector<1000x128xf32>
    %get3A_118 = arith.constant 0 : index
    %get3A_119 = arith.constant 0 : index
    %get3A_120 = vector.load %arg17[%get3A_118, %get3A_119] : memref<128x128xf32, #tpu.memory_space<vmem>>, vector<128x128xf32>
    %dot_general3A_121 = arith.constant dense<0.000000e+00> : vector<1000x128xf32>
    %dot_general3A_122 = tpu.matmul %max3A_117, %get3A_120, %dot_general3A_121 {dimension_numbers = #tpu.dot_dimension_numbers<[1], [1], [0], [0], [0, 0, 1, 0], [], []>, transpose_lhs_hint = false} : vector<1000x128xf32>, vector<128x128xf32>, vector<1000x128xf32> -> vector<1000x128xf32>
    %get3A_123 = arith.constant 0 : index
    %get3A_124 = arith.constant 0 : index
    %get3A_125 = vector.load %arg18[%get3A_123, %get3A_124] : memref<1x128xf32, #tpu.memory_space<vmem>>, vector<1x128xf32>
    %add3A_126 = vector.broadcast %get3A_125 : vector<1x128xf32> to vector<1000x128xf32>
    %add3A_127 = arith.addf %dot_general3A_122, %add3A_126 : vector<1000x128xf32>
    %max3A_128 = arith.constant 0.000000e+00 : f32
    %max3A_129 = vector.broadcast %max3A_128 : f32 to vector<1000x128xf32>
    %max3A_130 = arith.maximumf %add3A_127, %max3A_129 : vector<1000x128xf32>
    %get3A_131 = arith.constant 0 : index
    %get3A_132 = arith.constant 0 : index
    %get3A_133 = vector.load %arg19[%get3A_131, %get3A_132] : memref<2x128xf32, #tpu.memory_space<vmem>>, vector<2x128xf32>
    %dot_general3A_134 = arith.constant dense<0.000000e+00> : vector<1000x2xf32>
    %dot_general3A_135 = tpu.matmul %max3A_130, %get3A_133, %dot_general3A_134 {dimension_numbers = #tpu.dot_dimension_numbers<[1], [1], [0], [0], [0, 0, 1, 0], [], []>, transpose_lhs_hint = false} : vector<1000x128xf32>, vector<2x128xf32>, vector<1000x2xf32> -> vector<1000x2xf32>
    %get3A_136 = arith.constant 0 : index
    %get3A_137 = arith.constant 0 : index
    %get3A_138 = vector.load %arg20[%get3A_136, %get3A_137] : memref<1x2xf32, #tpu.memory_space<vmem>>, vector<1x2xf32>
    %add3A_139 = vector.broadcast %get3A_138 : vector<1x2xf32> to vector<1000x2xf32>
    %add3A_140 = arith.addf %dot_general3A_135, %add3A_139 : vector<1000x2xf32>
    %reduce_max3A = arith.constant dense<0xFF800000> : vector<1000xf32>
    %reduce_max3A_141 = vector.multi_reduction <maximumf>, %add3A_140, %reduce_max3A [1] : vector<1000x2xf32> to vector<1000xf32>
    %broadcast_in_dim3A = vector.shape_cast %reduce_max3A_141 : vector<1000xf32> to vector<1000x1xf32>
    %sub3A_142 = vector.broadcast %broadcast_in_dim3A : vector<1000x1xf32> to vector<1000x2xf32>
    %sub3A_143 = arith.subf %add3A_140, %sub3A_142 : vector<1000x2xf32>
    %exp3A = math.exp %sub3A_143 : vector<1000x2xf32>
    %reduce_sum3A = arith.constant dense<0.000000e+00> : vector<1000xf32>
    %reduce_sum3A_144 = vector.multi_reduction <add>, %exp3A, %reduce_sum3A [1] : vector<1000x2xf32> to vector<1000xf32>
    %broadcast_in_dim3A_145 = vector.shape_cast %reduce_sum3A_144 : vector<1000xf32> to vector<1000x1xf32>
    %log3A = math.log %broadcast_in_dim3A_145 : vector<1000x1xf32>
    %sub3A_146 = vector.broadcast %log3A : vector<1000x1xf32> to vector<1000x2xf32>
    %sub3A_147 = arith.subf %sub3A_143, %sub3A_146 : vector<1000x2xf32>
    %swap3A = arith.constant 0 : index
    %swap3A_148 = arith.constant 0 : index
    %swap3A_149 = vector.load %arg21[%swap3A, %swap3A_148] : memref<1000x2xf32, #tpu.memory_space<vmem>>, vector<1000x2xf32>
    tpu.vector_store %arg21[%swap3A, %swap3A_148], %sub3A_147 {strides = array<i32>} : memref<1000x2xf32, #tpu.memory_space<vmem>>, vector<1000x2xf32>,
    return
  }
  func.func @transform_0(%arg0: i32) -> (i32, i32) {
    %c0_i32 = arith.constant 0 : i32
    %c0_i32_0 = arith.constant 0 : i32
    return %arg0, %c0_i32 : i32, i32
  }
  func.func @transform_1(%arg0: i32) -> (i32, i32) {
    %c0_i32 = arith.constant 0 : i32
    %c0_i32_0 = arith.constant 0 : i32
    return %arg0, %c0_i32 : i32, i32
  }
  func.func @transform_2(%arg0: i32) -> (i32, i32) {
    %c0_i32 = arith.constant 0 : i32
    %c0_i32_0 = arith.constant 0 : i32
    return %arg0, %c0_i32 : i32, i32
  }
  func.func @transform_3(%arg0: i32) -> (i32, i32) {
    %c0_i32 = arith.constant 0 : i32
    %c0_i32_0 = arith.constant 0 : i32
    return %arg0, %c0_i32 : i32, i32
  }
  func.func @transform_4(%arg0: i32) -> (i32, i32) {
    %c0_i32 = arith.constant 0 : i32
    %c0_i32_0 = arith.constant 0 : i32
    return %arg0, %c0_i32 : i32, i32
  }
  func.func @transform_5(%arg0: i32) -> (i32, i32) {
    %c0_i32 = arith.constant 0 : i32
    %c0_i32_0 = arith.constant 0 : i32
    %c0_i32_1 = arith.constant 0 : i32
    return %c0_i32, %c0_i32_0 : i32, i32
  }
  func.func @transform_6(%arg0: i32) -> (i32, i32) {
    %c0_i32 = arith.constant 0 : i32
    %c0_i32_0 = arith.constant 0 : i32
    %c0_i32_1 = arith.constant 0 : i32
    return %c0_i32, %c0_i32_0 : i32, i32
  }
  func.func @transform_7(%arg0: i32) -> (i32, i32) {
    %c0_i32 = arith.constant 0 : i32
    %c0_i32_0 = arith.constant 0 : i32
    %c0_i32_1 = arith.constant 0 : i32
    return %c0_i32, %c0_i32_0 : i32, i32
  }
  func.func @transform_8(%arg0: i32) -> (i32, i32) {
    %c0_i32 = arith.constant 0 : i32
    %c0_i32_0 = arith.constant 0 : i32
    %c0_i32_1 = arith.constant 0 : i32
    return %c0_i32, %c0_i32_0 : i32, i32
  }
  func.func @transform_9(%arg0: i32) -> (i32, i32) {
    %c0_i32 = arith.constant 0 : i32
    %c0_i32_0 = arith.constant 0 : i32
    %c0_i32_1 = arith.constant 0 : i32
    return %c0_i32, %c0_i32_0 : i32, i32
  }
  func.func @transform_10(%arg0: i32) -> (i32, i32) {
    %c0_i32 = arith.constant 0 : i32
    %c0_i32_0 = arith.constant 0 : i32
    %c0_i32_1 = arith.constant 0 : i32
    return %c0_i32, %c0_i32_0 : i32, i32
  }
  func.func @transform_11(%arg0: i32) -> (i32, i32) {
    %c0_i32 = arith.constant 0 : i32
    %c0_i32_0 = arith.constant 0 : i32
    %c0_i32_1 = arith.constant 0 : i32
    return %c0_i32, %c0_i32_0 : i32, i32
  }
  func.func @transform_12(%arg0: i32) -> (i32, i32) {
    %c0_i32 = arith.constant 0 : i32
    %c0_i32_0 = arith.constant 0 : i32
    %c0_i32_1 = arith.constant 0 : i32
    return %c0_i32, %c0_i32_0 : i32, i32
  }
  func.func @transform_13(%arg0: i32) -> (i32, i32) {
    %c0_i32 = arith.constant 0 : i32
    %c0_i32_0 = arith.constant 0 : i32
    %c0_i32_1 = arith.constant 0 : i32
    return %c0_i32, %c0_i32_0 : i32, i32
  }
  func.func @transform_14(%arg0: i32) -> (i32, i32) {
    %c0_i32 = arith.constant 0 : i32
    %c0_i32_0 = arith.constant 0 : i32
    %c0_i32_1 = arith.constant 0 : i32
    return %c0_i32, %c0_i32_0 : i32, i32
  }
  func.func @transform_15(%arg0: i32) -> (i32, i32) {
    %c0_i32 = arith.constant 0 : i32
    %c0_i32_0 = arith.constant 0 : i32
    %c0_i32_1 = arith.constant 0 : i32
    return %c0_i32, %c0_i32_0 : i32, i32
  }
  func.func @transform_16(%arg0: i32) -> (i32, i32) {
    %c0_i32 = arith.constant 0 : i32
    %c0_i32_0 = arith.constant 0 : i32
    %c0_i32_1 = arith.constant 0 : i32
    return %c0_i32, %c0_i32_0 : i32, i32
  }
  func.func @transform_17(%arg0: i32) -> (i32, i32) {
    %c0_i32 = arith.constant 0 : i32
    %c0_i32_0 = arith.constant 0 : i32
    %c0_i32_1 = arith.constant 0 : i32
    return %c0_i32, %c0_i32_0 : i32, i32
  }
  func.func @transform_18(%arg0: i32) -> (i32, i32) {
    %c0_i32 = arith.constant 0 : i32
    %c0_i32_0 = arith.constant 0 : i32
    %c0_i32_1 = arith.constant 0 : i32
    return %c0_i32, %c0_i32_0 : i32, i32
  }
  func.func @transform_19(%arg0: i32) -> (i32, i32) {
    %c0_i32 = arith.constant 0 : i32
    %c0_i32_0 = arith.constant 0 : i32
    %c0_i32_1 = arith.constant 0 : i32
    return %c0_i32, %c0_i32_0 : i32, i32
  }
  func.func @transform_20(%arg0: i32) -> (i32, i32) {
    %c0_i32 = arith.constant 0 : i32
    %c0_i32_0 = arith.constant 0 : i32
    return %arg0, %c0_i32 : i32, i32
  }
}

</mosaic_0001>

<sc_bundles>
// kernel: kernel.6.cloned.1.call-start
scs
__scs_entry_jumppad:
0x0: {  	(pc) =	sbr.rel $0x88, $3  }
0x1: {  	(tag) =	ssettag $0x0;
	lr =	simm.s32 $0x1  }
0x2: {  	[smem:$0x3F85] =	sst lr;
	_ =	strace $0xD0000000  }
0x3: {  	_ = 	snop  }
0x4: {  	_ = 	snop  }
0x5: {  	_ = 	snop  }
0x6: {  	_ = 	snop  }
0x7: {  	_ = 	snop  }
__scs_overlays_trampoline_lowered:
0x8: {  	[smem:$0x3F94] =	sst s0  }
0x9: {  	[smem:$0x3F95] =	sst s1  }
0xa: {  	[smem:$0x3F96] =	sst s2  }
0xb: {  	[smem:$0x3F97] =	sst s3  }
0xc: {  	[smem:$0x3F98] =	sst s4  }
0xd: {  	[smem:$0x3F99] =	sst s5  }
0xe: {  	[smem:$0x3F9A] =	sst s6  }
0xf: {  	[smem:$0x3F9B] =	sst s7  }
0x10: {  	[smem:$0x3F9C] =	sst s8  }
0x11: {  	[smem:$0x3F9D] =	sst s9;
	s0 =	simm.s32 @!p0 $0x0  }
0x12: {  	s1 =	sld [smem:$0x3F83];
	s0 =	simm.s32 @p0 $0x1  }
0x13: {  	[smem:$0x3F9E] =	sst s0;
	s0 =	simm.s32 @!p1 $0x0  }
0x14: {  	s2 =	sld [smem:$0x3F82];
	s0 =	simm.s32 @p1 $0x1  }
0x15: {  	[smem:$0x3F9F] =	sst s0;
	s0 =	simm.s32 @!p2 $0x0  }
0x16: {  	s3 =	sld [smem:$0x3FDB];
	s0 =	simm.s32 @p2 $0x1  }
0x17: {  	s4 =	simm.s32 $0x1BF5;
	[smem:$0x3FA1] =	sst s0  }
0x18: {  	s0 =	sld [smem:$0x3F84];
	_ =	swait.ge [sflag:s4], $0x0  }
0x19: {  	s7 =	sld [smem:$0x3F85]  }
0x1a: {  	s8 =	sadd.s32 $0xFFFFE003, lr  }
0x1b: {  	s9 =	sadd.s32 $0xFFFFFEF7, lr;
	s5 =	simm.s32 $0xFFFFFFFF;
	p2 =	slt.u32 s8, $0xFFFFF086  }
0x1c: {  	p1 =	slt.u32 s9, $0xF7A;
	s5 =	simm.s32 @!p2 $0x0  }
0x1d: {  	s5 =	simm.s32 @p1 $0x1;
	p0 =	seq.s32 s7, s2  }
0x1e: {  	s7 =	smul.u32 @!p0 $0xF7A, s2;
	p2 =	seq.s32 @!p0 s5, $0x0  }
0x1f: {  	s9 =	smul.u32 $0xF7A, s1;
	s8 =	simm.s32 @!p0 $0x1BF5;
	p2 =	por !p2, p0  }
0x20: {  	[sflag:s8] =	ssyncset.s32 @!p0 $0xFFFFF086;
	s6 =	sadd.s32 @!p0 s3, s7;
	s7 =	simm.s32 @!p0 $0x108  }
0x21: {  	s3 =	sadd.s32 s3, s9;
	s6 =	sadd.s32 @!p0 $0x88, s6;
	s7 =	simm.s32 @p2 $0x1082  }
0x22: {  	[simem:s7], [sflag:s8] =	dma.local @!p0 [hbm:s6], $0xF7A  }
0x23: {  	s9 =	sor.u32 $0xD0000000, s2;
	s6 =	simm.s32 $0x108;
	_ =	swait.ge @!p0 [sflag:s8], $0x0  }
0x24: {  	s3 =	sadd.s32 $0x88, s3;
	s6 =	simm.s32 @!p1 $0x1082;
	[sflag:s4] =	ssyncset.s32 $0xFFFFF086  }
0x25: {  	[simem:s6], [sflag:s4] =	dma.local [hbm:s3], $0xF7A  }
0x26: {  	[smem:$0x3F85] =	sst s1;
	(tag) =	ssettag s2;
	_ =	strace s9  }
0x27: {  	s1 =	sld [smem:$0x3F95]  }
0x28: {  	s2 =	sld [smem:$0x3F96]  }
0x29: {  	s4 =	sld [smem:$0x3F98]  }
0x2a: {  	p0 =	seq.s32 s5, $0x0;
	s5 =	sld [smem:$0x3F99]  }
0x2b: {  	s6 =	sld [smem:$0x3F9A]  }
0x2c: {  	s7 =	sld [smem:$0x3F9B]  }
0x2d: {  	s3 =	simm.s32 $0x108;
	s8 =	sld [smem:$0x3F9C]  }
0x2e: {  	s3 =	simm.s32 @!p0 $0x1082;
	s9 =	sld [smem:$0x3F9D]  }
0x2f: {  	lr =	sadd.s32 s0, s3;
	s0 =	sld [smem:$0x3F94]  }
0x30: {  	s3 =	sld [smem:$0x3F97]  }
0x31: {  	[smem:$0x3FA0] =	sst s10  }
0x32: {  	s10 =	sld [smem:$0x3F9E];
	_ =	sdelay $0x3  }
0x33: {  	p0 =	seq.s32 s10, $0x1;
	s10 =	sld [smem:$0x3FA0];
	_ =	sdelay $0x3  }
0x34: {  	[smem:$0x3FA0] =	sst s10  }
0x35: {  	s10 =	sld [smem:$0x3F9F];
	_ =	sdelay $0x3  }
0x36: {  	p1 =	seq.s32 s10, $0x1;
	s10 =	sld [smem:$0x3FA0];
	_ =	sdelay $0x3  }
0x37: {  	[smem:$0x3FA0] =	sst s10  }
0x38: {  	s10 =	sld [smem:$0x3FA1]  }
0x39: {  	_ = 	snop;
	(pc) =	sbr.ind lr, $3  }
0x3a: {  	_ = 	snop  }
0x3b: {  	_ = 	snop  }
0x3c: {  	p2 =	seq.s32 s10, $0x1;
	s10 =	sld [smem:$0x3FA0]  }
0x3d: {  	_ =	shalt  }
0x3e: {  	_ =	shalt  }
0x3f: {  	_ =	shalt  }
0x40: {  	_ =	shalt  }
0x41: {  	_ =	shalt  }
0x42: {  	_ =	shalt  }
0x43: {  	_ =	shalt  }
0x44: {  	_ =	shalt  }
0x45: {  	_ =	shalt  }
0x46: {  	_ =	shalt  }
0x47: {  	_ =	shalt  }
0x48: {  	_ =	shalt  }
0x49: {  	_ =	shalt  }
0x4a: {  	_ =	shalt  }
0x4b: {  	_ =	shalt  }
0x4c: {  	_ =	shalt  }
0x4d: {  	_ =	shalt  }
0x4e: {  	_ =	shalt  }
0x4f: {  	_ =	shalt  }
0x50: {  	_ =	shalt  }
0x51: {  	_ =	shalt  }
0x52: {  	_ =	shalt  }
0x53: {  	_ =	shalt  }
0x54: {  	_ =	shalt  }
0x55: {  	_ =	shalt  }
0x56: {  	_ =	shalt  }
0x57: {  	_ =	shalt  }
0x58: {  	_ =	shalt  }
0x59: {  	_ =	shalt  }
0x5a: {  	_ =	shalt  }
0x5b: {  	_ =	shalt  }
0x5c: {  	_ =	shalt  }
0x5d: {  	_ =	shalt  }
0x5e: {  	_ =	shalt  }
0x5f: {  	_ =	shalt  }
0x60: {  	_ =	shalt  }
0x61: {  	_ =	shalt  }
0x62: {  	_ =	shalt  }
0x63: {  	_ =	shalt  }
0x64: {  	_ =	shalt  }
0x65: {  	_ =	shalt  }
0x66: {  	_ =	shalt  }
0x67: {  	_ =	shalt  }
0x68: {  	_ =	shalt  }
0x69: {  	_ =	shalt  }
0x6a: {  	_ =	shalt  }
0x6b: {  	_ =	shalt  }
0x6c: {  	_ =	shalt  }
0x6d: {  	_ =	shalt  }
0x6e: {  	_ =	shalt  }
0x6f: {  	_ =	shalt  }
0x70: {  	_ =	shalt  }
0x71: {  	_ =	shalt  }
0x72: {  	_ =	shalt  }
0x73: {  	_ =	shalt  }
0x74: {  	_ =	shalt  }
0x75: {  	_ =	shalt  }
0x76: {  	_ =	shalt  }
0x77: {  	_ =	shalt  }
0x78: {  	_ =	shalt  }
0x79: {  	_ =	shalt  }
0x7a: {  	_ =	shalt  }
0x7b: {  	_ =	shalt  }
0x7c: {  	_ =	shalt  }
0x7d: {  	_ =	shalt  }
0x7e: {  	_ =	shalt  }
0x7f: {  	_ =	shalt  }
0x80: {  	_ =	shalt  }
0x81: {  	_ =	shalt  }
0x82: {  	_ =	shalt  }
0x83: {  	_ =	shalt  }
0x84: {  	_ =	shalt  }
0x85: {  	_ =	shalt  }
0x86: {  	_ =	shalt  }
0x87: {  	_ =	shalt  }
.Lfunc_end0:
.L_simem_size_0:
called_computation.2_lowered:
.L_overlay_start_0:
0x88: {  	s2 =	sld [smem:$0x3FD9]  }
0x89: {  	s3 =	sld [smem:$0x3FFE];
	_ =	sdelay $0x1  }
0x8a: {  	s1 =	srdreg.scid  }
0x8b: {  	s0 =	sand.u32 $0x1, s1  }
0x8c: {  	s17 =	sshll.u32 s0, $0xA;
	s2 =	sadd.s32 s3, s2  }
0x8d: {  	s2 =	sadd.s32 s2, s17  }
0x8e: {  	[smem:$0x3FAC] =	sst s2  }
0x8f: {  	_ = 	snop  }
0x90: {  	s2 =	sld [smem:$0x3FC9];
	(tm) =	ssettm $0x1  }
0x91: {  	s18 =	sld [smem:$0x3FFB];
	_ =	sdelay $0x3  }
0x92: {  	_ =	strace s18  }
0x93: {  	s3 =	sld [smem:$0x3FFC];
	_ =	sdelay $0x3  }
0x94: {  	_ =	strace s3  }
0x95: {  	s3 =	sld [smem:$0x3FFD];
	_ =	sdelay $0x3  }
0x96: {  	_ =	strace s3  }
0x97: {  	_ =	strace $0x8FFFFFFF  }
0x98: {  	s19 =	sld [smem:$0x3FDB];
	_ =	sdelay $0x1  }
0x99: {  	s4 =	simm.s32 $_scs_section_size  }
0x9a: {  	s5 =	simm.s32 $_size__tile_overlayer_lowered;
	s6 =	simm.s32 $_tile_overlayer_lowered  }
0x9b: {  	s22 =	simm.s32 $0x1BFF;
	s21 =	sshll.u32 s6, $0x1;
	s3 =	sadd.s32 s4, s19  }
0x9c: {  	s7 =	simm.s32 $0x0;
	s20 =	sshll.u32 s5, $0x1;
	s5 =	sadd.s32 s21, s3  }
0x9d: {  	[timem:s7], [sflag:s22] =	dma.local [hbm:s5], s20  }
0x9e: {  	_ =	swait.ge [sflag:s22], s20  }
0x9f: {  	s4 =	ssub.s32 $0x0, s20;
	[sflag:s22] =	ssyncset.done $0x0  }
0xa0: {  	[sflag:s22] =	ssyncadd.s32 s4;
	_ =	sdelay $0x1  }
0xa1: {  	s23 =	simm.s32 $0x1B8B  }
0xa2: {  	_ =	swait.ge [sflag:s23], $0x1  }
0xa3: {  	[sflag:s23] =	ssyncset.done $0x0  }
0xa4: {  	s25 =	simm.s32 $0x1B8E;
	s24 =	sld [smem:$0x3FFE];
	[sflag:s23] =	ssyncadd.s32 $0xFFFFFFFF  }
0xa5: {  	s26 =	simm.s32 $execute0_lowered;
	[smem:$0x3FD2] =	sst s25  }
0xa6: {  	s5 =	sshll.u32 s26, $0x1;
	_ =	strace $0x80000046;
	[dreg:$0x1] =	wrdreg $0xFFFFFFFF  }
0xa7: {  	s28 =	simm.s32 $_size_execute0_lowered;
	s3 =	sadd.s32 s3, s5;
	[dreg:$0x0] =	wrdreg $0x0  }
0xa8: {  	s5 =	sshll.u32 s28, $0x1;
	[dreg:$0x2] =	wrdreg s3  }
0xa9: {  	[dreg:$0x3] =	wrdreg s5  }
0xaa: {  	[dreg:$0x4] =	wrdreg $0xC0  }
0xab: {  	_ =	task [dreg:s7], $0x5FFFF  }
0xac: {  	[dreg:$0x1] =	wrdreg $0xFFFFFFFF  }
0xad: {  	[dreg:$0x0] =	wrdreg $0x60  }
0xae: {  	[dreg:$0x2] =	wrdreg s2  }
0xaf: {  	[dreg:$0x3] =	wrdreg s24  }
0xb0: {  	[dreg:$0x4] =	wrdreg $0x0  }
0xb1: {  	[dreg:$0x5] =	wrdreg $0xD  }
0xb2: {  	_ =	task.clear_ibuf [dreg:s7], $0x6FFFF;
	_ =	strace $0x90000046  }
0xb3: {  	s29 =	simm.s32 $0xD;
	_ =	strace $0x80000048  }
0xb4: {  	_ =	swait.ge [sflag:s29], $0x1  }
0xb5: {  	[sflag:s29] =	ssyncadd.s32 $0xFFFFFFFF  }
0xb6: {  	_ =	strace $0x90000048  }
0xb7: {  	_ =	sfence  }
0xb8: {  	s30 =	sld [smem:$0x0];
	_ =	sdelay $0x2  }
0xb9: {  	s31 =	sshll.u32 s1, $0xD;
	s1 =	sshrl.u32 s1, $0x2  }
0xba: {  	s3 =	sand.u32 $0x4000, s31;
	s1 =	sadd.s32 s1, s30  }
0xbb: {  	s0 =	sor.u32 s3, s0;
	s1 =	sshll.u32 s1, $0x11  }
0xbc: {  	s0 =	sor.u32 s1, s0  }
0xbd: {  	s0 =	sadd.s32 $0x8F2B, s0  }
0xbe: {  	[sflag:s0] =	ssyncadd.remote.s32 $0x1  }
0xbf: {  	_ =	sfence.sel $0xFFFF  }
0xc0: {  	[dreg:$0x0] =	wrdreg $0xFFFFFFFF;
	(pc) =	sbr.abs _section_cstart, $3  }
0xc1: {  	[dreg:$0x1] =	wrdreg $0xFFFFFFFF  }
0xc2: {  	_ =	task.clear_ibuf [dreg:s7], $0x2FFFF;
	_ =	strace $0x9FFFFFFF  }
0xc3: {  	(tm) =	ssettm $0x7FFFFFFF  }
tec
execute0_lowered:
.L_overlay_start_1:
0x0: {  	(tag) =	ssettag $0x1  }
0x1: {  	s1 =	rddreg [dreg:$0x0]  }
0x2: {  	s0 =	rddreg [dreg:$0x1]  }
0x3: {  	s3 =	rddreg [dreg:$0x2];
	s10 =	stileid.u32  }
0x4: {  	s2 =	srdreg.scid;
	s4 =	simm.s32 $0x0;
	s7 =	smul.u32 $0x2800, s10  }
0x5: {  	s31 =	simm.s32 $0x15200;
	s2 =	sand.u32 $0x1, s2;
	s9 =	smul.u32 $0x50000, s10  }
0x6: {  	[smem:$0x7FF] =	sst s4;
	s8 =	smul.u32 $0x28000, s2;
	s11 =	ssub.s32 $0x2, s2  }
0x7: {  	s5 =	sadd.s32 $0xD000, s0;
	s6 =	sadd.s32 $0x3200, s0;
	s12 =	sshrl.u32 s11, $0x1  }
0x8: {  	s9 =	sshrl.u32 s9, $0x2;
	s7 =	sadd.s32 s7, s8;
	s8 =	ssub.s32 s11, s12  }
0x9: {  	s0 =	sadd.s32 s7, s0;
	s7 =	sadd.s32 s9, s3;
	s8 =	smax.u32 s8, $0x1  }
0xa: {  	_ =	strace $0x80000047;
	s9 =	sadd.s32 $0x1400, s7;
	[dreg:$0x12] =	wrdreg s8  }
0xb: {  	s14 =	smul.u32 $0x2710, s10;
	s13 =	sadd.s32 $0x2800, s7;
	[dreg:$0x4] =	wrdreg s9  }
0xc: {  	s2 =	smul.u32 $0x27100, s2;
	s15 =	sadd.s32 $0x3C00, s7;
	[dreg:$0x5] =	wrdreg s13  }
0xd: {  	s10 =	simm.s32 $0x14200;
	s16 =	sadd.s32 $0x5000, s7;
	[dreg:$0x6] =	wrdreg s15  }
0xe: {  	s2 =	sadd.s32 s14, s2;
	s17 =	sadd.s32 $0x6400, s7;
	[dreg:$0x7] =	wrdreg s16  }
0xf: {  	s11 =	simm.s32 $0x14100;
	s18 =	sadd.s32 $0x7800, s7;
	[dreg:$0x8] =	wrdreg s17  }
0x10: {  	s12 =	simm.s32 $0x14180;
	s19 =	sadd.s32 $0x8C00, s7;
	[dreg:$0x9] =	wrdreg s18  }
0x11: {  	s14 =	simm.s32 $0x1;
	s20 =	sadd.s32 $0xA000, s7;
	[dreg:$0xa] =	wrdreg s19  }
0x12: {  	s22 =	sshrl.u32 s2, $0x3;
	s21 =	sadd.s32 $0xB400, s7;
	[dreg:$0xb] =	wrdreg s20  }
0x13: {  	s26 =	sadd.s32 $0x10, s2;
	s23 =	sadd.s32 $0xC800, s7;
	[dreg:$0xc] =	wrdreg s21  }
0x14: {  	s24 =	sadd.s32 $0xDC00, s7;
	s25 =	sadd.s32 s5, s22;
	[dreg:$0xd] =	wrdreg s23  }
0x15: {  	s0 =	sadd.s32 $0x16E00, s0;
	s28 =	sadd.s32 $0x10400, s7;
	[dreg:$0xe] =	wrdreg s24  }
0x16: {  	s29 =	sadd.s32 $0x11800, s7;
	s30 =	sadd.s32 $0x12C00, s7;
	[dreg:$0xf] =	wrdreg s25  }
0x17: {  	s8 =	simm.s32 $0x14080;
	s9 =	sadd.s32 s6, s22;
	[dreg:$0x11] =	wrdreg s0  }
0x18: {  	s23 =	sadd.s32 $0x20, s2;
	s0 =	sshrl.u32 s26, $0x3;
	s26 =	sadd.s32 $0xF000, s7  }
0x19: {  	s2 =	simm.s32 $0x14000;
	s13 =	simm.s32 $0x14A00;
	s15 =	simm.s32 $0x2  }
0x1a: {  	s16 =	simm.s32 $0x0;
	[dreg:$0x10] =	wrdreg s9;
	s24 =	sadd.s32 s0, s6  }
0x1b: {  	v0 =	vimm.f32 $0.0e+00;
	s25 =	sadd.s32 s0, s5;
	s0 =	simm.s32 $0x3;
	s9 =	simm.s32 $0x10  }
.LBB2_1:
0x1c: {  	s17 =	sand.u32 $0x7E00, s4  }
0x1d: {  	s18 =	sand.u32 $0x70, s4;
	s19 =	sshrl.u32 s17, $0x2  }
0x1e: {  	s17 =	simm.s32 $0x40;
	s19 =	sor.u32 s18, s19;
	s18 =	simm.s32 $0x0  }
.LBB2_2:
0x1f: {  	p0 =	sne.s32 s17, $0x4FC0  }
0x20: {  	[tilespmem:s19+$0x15200] =	vst v0;
	s18 =	sadd.s32 $0x10, s18;
	s19 =	smov.u32 s17;
	s17 =	sadd.s32 $0x40, s17  }
.Ltmp0:
0x21: {  	(pc) =	sbr.rel @p0 .LBB2_2-.Ltmp0, $4  }
0x22: {  	_ = 	snop  }
0x23: {  	s19 =	sand.u32 $0x7E00, s19  }
0x24: {  	s20 =	sand.u32 $0x70, s18;
	s19 =	sshrl.u32 s19, $0x2  }
0x25: {  	s19 =	sor.u32 s20, s19  }
0x26: {  	[tilespmem:s19+$0x15200] =	vst v0  }
0x27: {  	[spmem:s7] =	stream.linear.scatter [tilespmem:s31], [sflag:$0x3], $0x1400, $0x38;
	[tilespmem:$0x16600] =	vst v63  }
0x28: {  	_ =	swait.ge [sflag:s0], $0x1400  }
0x29: {  	[sflag:s0] =	ssyncset.done $0x0  }
0x2a: {  	s17 =	rddreg [dreg:$0x4];
	[sflag:s0] =	ssyncadd.s32 $0xFFFFEC00  }
0x2b: {  	[spmem:s17] =	stream.linear.scatter [tilespmem:s31], [sflag:$0x3], $0x1400, $0x38;
	[tilespmem:$0x16600] =	vst v63  }
0x2c: {  	_ =	swait.ge [sflag:s0], $0x1400  }
0x2d: {  	[sflag:s0] =	ssyncset.done $0x0  }
0x2e: {  	s21 =	rddreg [dreg:$0x5];
	[sflag:s0] =	ssyncadd.s32 $0xFFFFEC00  }
0x2f: {  	[spmem:s21] =	stream.linear.scatter [tilespmem:s31], [sflag:$0x3], $0x1400, $0x38;
	[tilespmem:$0x16600] =	vst v63  }
0x30: {  	_ =	swait.ge [sflag:s0], $0x1400  }
0x31: {  	[sflag:s0] =	ssyncset.done $0x0  }
0x32: {  	s22 =	rddreg [dreg:$0x6];
	[sflag:s0] =	ssyncadd.s32 $0xFFFFEC00  }
0x33: {  	[spmem:s22] =	stream.linear.scatter [tilespmem:s31], [sflag:$0x3], $0x1400, $0x38;
	[tilespmem:$0x16600] =	vst v63  }
0x34: {  	_ =	swait.ge [sflag:s0], $0x1400  }
0x35: {  	[sflag:s0] =	ssyncset.done $0x0  }
0x36: {  	s18 =	rddreg [dreg:$0x7];
	[sflag:s0] =	ssyncadd.s32 $0xFFFFEC00  }
0x37: {  	[spmem:s18] =	stream.linear.scatter [tilespmem:s31], [sflag:$0x3], $0x1400, $0x38;
	[tilespmem:$0x16600] =	vst v63  }
0x38: {  	_ =	swait.ge [sflag:s0], $0x1400  }
0x39: {  	[sflag:s0] =	ssyncset.done $0x0  }
0x3a: {  	s19 =	rddreg [dreg:$0x8];
	[sflag:s0] =	ssyncadd.s32 $0xFFFFEC00  }
0x3b: {  	[spmem:s19] =	stream.linear.scatter [tilespmem:s31], [sflag:$0x3], $0x1400, $0x38;
	[tilespmem:$0x16600] =	vst v63  }
0x3c: {  	_ =	swait.ge [sflag:s0], $0x1400  }
0x3d: {  	[sflag:s0] =	ssyncset.done $0x0  }
0x3e: {  	s20 =	rddreg [dreg:$0x9];
	[sflag:s0] =	ssyncadd.s32 $0xFFFFEC00  }
0x3f: {  	[spmem:s20] =	stream.linear.scatter [tilespmem:s31], [sflag:$0x3], $0x1400, $0x38;
	[tilespmem:$0x16600] =	vst v63  }
0x40: {  	_ =	swait.ge [sflag:s0], $0x1400  }
0x41: {  	[sflag:s0] =	ssyncset.done $0x0  }
0x42: {  	s21 =	rddreg [dreg:$0xa];
	[sflag:s0] =	ssyncadd.s32 $0xFFFFEC00  }
0x43: {  	[spmem:s21] =	stream.linear.scatter [tilespmem:s31], [sflag:$0x3], $0x1400, $0x38;
	[tilespmem:$0x16600] =	vst v63  }
0x44: {  	_ =	swait.ge [sflag:s0], $0x1400  }
0x45: {  	[sflag:s0] =	ssyncset.done $0x0  }
0x46: {  	s22 =	rddreg [dreg:$0xb];
	[sflag:s0] =	ssyncadd.s32 $0xFFFFEC00  }
0x47: {  	[spmem:s22] =	stream.linear.scatter [tilespmem:s31], [sflag:$0x3], $0x1400, $0x38;
	[tilespmem:$0x16600] =	vst v63  }
0x48: {  	_ =	swait.ge [sflag:s0], $0x1400  }
0x49: {  	[sflag:s0] =	ssyncset.done $0x0  }
0x4a: {  	s18 =	rddreg [dreg:$0xc];
	[sflag:s0] =	ssyncadd.s32 $0xFFFFEC00  }
0x4b: {  	[spmem:s18] =	stream.linear.scatter [tilespmem:s31], [sflag:$0x3], $0x1400, $0x38;
	[tilespmem:$0x16600] =	vst v63  }
0x4c: {  	_ =	swait.ge [sflag:s0], $0x1400  }
0x4d: {  	[sflag:s0] =	ssyncset.done $0x0  }
0x4e: {  	s19 =	rddreg [dreg:$0xd];
	[sflag:s0] =	ssyncadd.s32 $0xFFFFEC00  }
0x4f: {  	[spmem:s19] =	stream.linear.scatter [tilespmem:s31], [sflag:$0x3], $0x1400, $0x38;
	[tilespmem:$0x16600] =	vst v63  }
0x50: {  	_ =	swait.ge [sflag:s0], $0x1400  }
0x51: {  	[sflag:s0] =	ssyncset.done $0x0  }
0x52: {  	s20 =	rddreg [dreg:$0xe];
	[sflag:s0] =	ssyncadd.s32 $0xFFFFEC00  }
0x53: {  	[spmem:s20] =	stream.linear.scatter [tilespmem:s31], [sflag:$0x3], $0x1400, $0x38;
	[tilespmem:$0x16600] =	vst v63  }
0x54: {  	_ =	swait.ge [sflag:s0], $0x1400  }
0x55: {  	[sflag:s0] =	ssyncset.done $0x0  }
0x56: {  	[sflag:s0] =	ssyncadd.s32 $0xFFFFEC00  }
0x57: {  	[spmem:s26] =	stream.linear.scatter [tilespmem:s31], [sflag:$0x3], $0x1400, $0x38;
	[tilespmem:$0x16600] =	vst v63  }
0x58: {  	_ =	swait.ge [sflag:s0], $0x1400  }
0x59: {  	[sflag:s0] =	ssyncset.done $0x0  }
0x5a: {  	[sflag:s0] =	ssyncadd.s32 $0xFFFFEC00  }
0x5b: {  	[spmem:s28] =	stream.linear.scatter [tilespmem:s31], [sflag:$0x3], $0x1400, $0x38;
	[tilespmem:$0x16600] =	vst v63  }
0x5c: {  	_ =	swait.ge [sflag:s0], $0x1400  }
0x5d: {  	[sflag:s0] =	ssyncset.done $0x0  }
0x5e: {  	[sflag:s0] =	ssyncadd.s32 $0xFFFFEC00  }
0x5f: {  	[spmem:s29] =	stream.linear.scatter [tilespmem:s31], [sflag:$0x3], $0x1400, $0x38;
	[tilespmem:$0x16600] =	vst v63  }
0x60: {  	_ =	swait.ge [sflag:s0], $0x1400  }
0x61: {  	[sflag:s0] =	ssyncset.done $0x0  }
0x62: {  	[sflag:s0] =	ssyncadd.s32 $0xFFFFEC00  }
0x63: {  	[spmem:s30] =	stream.linear.scatter [tilespmem:s31], [sflag:$0x3], $0x1400, $0x38;
	[tilespmem:$0x16600] =	vst v63  }
0x64: {  	_ =	swait.ge [sflag:s0], $0x1400  }
0x65: {  	[sflag:s0] =	ssyncset.done $0x0  }
0x66: {  	[sflag:s0] =	ssyncadd.s32 $0xFFFFEC00  }
0x67: {  	[bflag:$0x0] =	sbarrier.arrive $0xFFFF  }
0x68: {  	s21 =	simm.s32 $0x0;
	s18 =	rddreg [dreg:$0xf]  }
0x69: {  	[tilespmem:s2], [sflag:$0x3] =	stream.linear.gather [hbm4b:s18+s21], $0x10, $0x38;
	[tilespmem:$0x16600] =	vst v63  }
0x6a: {  	_ =	swait.ge [sflag:s0], $0x10  }
0x6b: {  	[sflag:s0] =	ssyncset.done $0x0  }
0x6c: {  	s22 =	rddreg [dreg:$0x10];
	[sflag:s0] =	ssyncadd.s32 $0xFFFFFFF0  }
0x6d: {  	[tilespmem:s8], [sflag:$0x3] =	stream.linear.gather [hbm4b:s22+s21], $0x10, $0x38;
	[tilespmem:$0x16600] =	vst v63  }
0x6e: {  	_ =	swait.ge [sflag:s0], $0x10  }
0x6f: {  	[sflag:s0] =	ssyncset.done $0x0  }
0x70: {  	[sflag:s0] =	ssyncadd.s32 $0xFFFFFFF0  }
0x71: {  	[tilespmem:s10], [sflag:$0x1] =	stream.indirect.gather [hbm4b:s1+s9], $0x80, s2, s9, $0xb8;
	[tilespmem:$0x16600] =	vst v63  }
0x72: {  	s19 =	sadd.s32 $0x0, s25  }
0x73: {  	[tilespmem:s11], [sflag:$0x3] =	stream.linear.gather [hbm4b:s19+s4], $0x10, $0x38;
	[tilespmem:$0x16600] =	vst v63  }
0x74: {  	_ =	swait.ge [sflag:s0], $0x10  }
0x75: {  	[sflag:s0] =	ssyncset.done $0x0  }
0x76: {  	s20 =	sadd.s32 $0x0, s24;
	[sflag:s0] =	ssyncadd.s32 $0xFFFFFFF0  }
0x77: {  	[tilespmem:s12], [sflag:$0x3] =	stream.linear.gather [hbm4b:s20+s4], $0x10, $0x38;
	[tilespmem:$0x16600] =	vst v63  }
0x78: {  	_ =	swait.ge [sflag:s0], $0x10  }
0x79: {  	[sflag:s0] =	ssyncset.done $0x0  }
0x7a: {  	[sflag:s0] =	ssyncadd.s32 $0xFFFFFFF0  }
0x7b: {  	[tilespmem:s13], [sflag:$0x2] =	stream.indirect.gather [hbm4b:s1+s9], $0x80, s11, s9, $0xb8;
	[tilespmem:$0x16600] =	vst v63  }
0x7c: {  	_ =	swait.ge [sflag:s14], $0x800  }
0x7d: {  	[sflag:s14] =	ssyncset.done $0x0  }
0x7e: {  	[sflag:s14] =	ssyncadd.s32 $0xFFFFF800  }
0x7f: {  	[spmem:s3] =	stream.indirect.scatter.add.f32 [tilespmem:s10], [sflag:$0x3], $0x80, s8, s9, $0xb8;
	[tilespmem:$0x16600] =	vst v63  }
0x80: {  	_ =	swait.ge [sflag:s0], $0x800  }
0x81: {  	s21 =	sshrl.u32 s23, $0x3;
	[sflag:s0] =	ssyncset.done $0x0  }
0x82: {  	s22 =	sadd.s32 s5, s21;
	[sflag:s0] =	ssyncadd.s32 $0xFFFFF800  }
0x83: {  	[tilespmem:s2], [sflag:$0x3] =	stream.linear.gather [hbm4b:s22+s4], $0x10, $0x38;
	[tilespmem:$0x16600] =	vst v63  }
0x84: {  	_ =	swait.ge [sflag:s0], $0x10  }
0x85: {  	[sflag:s0] =	ssyncset.done $0x0  }
0x86: {  	s17 =	sadd.s32 s6, s21;
	[sflag:s0] =	ssyncadd.s32 $0xFFFFFFF0  }
0x87: {  	[tilespmem:s8], [sflag:$0x3] =	stream.linear.gather [hbm4b:s17+s4], $0x10, $0x38;
	[tilespmem:$0x16600] =	vst v63  }
0x88: {  	_ =	swait.ge [sflag:s0], $0x10  }
0x89: {  	[sflag:s0] =	ssyncset.done $0x0  }
0x8a: {  	[sflag:s0] =	ssyncadd.s32 $0xFFFFFFF0  }
0x8b: {  	[tilespmem:s10], [sflag:$0x1] =	stream.indirect.gather [hbm4b:s1+s9], $0x80, s2, s9, $0xb8;
	[tilespmem:$0x16600] =	vst v63  }
0x8c: {  	_ =	swait.ge [sflag:s15], $0x800  }
0x8d: {  	[sflag:s15] =	ssyncset.done $0x0  }
0x8e: {  	[sflag:s15] =	ssyncadd.s32 $0xFFFFF800  }
0x8f: {  	[spmem:s3] =	stream.indirect.scatter.add.f32 [tilespmem:s13], [sflag:$0x3], $0x80, s12, s9, $0xb8;
	[tilespmem:$0x16600] =	vst v63  }
0x90: {  	s18 =	simm.s32 $0x4;
	_ =	swait.ge [sflag:s0], $0x800  }
0x91: {  	s19 =	simm.s32 $0x8;
	s17 =	sadd.s32 $0x20, s23;
	[sflag:s0] =	ssyncset.done $0x0  }
.LBB2_4:
0x92: {  	s21 =	sadd.s32 s18, s25  }
0x93: {  	[sflag:s0] =	ssyncadd.s32 $0xFFFFF800;
	s22 =	smov.u32 s19;
	s20 =	sadd.s32 $0x4, s19  }
0x94: {  	[tilespmem:s11], [sflag:$0x3] =	stream.linear.gather [hbm4b:s21+s4], $0x10, $0x38;
	[tilespmem:$0x16600] =	vst v63  }
0x95: {  	p0 =	sne.s32 s19, $0x4DC;
	_ =	swait.ge [sflag:s0], $0x10  }
0x96: {  	[sflag:s0] =	ssyncset.done $0x0  }
0x97: {  	s19 =	sadd.s32 s18, s24;
	s18 =	smov.u32 s22;
	[sflag:s0] =	ssyncadd.s32 $0xFFFFFFF0  }
0x98: {  	[tilespmem:s12], [sflag:$0x3] =	stream.linear.gather [hbm4b:s19+s4], $0x10, $0x38;
	[tilespmem:$0x16600] =	vst v63  }
0x99: {  	_ =	swait.ge [sflag:s0], $0x10  }
0x9a: {  	[sflag:s0] =	ssyncset.done $0x0  }
0x9b: {  	[sflag:s0] =	ssyncadd.s32 $0xFFFFFFF0  }
0x9c: {  	[tilespmem:s13], [sflag:$0x2] =	stream.indirect.gather [hbm4b:s1+s9], $0x80, s11, s9, $0xb8;
	[tilespmem:$0x16600] =	vst v63  }
0x9d: {  	_ =	swait.ge [sflag:s14], $0x800  }
0x9e: {  	[sflag:s14] =	ssyncset.done $0x0  }
0x9f: {  	[sflag:s14] =	ssyncadd.s32 $0xFFFFF800  }
0xa0: {  	[spmem:s3] =	stream.indirect.scatter.add.f32 [tilespmem:s10], [sflag:$0x3], $0x80, s8, s9, $0xb8;
	[tilespmem:$0x16600] =	vst v63  }
0xa1: {  	_ =	swait.ge [sflag:s0], $0x800  }
0xa2: {  	s19 =	sshrl.u32 s17, $0x3;
	[sflag:s0] =	ssyncset.done $0x0  }
0xa3: {  	s21 =	sadd.s32 s5, s19;
	[sflag:s0] =	ssyncadd.s32 $0xFFFFF800  }
0xa4: {  	[tilespmem:s2], [sflag:$0x3] =	stream.linear.gather [hbm4b:s21+s4], $0x10, $0x38;
	[tilespmem:$0x16600] =	vst v63  }
0xa5: {  	_ =	swait.ge [sflag:s0], $0x10  }
0xa6: {  	[sflag:s0] =	ssyncset.done $0x0  }
0xa7: {  	s19 =	sadd.s32 s6, s19;
	[sflag:s0] =	ssyncadd.s32 $0xFFFFFFF0  }
0xa8: {  	[tilespmem:s8], [sflag:$0x3] =	stream.linear.gather [hbm4b:s19+s4], $0x10, $0x38;
	[tilespmem:$0x16600] =	vst v63  }
0xa9: {  	_ =	swait.ge [sflag:s0], $0x10  }
0xaa: {  	[sflag:s0] =	ssyncset.done $0x0  }
0xab: {  	[sflag:s0] =	ssyncadd.s32 $0xFFFFFFF0  }
0xac: {  	[tilespmem:s10], [sflag:$0x1] =	stream.indirect.gather [hbm4b:s1+s9], $0x80, s2, s9, $0xb8;
	[tilespmem:$0x16600] =	vst v63  }
0xad: {  	_ =	swait.ge [sflag:s15], $0x800  }
.Ltmp1:
0xae: {  	[sflag:s15] =	ssyncset.done $0x0;
	(pc) =	sbr.rel @p0 .LBB2_4-.Ltmp1, $4  }
0xaf: {  	[sflag:s15] =	ssyncadd.s32 $0xFFFFF800  }
0xb0: {  	[spmem:s3] =	stream.indirect.scatter.add.f32 [tilespmem:s13], [sflag:$0x3], $0x80, s12, s9, $0xb8;
	[tilespmem:$0x16600] =	vst v63  }
0xb1: {  	_ =	swait.ge [sflag:s0], $0x800  }
0xb2: {  	s17 =	sadd.s32 $0x20, s17;
	s19 =	smov.u32 s20;
	[sflag:s0] =	ssyncset.done $0x0  }
0xb3: {  	s19 =	sadd.s32 s18, s25;
	[sflag:s0] =	ssyncadd.s32 $0xFFFFF800  }
0xb4: {  	[tilespmem:s11], [sflag:$0x3] =	stream.linear.gather [hbm4b:s19+s4], $0x10, $0x38;
	[tilespmem:$0x16600] =	vst v63  }
0xb5: {  	_ =	swait.ge [sflag:s0], $0x10  }
0xb6: {  	[sflag:s0] =	ssyncset.done $0x0  }
0xb7: {  	s21 =	sadd.s32 s18, s24;
	[sflag:s0] =	ssyncadd.s32 $0xFFFFFFF0  }
0xb8: {  	[tilespmem:s12], [sflag:$0x3] =	stream.linear.gather [hbm4b:s21+s4], $0x10, $0x38;
	[tilespmem:$0x16600] =	vst v63  }
0xb9: {  	_ =	swait.ge [sflag:s0], $0x10  }
0xba: {  	[sflag:s0] =	ssyncset.done $0x0  }
0xbb: {  	[sflag:s0] =	ssyncadd.s32 $0xFFFFFFF0  }
0xbc: {  	[tilespmem:s13], [sflag:$0x2] =	stream.indirect.gather [hbm4b:s1+s9], $0x80, s11, s9, $0xb8;
	[tilespmem:$0x16600] =	vst v63  }
0xbd: {  	_ =	swait.ge [sflag:s14], $0x800  }
0xbe: {  	[sflag:s14] =	ssyncset.done $0x0  }
0xbf: {  	[sflag:s14] =	ssyncadd.s32 $0xFFFFF800  }
0xc0: {  	[spmem:s3] =	stream.indirect.scatter.add.f32 [tilespmem:s10], [sflag:$0x3], $0x80, s8, s9, $0xb8;
	[tilespmem:$0x16600] =	vst v63  }
0xc1: {  	_ =	swait.ge [sflag:s0], $0x800  }
0xc2: {  	s17 =	sshrl.u32 s17, $0x3;
	[sflag:s0] =	ssyncset.done $0x0  }
0xc3: {  	s22 =	sadd.s32 s5, s17;
	[sflag:s0] =	ssyncadd.s32 $0xFFFFF800  }
0xc4: {  	[tilespmem:s2], [sflag:$0x3] =	stream.linear.gather [hbm4b:s22+s4], $0x10, $0x38;
	[tilespmem:$0x16600] =	vst v63  }
0xc5: {  	_ =	swait.ge [sflag:s0], $0x10  }
0xc6: {  	[sflag:s0] =	ssyncset.done $0x0  }
0xc7: {  	s17 =	sadd.s32 s6, s17;
	[sflag:s0] =	ssyncadd.s32 $0xFFFFFFF0  }
0xc8: {  	[tilespmem:s8], [sflag:$0x3] =	stream.linear.gather [hbm4b:s17+s4], $0x10, $0x38;
	[tilespmem:$0x16600] =	vst v63  }
0xc9: {  	_ =	swait.ge [sflag:s0], $0x10  }
0xca: {  	[sflag:s0] =	ssyncset.done $0x0  }
0xcb: {  	[sflag:s0] =	ssyncadd.s32 $0xFFFFFFF0  }
0xcc: {  	[tilespmem:s10], [sflag:$0x1] =	stream.indirect.gather [hbm4b:s1+s9], $0x80, s2, s9, $0xb8;
	[tilespmem:$0x16600] =	vst v63  }
0xcd: {  	_ =	swait.ge [sflag:s15], $0x800  }
0xce: {  	[sflag:s15] =	ssyncset.done $0x0  }
0xcf: {  	[sflag:s15] =	ssyncadd.s32 $0xFFFFF800  }
0xd0: {  	[spmem:s3] =	stream.indirect.scatter.add.f32 [tilespmem:s13], [sflag:$0x3], $0x80, s12, s9, $0xb8;
	[tilespmem:$0x16600] =	vst v63  }
0xd1: {  	_ =	swait.ge [sflag:s0], $0x800  }
0xd2: {  	[sflag:s0] =	ssyncset.done $0x0  }
0xd3: {  	[sflag:s0] =	ssyncadd.s32 $0xFFFFF800  }
0xd4: {  	_ =	swait.ge [sflag:s14], $0x800  }
0xd5: {  	[sflag:s14] =	ssyncset.done $0x0  }
0xd6: {  	[sflag:s14] =	ssyncadd.s32 $0xFFFFF800  }
0xd7: {  	[spmem:s3] =	stream.indirect.scatter.add.f32 [tilespmem:s10], [sflag:$0x3], $0x80, s8, s9, $0xb8;
	[tilespmem:$0x16600] =	vst v63  }
0xd8: {  	_ =	swait.ge [sflag:s0], $0x800  }
0xd9: {  	[sflag:s0] =	ssyncset.done $0x0  }
0xda: {  	s19 =	stileid.u32;
	[sflag:s0] =	ssyncadd.s32 $0xFFFFF800  }
0xdb: {  	s17 =	sshll.u32 s19, $0x6;
	[bflag:$0x0] =	sbarrier.arrive $0xFFFF  }
0xdc: {  	s20 =	sshrl.u32 s7, $0x3;
	s17 =	sor.u32 $0x1C03, s17;
	s21 =	rddreg [dreg:$0x11]  }
0xdd: {  	[hbm:s21], [sflag:s17] =	dma.local [spmem:s20], $0x2800  }
0xde: {  	_ =	swait.ge [sflag:s0], $0x2800  }
0xdf: {  	s16 =	sadd.s32 $0x1, s16;
	s22 =	rddreg [dreg:$0x12]  }
0xe0: {  	p0 =	sne.s32 s16, s22  }
.Ltmp2:
0xe1: {  	_ = 	snop;
	(pc) =	sbr.rel @p0 .LBB2_1-.Ltmp2, $3  }
0xe2: {  	_ =	sdelay $0x1  }
0xe3: {  	[sflag:s0] =	ssyncset.done $0x0  }
0xe4: {  	[sflag:s0] =	ssyncadd.s32 $0xFFFFD800  }
0xe5: {  	_ =	sfence.sel $0x180000  }
0xe6: {  	[bflag:$0x0] =	sbarrier.arrive $0xFFFF  }
0xe7: {  	_ =	strace $0x90000047  }
0xe8: {  	s0 =	stileid.u32;
	[bflag:$0x2] =	sbarrier.arrive $0xFFFF  }
0xe9: {  	p0 =	sne.s32 s0, $0x0;
	s0 =	rddreg [dreg:$0x3]  }
0xea: {  	s0 =	sadd.s32 @!p0 $0x100000, s0  }
0xeb: {  	[sflag:s0] =	ssyncadd.tile.s32 @!p0 $0x1;
	_ =	shalt  }
.Lfunc_end2:
_tile_overlayer_lowered:
.L_overlay_start_2:
0xec: {  	(tag) =	ssettag $0x2  }
0xed: {  	s0 =	rddreg [dreg:$0x0];
	s2 =	stileid.u32  }
0xee: {  	s1 =	rddreg [dreg:$0x1];
	p0 =	sne.s32 s2, $0x0  }
0xef: {  	s3 =	rddreg [dreg:$0x2];
	[bflag:$0x3] =	sbarrier.arrive $0xFFFF;
	s2 =	simm.s32 @!p0 $0x1C03  }
0xf0: {  	[timem:s3], [sflag:s2] =	dma.local @!p0 [hbm:s0], s1  }
0xf1: {  	s0 =	simm.s32 @!p0 $0x3  }
0xf2: {  	_ =	swait.ge @!p0 [sflag:s0], s1  }
0xf3: {  	s1 =	ssub.s32 @!p0 $0x0, s1;
	[sflag:s0] =	ssyncset.done @!p0 $0x0  }
0xf4: {  	[sflag:s0] =	ssyncadd.s32 @!p0 s1  }
0xf5: {  	[bflag:$0x3] =	sbarrier.arrive $0xFFFF  }
0xf6: {  	_ =	shalt  }

// kernel: kernel.9.cloned.1.call-start
scs
__scs_entry_jumppad:
0x0: {  	(pc) =	sbr.rel $0x88, $3  }
0x1: {  	(tag) =	ssettag $0x0;
	lr =	simm.s32 $0x1  }
0x2: {  	[smem:$0x3F85] =	sst lr;
	_ =	strace $0xD0000000  }
0x3: {  	_ = 	snop  }
0x4: {  	_ = 	snop  }
0x5: {  	_ = 	snop  }
0x6: {  	_ = 	snop  }
0x7: {  	_ = 	snop  }
__scs_overlays_trampoline_lowered:
0x8: {  	[smem:$0x3F94] =	sst s0  }
0x9: {  	[smem:$0x3F95] =	sst s1  }
0xa: {  	[smem:$0x3F96] =	sst s2  }
0xb: {  	[smem:$0x3F97] =	sst s3  }
0xc: {  	[smem:$0x3F98] =	sst s4  }
0xd: {  	[smem:$0x3F99] =	sst s5  }
0xe: {  	[smem:$0x3F9A] =	sst s6  }
0xf: {  	[smem:$0x3F9B] =	sst s7  }
0x10: {  	[smem:$0x3F9C] =	sst s8  }
0x11: {  	[smem:$0x3F9D] =	sst s9;
	s0 =	simm.s32 @!p0 $0x0  }
0x12: {  	s1 =	sld [smem:$0x3F83];
	s0 =	simm.s32 @p0 $0x1  }
0x13: {  	[smem:$0x3F9E] =	sst s0;
	s0 =	simm.s32 @!p1 $0x0  }
0x14: {  	s2 =	sld [smem:$0x3F82];
	s0 =	simm.s32 @p1 $0x1  }
0x15: {  	[smem:$0x3F9F] =	sst s0;
	s0 =	simm.s32 @!p2 $0x0  }
0x16: {  	s3 =	sld [smem:$0x3FDB];
	s0 =	simm.s32 @p2 $0x1  }
0x17: {  	s4 =	simm.s32 $0x1BF5;
	[smem:$0x3FA1] =	sst s0  }
0x18: {  	s0 =	sld [smem:$0x3F84];
	_ =	swait.ge [sflag:s4], $0x0  }
0x19: {  	s7 =	sld [smem:$0x3F85]  }
0x1a: {  	s8 =	sadd.s32 $0xFFFFE003, lr  }
0x1b: {  	s9 =	sadd.s32 $0xFFFFFEF7, lr;
	s5 =	simm.s32 $0xFFFFFFFF;
	p2 =	slt.u32 s8, $0xFFFFF086  }
0x1c: {  	p1 =	slt.u32 s9, $0xF7A;
	s5 =	simm.s32 @!p2 $0x0  }
0x1d: {  	s5 =	simm.s32 @p1 $0x1;
	p0 =	seq.s32 s7, s2  }
0x1e: {  	s7 =	smul.u32 @!p0 $0xF7A, s2;
	p2 =	seq.s32 @!p0 s5, $0x0  }
0x1f: {  	s9 =	smul.u32 $0xF7A, s1;
	s8 =	simm.s32 @!p0 $0x1BF5;
	p2 =	por !p2, p0  }
0x20: {  	[sflag:s8] =	ssyncset.s32 @!p0 $0xFFFFF086;
	s6 =	sadd.s32 @!p0 s3, s7;
	s7 =	simm.s32 @!p0 $0x108  }
0x21: {  	s3 =	sadd.s32 s3, s9;
	s6 =	sadd.s32 @!p0 $0x88, s6;
	s7 =	simm.s32 @p2 $0x1082  }
0x22: {  	[simem:s7], [sflag:s8] =	dma.local @!p0 [hbm:s6], $0xF7A  }
0x23: {  	s9 =	sor.u32 $0xD0000000, s2;
	s6 =	simm.s32 $0x108;
	_ =	swait.ge @!p0 [sflag:s8], $0x0  }
0x24: {  	s3 =	sadd.s32 $0x88, s3;
	s6 =	simm.s32 @!p1 $0x1082;
	[sflag:s4] =	ssyncset.s32 $0xFFFFF086  }
0x25: {  	[simem:s6], [sflag:s4] =	dma.local [hbm:s3], $0xF7A  }
0x26: {  	[smem:$0x3F85] =	sst s1;
	(tag) =	ssettag s2;
	_ =	strace s9  }
0x27: {  	s1 =	sld [smem:$0x3F95]  }
0x28: {  	s2 =	sld [smem:$0x3F96]  }
0x29: {  	s4 =	sld [smem:$0x3F98]  }
0x2a: {  	p0 =	seq.s32 s5, $0x0;
	s5 =	sld [smem:$0x3F99]  }
0x2b: {  	s6 =	sld [smem:$0x3F9A]  }
0x2c: {  	s7 =	sld [smem:$0x3F9B]  }
0x2d: {  	s3 =	simm.s32 $0x108;
	s8 =	sld [smem:$0x3F9C]  }
0x2e: {  	s3 =	simm.s32 @!p0 $0x1082;
	s9 =	sld [smem:$0x3F9D]  }
0x2f: {  	lr =	sadd.s32 s0, s3;
	s0 =	sld [smem:$0x3F94]  }
0x30: {  	s3 =	sld [smem:$0x3F97]  }
0x31: {  	[smem:$0x3FA0] =	sst s10  }
0x32: {  	s10 =	sld [smem:$0x3F9E];
	_ =	sdelay $0x3  }
0x33: {  	p0 =	seq.s32 s10, $0x1;
	s10 =	sld [smem:$0x3FA0];
	_ =	sdelay $0x3  }
0x34: {  	[smem:$0x3FA0] =	sst s10  }
0x35: {  	s10 =	sld [smem:$0x3F9F];
	_ =	sdelay $0x3  }
0x36: {  	p1 =	seq.s32 s10, $0x1;
	s10 =	sld [smem:$0x3FA0];
	_ =	sdelay $0x3  }
0x37: {  	[smem:$0x3FA0] =	sst s10  }
0x38: {  	s10 =	sld [smem:$0x3FA1]  }
0x39: {  	_ = 	snop;
	(pc) =	sbr.ind lr, $3  }
0x3a: {  	_ = 	snop  }
0x3b: {  	_ = 	snop  }
0x3c: {  	p2 =	seq.s32 s10, $0x1;
	s10 =	sld [smem:$0x3FA0]  }
0x3d: {  	_ =	shalt  }
0x3e: {  	_ =	shalt  }
0x3f: {  	_ =	shalt  }
0x40: {  	_ =	shalt  }
0x41: {  	_ =	shalt  }
0x42: {  	_ =	shalt  }
0x43: {  	_ =	shalt  }
0x44: {  	_ =	shalt  }
0x45: {  	_ =	shalt  }
0x46: {  	_ =	shalt  }
0x47: {  	_ =	shalt  }
0x48: {  	_ =	shalt  }
0x49: {  	_ =	shalt  }
0x4a: {  	_ =	shalt  }
0x4b: {  	_ =	shalt  }
0x4c: {  	_ =	shalt  }
0x4d: {  	_ =	shalt  }
0x4e: {  	_ =	shalt  }
0x4f: {  	_ =	shalt  }
0x50: {  	_ =	shalt  }
0x51: {  	_ =	shalt  }
0x52: {  	_ =	shalt  }
0x53: {  	_ =	shalt  }
0x54: {  	_ =	shalt  }
0x55: {  	_ =	shalt  }
0x56: {  	_ =	shalt  }
0x57: {  	_ =	shalt  }
0x58: {  	_ =	shalt  }
0x59: {  	_ =	shalt  }
0x5a: {  	_ =	shalt  }
0x5b: {  	_ =	shalt  }
0x5c: {  	_ =	shalt  }
0x5d: {  	_ =	shalt  }
0x5e: {  	_ =	shalt  }
0x5f: {  	_ =	shalt  }
0x60: {  	_ =	shalt  }
0x61: {  	_ =	shalt  }
0x62: {  	_ =	shalt  }
0x63: {  	_ =	shalt  }
0x64: {  	_ =	shalt  }
0x65: {  	_ =	shalt  }
0x66: {  	_ =	shalt  }
0x67: {  	_ =	shalt  }
0x68: {  	_ =	shalt  }
0x69: {  	_ =	shalt  }
0x6a: {  	_ =	shalt  }
0x6b: {  	_ =	shalt  }
0x6c: {  	_ =	shalt  }
0x6d: {  	_ =	shalt  }
0x6e: {  	_ =	shalt  }
0x6f: {  	_ =	shalt  }
0x70: {  	_ =	shalt  }
0x71: {  	_ =	shalt  }
0x72: {  	_ =	shalt  }
0x73: {  	_ =	shalt  }
0x74: {  	_ =	shalt  }
0x75: {  	_ =	shalt  }
0x76: {  	_ =	shalt  }
0x77: {  	_ =	shalt  }
0x78: {  	_ =	shalt  }
0x79: {  	_ =	shalt  }
0x7a: {  	_ =	shalt  }
0x7b: {  	_ =	shalt  }
0x7c: {  	_ =	shalt  }
0x7d: {  	_ =	shalt  }
0x7e: {  	_ =	shalt  }
0x7f: {  	_ =	shalt  }
0x80: {  	_ =	shalt  }
0x81: {  	_ =	shalt  }
0x82: {  	_ =	shalt  }
0x83: {  	_ =	shalt  }
0x84: {  	_ =	shalt  }
0x85: {  	_ =	shalt  }
0x86: {  	_ =	shalt  }
0x87: {  	_ =	shalt  }
.Lfunc_end0:
.L_simem_size_0:
called_computation.3_lowered:
.L_overlay_start_0:
0x88: {  	s2 =	sld [smem:$0x3FD9]  }
0x89: {  	s3 =	sld [smem:$0x3FFE];
	_ =	sdelay $0x1  }
0x8a: {  	s1 =	srdreg.scid  }
0x8b: {  	s0 =	sand.u32 $0x1, s1  }
0x8c: {  	s16 =	sshll.u32 s0, $0xA;
	s2 =	sadd.s32 s3, s2  }
0x8d: {  	s2 =	sadd.s32 s2, s16  }
0x8e: {  	[smem:$0x3FAC] =	sst s2  }
0x8f: {  	_ = 	snop  }
0x90: {  	(tm) =	ssettm $0x1  }
0x91: {  	s17 =	sld [smem:$0x3FFB];
	_ =	sdelay $0x3  }
0x92: {  	_ =	strace s17  }
0x93: {  	s2 =	sld [smem:$0x3FFC];
	_ =	sdelay $0x3  }
0x94: {  	_ =	strace s2  }
0x95: {  	s2 =	sld [smem:$0x3FFD];
	_ =	sdelay $0x3  }
0x96: {  	_ =	strace s2  }
0x97: {  	_ =	strace $0x8FFFFFFF  }
0x98: {  	s18 =	sld [smem:$0x3FDB];
	_ =	sdelay $0x1  }
0x99: {  	s19 =	simm.s32 $_scs_section_size  }
0x9a: {  	s4 =	simm.s32 $_size__tile_overlayer_lowered;
	s5 =	simm.s32 $_tile_overlayer_lowered  }
0x9b: {  	s22 =	simm.s32 $0x1BFF;
	s21 =	sshll.u32 s5, $0x1;
	s2 =	sadd.s32 s19, s18  }
0x9c: {  	s6 =	simm.s32 $0x0;
	s20 =	sshll.u32 s4, $0x1;
	s4 =	sadd.s32 s21, s2  }
0x9d: {  	[timem:s6], [sflag:s22] =	dma.local [hbm:s4], s20  }
0x9e: {  	_ =	swait.ge [sflag:s22], s20  }
0x9f: {  	s3 =	ssub.s32 $0x0, s20;
	[sflag:s22] =	ssyncset.done $0x0  }
0xa0: {  	[sflag:s22] =	ssyncadd.s32 s3;
	_ =	sdelay $0x1  }
0xa1: {  	s23 =	simm.s32 $0x1B8B  }
0xa2: {  	_ =	swait.ge [sflag:s23], $0x1  }
0xa3: {  	[sflag:s23] =	ssyncset.done $0x0  }
0xa4: {  	s25 =	simm.s32 $0x1B8E;
	s24 =	sld [smem:$0x3FFE];
	[sflag:s23] =	ssyncadd.s32 $0xFFFFFFFF  }
0xa5: {  	s26 =	simm.s32 $execute0_lowered;
	[smem:$0x3FD2] =	sst s25  }
0xa6: {  	s4 =	sshll.u32 s26, $0x1;
	_ =	strace $0x80000055;
	[dreg:$0x1] =	wrdreg $0xFFFFFFFF  }
0xa7: {  	s28 =	simm.s32 $_size_execute0_lowered;
	s2 =	sadd.s32 s2, s4;
	[dreg:$0x0] =	wrdreg $0x0  }
0xa8: {  	s4 =	sshll.u32 s28, $0x1;
	[dreg:$0x2] =	wrdreg s2  }
0xa9: {  	[dreg:$0x3] =	wrdreg s4  }
0xaa: {  	[dreg:$0x4] =	wrdreg $0xC0  }
0xab: {  	_ =	task [dreg:s6], $0x5FFFF  }
0xac: {  	[dreg:$0x1] =	wrdreg $0xFFFFFFFF  }
0xad: {  	[dreg:$0x0] =	wrdreg $0x60  }
0xae: {  	[dreg:$0x2] =	wrdreg s24  }
0xaf: {  	[dreg:$0x3] =	wrdreg $0x0  }
0xb0: {  	[dreg:$0x4] =	wrdreg $0x9  }
0xb1: {  	_ =	task.clear_ibuf [dreg:s6], $0x5FFFF;
	_ =	strace $0x90000055  }
0xb2: {  	s29 =	simm.s32 $0x9;
	_ =	strace $0x80000057  }
0xb3: {  	_ =	swait.ge [sflag:s29], $0x1  }
0xb4: {  	[sflag:s29] =	ssyncadd.s32 $0xFFFFFFFF  }
0xb5: {  	_ =	strace $0x90000057  }
0xb6: {  	_ =	sfence  }
0xb7: {  	s30 =	sld [smem:$0x0];
	_ =	sdelay $0x2  }
0xb8: {  	s31 =	sshll.u32 s1, $0xD;
	s1 =	sshrl.u32 s1, $0x2  }
0xb9: {  	s3 =	sand.u32 $0x4000, s31;
	s1 =	sadd.s32 s1, s30  }
0xba: {  	s0 =	sor.u32 s3, s0;
	s1 =	sshll.u32 s1, $0x11  }
0xbb: {  	s0 =	sor.u32 s1, s0  }
0xbc: {  	s0 =	sadd.s32 $0x8F2B, s0  }
0xbd: {  	[sflag:s0] =	ssyncadd.remote.s32 $0x1  }
0xbe: {  	_ =	sfence.sel $0xFFFF  }
0xbf: {  	[dreg:$0x0] =	wrdreg $0xFFFFFFFF;
	(pc) =	sbr.abs _section_cstart, $3  }
0xc0: {  	[dreg:$0x1] =	wrdreg $0xFFFFFFFF  }
0xc1: {  	_ =	task.clear_ibuf [dreg:s6], $0x2FFFF;
	_ =	strace $0x9FFFFFFF  }
0xc2: {  	(tm) =	ssettm $0x7FFFFFFF  }
0xc3: {  	_ =	shalt  }
tec
execute0_lowered:
.L_overlay_start_1:
0x0: {  	(tag) =	ssettag $0x1  }
0x1: {  	s0 =	rddreg [dreg:$0x0]  }
0x2: {  	s2 =	rddreg [dreg:$0x1];
	s3 =	simm.s32 $0x0;
	s10 =	stileid.u32  }
0x3: {  	s1 =	srdreg.scid;
	s31 =	simm.s32 $0x15200;
	s7 =	smul.u32 $0x2800, s10  }
0x4: {  	[smem:$0x7FF] =	sst s3;
	s1 =	sand.u32 $0x1, s1;
	s9 =	smul.u32 $0x50000, s10  }
0x5: {  	s4 =	sadd.s32 $0x65200, s0;
	s8 =	smul.u32 $0x28000, s1;
	s11 =	ssub.s32 $0x2, s1  }
0x6: {  	s5 =	sadd.s32 $0xD000, s0;
	s6 =	sadd.s32 $0x3200, s0;
	s12 =	sshrl.u32 s11, $0x1  }
0x7: {  	s9 =	sshrl.u32 s9, $0x2;
	s7 =	sadd.s32 s7, s8;
	s8 =	ssub.s32 s11, s12  }
0x8: {  	s0 =	sadd.s32 s7, s0;
	s7 =	sadd.s32 s9, s2;
	s8 =	smax.u32 s8, $0x1  }
0x9: {  	_ =	strace $0x80000056;
	s9 =	sadd.s32 $0x1400, s7;
	[dreg:$0x11] =	wrdreg s8  }
0xa: {  	s14 =	smul.u32 $0x2710, s10;
	s13 =	sadd.s32 $0x2800, s7;
	[dreg:$0x3] =	wrdreg s9  }
0xb: {  	s1 =	smul.u32 $0x27100, s1;
	s15 =	sadd.s32 $0x3C00, s7;
	[dreg:$0x4] =	wrdreg s13  }
0xc: {  	s10 =	simm.s32 $0x14200;
	s16 =	sadd.s32 $0x5000, s7;
	[dreg:$0x5] =	wrdreg s15  }
0xd: {  	s1 =	sadd.s32 s14, s1;
	s17 =	sadd.s32 $0x6400, s7;
	[dreg:$0x6] =	wrdreg s16  }
0xe: {  	s11 =	simm.s32 $0x14100;
	s18 =	sadd.s32 $0x7800, s7;
	[dreg:$0x7] =	wrdreg s17  }
0xf: {  	s12 =	simm.s32 $0x14180;
	s19 =	sadd.s32 $0x8C00, s7;
	[dreg:$0x8] =	wrdreg s18  }
0x10: {  	s14 =	simm.s32 $0x1;
	s20 =	sadd.s32 $0xA000, s7;
	[dreg:$0x9] =	wrdreg s19  }
0x11: {  	s22 =	sshrl.u32 s1, $0x3;
	s21 =	sadd.s32 $0xB400, s7;
	[dreg:$0xa] =	wrdreg s20  }
0x12: {  	s26 =	sadd.s32 $0x10, s1;
	s23 =	sadd.s32 $0xC800, s7;
	[dreg:$0xb] =	wrdreg s21  }
0x13: {  	s24 =	sadd.s32 $0xDC00, s7;
	s25 =	sadd.s32 s5, s22;
	[dreg:$0xc] =	wrdreg s23  }
0x14: {  	s0 =	sadd.s32 $0x8C400, s0;
	s28 =	sadd.s32 $0x10400, s7;
	[dreg:$0xd] =	wrdreg s24  }
0x15: {  	s29 =	sadd.s32 $0x11800, s7;
	s30 =	sadd.s32 $0x12C00, s7;
	[dreg:$0xe] =	wrdreg s25  }
0x16: {  	s8 =	simm.s32 $0x14080;
	s9 =	sadd.s32 s6, s22;
	[dreg:$0x10] =	wrdreg s0  }
0x17: {  	s23 =	sadd.s32 $0x20, s1;
	s0 =	sshrl.u32 s26, $0x3;
	s26 =	sadd.s32 $0xF000, s7  }
0x18: {  	s1 =	simm.s32 $0x14000;
	s13 =	simm.s32 $0x14A00;
	s15 =	simm.s32 $0x2  }
0x19: {  	s16 =	simm.s32 $0x0;
	[dreg:$0xf] =	wrdreg s9;
	s24 =	sadd.s32 s0, s6  }
0x1a: {  	v0 =	vimm.f32 $0.0e+00;
	s25 =	sadd.s32 s0, s5;
	s0 =	simm.s32 $0x3;
	s9 =	simm.s32 $0x10  }
.LBB2_1:
0x1b: {  	s17 =	sand.u32 $0x7E00, s3  }
0x1c: {  	s18 =	sand.u32 $0x70, s3;
	s19 =	sshrl.u32 s17, $0x2  }
0x1d: {  	s17 =	simm.s32 $0x40;
	s19 =	sor.u32 s18, s19;
	s18 =	simm.s32 $0x0  }
.LBB2_2:
0x1e: {  	p0 =	sne.s32 s17, $0x4FC0  }
0x1f: {  	[tilespmem:s19+$0x15200] =	vst v0;
	s18 =	sadd.s32 $0x10, s18;
	s19 =	smov.u32 s17;
	s17 =	sadd.s32 $0x40, s17  }
.Ltmp0:
0x20: {  	(pc) =	sbr.rel @p0 .LBB2_2-.Ltmp0, $4  }
0x21: {  	_ = 	snop  }
0x22: {  	s19 =	sand.u32 $0x7E00, s19  }
0x23: {  	s20 =	sand.u32 $0x70, s18;
	s19 =	sshrl.u32 s19, $0x2  }
0x24: {  	s19 =	sor.u32 s20, s19  }
0x25: {  	[tilespmem:s19+$0x15200] =	vst v0  }
0x26: {  	[spmem:s7] =	stream.linear.scatter [tilespmem:s31], [sflag:$0x3], $0x1400, $0x38;
	[tilespmem:$0x16600] =	vst v63  }
0x27: {  	_ =	swait.ge [sflag:s0], $0x1400  }
0x28: {  	[sflag:s0] =	ssyncset.done $0x0  }
0x29: {  	s17 =	rddreg [dreg:$0x3];
	[sflag:s0] =	ssyncadd.s32 $0xFFFFEC00  }
0x2a: {  	[spmem:s17] =	stream.linear.scatter [tilespmem:s31], [sflag:$0x3], $0x1400, $0x38;
	[tilespmem:$0x16600] =	vst v63  }
0x2b: {  	_ =	swait.ge [sflag:s0], $0x1400  }
0x2c: {  	[sflag:s0] =	ssyncset.done $0x0  }
0x2d: {  	s21 =	rddreg [dreg:$0x4];
	[sflag:s0] =	ssyncadd.s32 $0xFFFFEC00  }
0x2e: {  	[spmem:s21] =	stream.linear.scatter [tilespmem:s31], [sflag:$0x3], $0x1400, $0x38;
	[tilespmem:$0x16600] =	vst v63  }
0x2f: {  	_ =	swait.ge [sflag:s0], $0x1400  }
0x30: {  	[sflag:s0] =	ssyncset.done $0x0  }
0x31: {  	s22 =	rddreg [dreg:$0x5];
	[sflag:s0] =	ssyncadd.s32 $0xFFFFEC00  }
0x32: {  	[spmem:s22] =	stream.linear.scatter [tilespmem:s31], [sflag:$0x3], $0x1400, $0x38;
	[tilespmem:$0x16600] =	vst v63  }
0x33: {  	_ =	swait.ge [sflag:s0], $0x1400  }
0x34: {  	[sflag:s0] =	ssyncset.done $0x0  }
0x35: {  	s18 =	rddreg [dreg:$0x6];
	[sflag:s0] =	ssyncadd.s32 $0xFFFFEC00  }
0x36: {  	[spmem:s18] =	stream.linear.scatter [tilespmem:s31], [sflag:$0x3], $0x1400, $0x38;
	[tilespmem:$0x16600] =	vst v63  }
0x37: {  	_ =	swait.ge [sflag:s0], $0x1400  }
0x38: {  	[sflag:s0] =	ssyncset.done $0x0  }
0x39: {  	s19 =	rddreg [dreg:$0x7];
	[sflag:s0] =	ssyncadd.s32 $0xFFFFEC00  }
0x3a: {  	[spmem:s19] =	stream.linear.scatter [tilespmem:s31], [sflag:$0x3], $0x1400, $0x38;
	[tilespmem:$0x16600] =	vst v63  }
0x3b: {  	_ =	swait.ge [sflag:s0], $0x1400  }
0x3c: {  	[sflag:s0] =	ssyncset.done $0x0  }
0x3d: {  	s20 =	rddreg [dreg:$0x8];
	[sflag:s0] =	ssyncadd.s32 $0xFFFFEC00  }
0x3e: {  	[spmem:s20] =	stream.linear.scatter [tilespmem:s31], [sflag:$0x3], $0x1400, $0x38;
	[tilespmem:$0x16600] =	vst v63  }
0x3f: {  	_ =	swait.ge [sflag:s0], $0x1400  }
0x40: {  	[sflag:s0] =	ssyncset.done $0x0  }
0x41: {  	s21 =	rddreg [dreg:$0x9];
	[sflag:s0] =	ssyncadd.s32 $0xFFFFEC00  }
0x42: {  	[spmem:s21] =	stream.linear.scatter [tilespmem:s31], [sflag:$0x3], $0x1400, $0x38;
	[tilespmem:$0x16600] =	vst v63  }
0x43: {  	_ =	swait.ge [sflag:s0], $0x1400  }
0x44: {  	[sflag:s0] =	ssyncset.done $0x0  }
0x45: {  	s22 =	rddreg [dreg:$0xa];
	[sflag:s0] =	ssyncadd.s32 $0xFFFFEC00  }
0x46: {  	[spmem:s22] =	stream.linear.scatter [tilespmem:s31], [sflag:$0x3], $0x1400, $0x38;
	[tilespmem:$0x16600] =	vst v63  }
0x47: {  	_ =	swait.ge [sflag:s0], $0x1400  }
0x48: {  	[sflag:s0] =	ssyncset.done $0x0  }
0x49: {  	s18 =	rddreg [dreg:$0xb];
	[sflag:s0] =	ssyncadd.s32 $0xFFFFEC00  }
0x4a: {  	[spmem:s18] =	stream.linear.scatter [tilespmem:s31], [sflag:$0x3], $0x1400, $0x38;
	[tilespmem:$0x16600] =	vst v63  }
0x4b: {  	_ =	swait.ge [sflag:s0], $0x1400  }
0x4c: {  	[sflag:s0] =	ssyncset.done $0x0  }
0x4d: {  	s19 =	rddreg [dreg:$0xc];
	[sflag:s0] =	ssyncadd.s32 $0xFFFFEC00  }
0x4e: {  	[spmem:s19] =	stream.linear.scatter [tilespmem:s31], [sflag:$0x3], $0x1400, $0x38;
	[tilespmem:$0x16600] =	vst v63  }
0x4f: {  	_ =	swait.ge [sflag:s0], $0x1400  }
0x50: {  	[sflag:s0] =	ssyncset.done $0x0  }
0x51: {  	s20 =	rddreg [dreg:$0xd];
	[sflag:s0] =	ssyncadd.s32 $0xFFFFEC00  }
0x52: {  	[spmem:s20] =	stream.linear.scatter [tilespmem:s31], [sflag:$0x3], $0x1400, $0x38;
	[tilespmem:$0x16600] =	vst v63  }
0x53: {  	_ =	swait.ge [sflag:s0], $0x1400  }
0x54: {  	[sflag:s0] =	ssyncset.done $0x0  }
0x55: {  	[sflag:s0] =	ssyncadd.s32 $0xFFFFEC00  }
0x56: {  	[spmem:s26] =	stream.linear.scatter [tilespmem:s31], [sflag:$0x3], $0x1400, $0x38;
	[tilespmem:$0x16600] =	vst v63  }
0x57: {  	_ =	swait.ge [sflag:s0], $0x1400  }
0x58: {  	[sflag:s0] =	ssyncset.done $0x0  }
0x59: {  	[sflag:s0] =	ssyncadd.s32 $0xFFFFEC00  }
0x5a: {  	[spmem:s28] =	stream.linear.scatter [tilespmem:s31], [sflag:$0x3], $0x1400, $0x38;
	[tilespmem:$0x16600] =	vst v63  }
0x5b: {  	_ =	swait.ge [sflag:s0], $0x1400  }
0x5c: {  	[sflag:s0] =	ssyncset.done $0x0  }
0x5d: {  	[sflag:s0] =	ssyncadd.s32 $0xFFFFEC00  }
0x5e: {  	[spmem:s29] =	stream.linear.scatter [tilespmem:s31], [sflag:$0x3], $0x1400, $0x38;
	[tilespmem:$0x16600] =	vst v63  }
0x5f: {  	_ =	swait.ge [sflag:s0], $0x1400  }
0x60: {  	[sflag:s0] =	ssyncset.done $0x0  }
0x61: {  	[sflag:s0] =	ssyncadd.s32 $0xFFFFEC00  }
0x62: {  	[spmem:s30] =	stream.linear.scatter [tilespmem:s31], [sflag:$0x3], $0x1400, $0x38;
	[tilespmem:$0x16600] =	vst v63  }
0x63: {  	_ =	swait.ge [sflag:s0], $0x1400  }
0x64: {  	[sflag:s0] =	ssyncset.done $0x0  }
0x65: {  	[sflag:s0] =	ssyncadd.s32 $0xFFFFEC00  }
0x66: {  	[bflag:$0x0] =	sbarrier.arrive $0xFFFF  }
0x67: {  	s21 =	simm.s32 $0x0;
	s18 =	rddreg [dreg:$0xe]  }
0x68: {  	[tilespmem:s1], [sflag:$0x3] =	stream.linear.gather [hbm4b:s18+s21], $0x10, $0x38;
	[tilespmem:$0x16600] =	vst v63  }
0x69: {  	_ =	swait.ge [sflag:s0], $0x10  }
0x6a: {  	[sflag:s0] =	ssyncset.done $0x0  }
0x6b: {  	s22 =	rddreg [dreg:$0xf];
	[sflag:s0] =	ssyncadd.s32 $0xFFFFFFF0  }
0x6c: {  	[tilespmem:s8], [sflag:$0x3] =	stream.linear.gather [hbm4b:s22+s21], $0x10, $0x38;
	[tilespmem:$0x16600] =	vst v63  }
0x6d: {  	_ =	swait.ge [sflag:s0], $0x10  }
0x6e: {  	[sflag:s0] =	ssyncset.done $0x0  }
0x6f: {  	[sflag:s0] =	ssyncadd.s32 $0xFFFFFFF0  }
0x70: {  	[tilespmem:s10], [sflag:$0x1] =	stream.indirect.gather [hbm4b:s4+s9], $0x80, s1, s9, $0xb8;
	[tilespmem:$0x16600] =	vst v63  }
0x71: {  	s19 =	sadd.s32 $0x0, s25  }
0x72: {  	[tilespmem:s11], [sflag:$0x3] =	stream.linear.gather [hbm4b:s19+s3], $0x10, $0x38;
	[tilespmem:$0x16600] =	vst v63  }
0x73: {  	_ =	swait.ge [sflag:s0], $0x10  }
0x74: {  	[sflag:s0] =	ssyncset.done $0x0  }
0x75: {  	s20 =	sadd.s32 $0x0, s24;
	[sflag:s0] =	ssyncadd.s32 $0xFFFFFFF0  }
0x76: {  	[tilespmem:s12], [sflag:$0x3] =	stream.linear.gather [hbm4b:s20+s3], $0x10, $0x38;
	[tilespmem:$0x16600] =	vst v63  }
0x77: {  	_ =	swait.ge [sflag:s0], $0x10  }
0x78: {  	[sflag:s0] =	ssyncset.done $0x0  }
0x79: {  	[sflag:s0] =	ssyncadd.s32 $0xFFFFFFF0  }
0x7a: {  	[tilespmem:s13], [sflag:$0x2] =	stream.indirect.gather [hbm4b:s4+s9], $0x80, s11, s9, $0xb8;
	[tilespmem:$0x16600] =	vst v63  }
0x7b: {  	_ =	swait.ge [sflag:s14], $0x800  }
0x7c: {  	[sflag:s14] =	ssyncset.done $0x0  }
0x7d: {  	[sflag:s14] =	ssyncadd.s32 $0xFFFFF800  }
0x7e: {  	[spmem:s2] =	stream.indirect.scatter.add.f32 [tilespmem:s10], [sflag:$0x3], $0x80, s8, s9, $0xb8;
	[tilespmem:$0x16600] =	vst v63  }
0x7f: {  	_ =	swait.ge [sflag:s0], $0x800  }
0x80: {  	s21 =	sshrl.u32 s23, $0x3;
	[sflag:s0] =	ssyncset.done $0x0  }
0x81: {  	s22 =	sadd.s32 s5, s21;
	[sflag:s0] =	ssyncadd.s32 $0xFFFFF800  }
0x82: {  	[tilespmem:s1], [sflag:$0x3] =	stream.linear.gather [hbm4b:s22+s3], $0x10, $0x38;
	[tilespmem:$0x16600] =	vst v63  }
0x83: {  	_ =	swait.ge [sflag:s0], $0x10  }
0x84: {  	[sflag:s0] =	ssyncset.done $0x0  }
0x85: {  	s17 =	sadd.s32 s6, s21;
	[sflag:s0] =	ssyncadd.s32 $0xFFFFFFF0  }
0x86: {  	[tilespmem:s8], [sflag:$0x3] =	stream.linear.gather [hbm4b:s17+s3], $0x10, $0x38;
	[tilespmem:$0x16600] =	vst v63  }
0x87: {  	_ =	swait.ge [sflag:s0], $0x10  }
0x88: {  	[sflag:s0] =	ssyncset.done $0x0  }
0x89: {  	[sflag:s0] =	ssyncadd.s32 $0xFFFFFFF0  }
0x8a: {  	[tilespmem:s10], [sflag:$0x1] =	stream.indirect.gather [hbm4b:s4+s9], $0x80, s1, s9, $0xb8;
	[tilespmem:$0x16600] =	vst v63  }
0x8b: {  	_ =	swait.ge [sflag:s15], $0x800  }
0x8c: {  	[sflag:s15] =	ssyncset.done $0x0  }
0x8d: {  	[sflag:s15] =	ssyncadd.s32 $0xFFFFF800  }
0x8e: {  	[spmem:s2] =	stream.indirect.scatter.add.f32 [tilespmem:s13], [sflag:$0x3], $0x80, s12, s9, $0xb8;
	[tilespmem:$0x16600] =	vst v63  }
0x8f: {  	s18 =	simm.s32 $0x4;
	_ =	swait.ge [sflag:s0], $0x800  }
0x90: {  	s19 =	simm.s32 $0x8;
	s17 =	sadd.s32 $0x20, s23;
	[sflag:s0] =	ssyncset.done $0x0  }
.LBB2_4:
0x91: {  	s21 =	sadd.s32 s18, s25  }
0x92: {  	[sflag:s0] =	ssyncadd.s32 $0xFFFFF800;
	s22 =	smov.u32 s19;
	s20 =	sadd.s32 $0x4, s19  }
0x93: {  	[tilespmem:s11], [sflag:$0x3] =	stream.linear.gather [hbm4b:s21+s3], $0x10, $0x38;
	[tilespmem:$0x16600] =	vst v63  }
0x94: {  	p0 =	sne.s32 s19, $0x4DC;
	_ =	swait.ge [sflag:s0], $0x10  }
0x95: {  	[sflag:s0] =	ssyncset.done $0x0  }
0x96: {  	s19 =	sadd.s32 s18, s24;
	s18 =	smov.u32 s22;
	[sflag:s0] =	ssyncadd.s32 $0xFFFFFFF0  }
0x97: {  	[tilespmem:s12], [sflag:$0x3] =	stream.linear.gather [hbm4b:s19+s3], $0x10, $0x38;
	[tilespmem:$0x16600] =	vst v63  }
0x98: {  	_ =	swait.ge [sflag:s0], $0x10  }
0x99: {  	[sflag:s0] =	ssyncset.done $0x0  }
0x9a: {  	[sflag:s0] =	ssyncadd.s32 $0xFFFFFFF0  }
0x9b: {  	[tilespmem:s13], [sflag:$0x2] =	stream.indirect.gather [hbm4b:s4+s9], $0x80, s11, s9, $0xb8;
	[tilespmem:$0x16600] =	vst v63  }
0x9c: {  	_ =	swait.ge [sflag:s14], $0x800  }
0x9d: {  	[sflag:s14] =	ssyncset.done $0x0  }
0x9e: {  	[sflag:s14] =	ssyncadd.s32 $0xFFFFF800  }
0x9f: {  	[spmem:s2] =	stream.indirect.scatter.add.f32 [tilespmem:s10], [sflag:$0x3], $0x80, s8, s9, $0xb8;
	[tilespmem:$0x16600] =	vst v63  }
0xa0: {  	_ =	swait.ge [sflag:s0], $0x800  }
0xa1: {  	s19 =	sshrl.u32 s17, $0x3;
	[sflag:s0] =	ssyncset.done $0x0  }
0xa2: {  	s21 =	sadd.s32 s5, s19;
	[sflag:s0] =	ssyncadd.s32 $0xFFFFF800  }
0xa3: {  	[tilespmem:s1], [sflag:$0x3] =	stream.linear.gather [hbm4b:s21+s3], $0x10, $0x38;
	[tilespmem:$0x16600] =	vst v63  }
0xa4: {  	_ =	swait.ge [sflag:s0], $0x10  }
0xa5: {  	[sflag:s0] =	ssyncset.done $0x0  }
0xa6: {  	s19 =	sadd.s32 s6, s19;
	[sflag:s0] =	ssyncadd.s32 $0xFFFFFFF0  }
0xa7: {  	[tilespmem:s8], [sflag:$0x3] =	stream.linear.gather [hbm4b:s19+s3], $0x10, $0x38;
	[tilespmem:$0x16600] =	vst v63  }
0xa8: {  	_ =	swait.ge [sflag:s0], $0x10  }
0xa9: {  	[sflag:s0] =	ssyncset.done $0x0  }
0xaa: {  	[sflag:s0] =	ssyncadd.s32 $0xFFFFFFF0  }
0xab: {  	[tilespmem:s10], [sflag:$0x1] =	stream.indirect.gather [hbm4b:s4+s9], $0x80, s1, s9, $0xb8;
	[tilespmem:$0x16600] =	vst v63  }
0xac: {  	_ =	swait.ge [sflag:s15], $0x800  }
.Ltmp1:
0xad: {  	[sflag:s15] =	ssyncset.done $0x0;
	(pc) =	sbr.rel @p0 .LBB2_4-.Ltmp1, $4  }
0xae: {  	[sflag:s15] =	ssyncadd.s32 $0xFFFFF800  }
0xaf: {  	[spmem:s2] =	stream.indirect.scatter.add.f32 [tilespmem:s13], [sflag:$0x3], $0x80, s12, s9, $0xb8;
	[tilespmem:$0x16600] =	vst v63  }
0xb0: {  	_ =	swait.ge [sflag:s0], $0x800  }
0xb1: {  	s17 =	sadd.s32 $0x20, s17;
	s19 =	smov.u32 s20;
	[sflag:s0] =	ssyncset.done $0x0  }
0xb2: {  	s19 =	sadd.s32 s18, s25;
	[sflag:s0] =	ssyncadd.s32 $0xFFFFF800  }
0xb3: {  	[tilespmem:s11], [sflag:$0x3] =	stream.linear.gather [hbm4b:s19+s3], $0x10, $0x38;
	[tilespmem:$0x16600] =	vst v63  }
0xb4: {  	_ =	swait.ge [sflag:s0], $0x10  }
0xb5: {  	[sflag:s0] =	ssyncset.done $0x0  }
0xb6: {  	s21 =	sadd.s32 s18, s24;
	[sflag:s0] =	ssyncadd.s32 $0xFFFFFFF0  }
0xb7: {  	[tilespmem:s12], [sflag:$0x3] =	stream.linear.gather [hbm4b:s21+s3], $0x10, $0x38;
	[tilespmem:$0x16600] =	vst v63  }
0xb8: {  	_ =	swait.ge [sflag:s0], $0x10  }
0xb9: {  	[sflag:s0] =	ssyncset.done $0x0  }
0xba: {  	[sflag:s0] =	ssyncadd.s32 $0xFFFFFFF0  }
0xbb: {  	[tilespmem:s13], [sflag:$0x2] =	stream.indirect.gather [hbm4b:s4+s9], $0x80, s11, s9, $0xb8;
	[tilespmem:$0x16600] =	vst v63  }
0xbc: {  	_ =	swait.ge [sflag:s14], $0x800  }
0xbd: {  	[sflag:s14] =	ssyncset.done $0x0  }
0xbe: {  	[sflag:s14] =	ssyncadd.s32 $0xFFFFF800  }
0xbf: {  	[spmem:s2] =	stream.indirect.scatter.add.f32 [tilespmem:s10], [sflag:$0x3], $0x80, s8, s9, $0xb8;
	[tilespmem:$0x16600] =	vst v63  }
0xc0: {  	_ =	swait.ge [sflag:s0], $0x800  }
0xc1: {  	s17 =	sshrl.u32 s17, $0x3;
	[sflag:s0] =	ssyncset.done $0x0  }
0xc2: {  	s22 =	sadd.s32 s5, s17;
	[sflag:s0] =	ssyncadd.s32 $0xFFFFF800  }
0xc3: {  	[tilespmem:s1], [sflag:$0x3] =	stream.linear.gather [hbm4b:s22+s3], $0x10, $0x38;
	[tilespmem:$0x16600] =	vst v63  }
0xc4: {  	_ =	swait.ge [sflag:s0], $0x10  }
0xc5: {  	[sflag:s0] =	ssyncset.done $0x0  }
0xc6: {  	s17 =	sadd.s32 s6, s17;
	[sflag:s0] =	ssyncadd.s32 $0xFFFFFFF0  }
0xc7: {  	[tilespmem:s8], [sflag:$0x3] =	stream.linear.gather [hbm4b:s17+s3], $0x10, $0x38;
	[tilespmem:$0x16600] =	vst v63  }
0xc8: {  	_ =	swait.ge [sflag:s0], $0x10  }
0xc9: {  	[sflag:s0] =	ssyncset.done $0x0  }
0xca: {  	[sflag:s0] =	ssyncadd.s32 $0xFFFFFFF0  }
0xcb: {  	[tilespmem:s10], [sflag:$0x1] =	stream.indirect.gather [hbm4b:s4+s9], $0x80, s1, s9, $0xb8;
	[tilespmem:$0x16600] =	vst v63  }
0xcc: {  	_ =	swait.ge [sflag:s15], $0x800  }
0xcd: {  	[sflag:s15] =	ssyncset.done $0x0  }
0xce: {  	[sflag:s15] =	ssyncadd.s32 $0xFFFFF800  }
0xcf: {  	[spmem:s2] =	stream.indirect.scatter.add.f32 [tilespmem:s13], [sflag:$0x3], $0x80, s12, s9, $0xb8;
	[tilespmem:$0x16600] =	vst v63  }
0xd0: {  	_ =	swait.ge [sflag:s0], $0x800  }
0xd1: {  	[sflag:s0] =	ssyncset.done $0x0  }
0xd2: {  	[sflag:s0] =	ssyncadd.s32 $0xFFFFF800  }
0xd3: {  	_ =	swait.ge [sflag:s14], $0x800  }
0xd4: {  	[sflag:s14] =	ssyncset.done $0x0  }
0xd5: {  	[sflag:s14] =	ssyncadd.s32 $0xFFFFF800  }
0xd6: {  	[spmem:s2] =	stream.indirect.scatter.add.f32 [tilespmem:s10], [sflag:$0x3], $0x80, s8, s9, $0xb8;
	[tilespmem:$0x16600] =	vst v63  }
0xd7: {  	_ =	swait.ge [sflag:s0], $0x800  }
0xd8: {  	[sflag:s0] =	ssyncset.done $0x0  }
0xd9: {  	s19 =	stileid.u32;
	[sflag:s0] =	ssyncadd.s32 $0xFFFFF800  }
0xda: {  	s17 =	sshll.u32 s19, $0x6;
	[bflag:$0x0] =	sbarrier.arrive $0xFFFF  }
0xdb: {  	s20 =	sshrl.u32 s7, $0x3;
	s17 =	sor.u32 $0x1C03, s17;
	s21 =	rddreg [dreg:$0x10]  }
0xdc: {  	[hbm:s21], [sflag:s17] =	dma.local [spmem:s20], $0x2800  }
0xdd: {  	_ =	swait.ge [sflag:s0], $0x2800  }
0xde: {  	s16 =	sadd.s32 $0x1, s16;
	s22 =	rddreg [dreg:$0x11]  }
0xdf: {  	p0 =	sne.s32 s16, s22  }
.Ltmp2:
0xe0: {  	_ = 	snop;
	(pc) =	sbr.rel @p0 .LBB2_1-.Ltmp2, $3  }
0xe1: {  	_ =	sdelay $0x1  }
0xe2: {  	[sflag:s0] =	ssyncset.done $0x0  }
0xe3: {  	[sflag:s0] =	ssyncadd.s32 $0xFFFFD800  }
0xe4: {  	_ =	sfence.sel $0x180000  }
0xe5: {  	[bflag:$0x0] =	sbarrier.arrive $0xFFFF  }
0xe6: {  	_ =	strace $0x90000056  }
0xe7: {  	s0 =	stileid.u32;
	[bflag:$0x2] =	sbarrier.arrive $0xFFFF  }
0xe8: {  	p0 =	sne.s32 s0, $0x0;
	s0 =	rddreg [dreg:$0x2]  }
0xe9: {  	s0 =	sadd.s32 @!p0 $0x100000, s0  }
0xea: {  	[sflag:s0] =	ssyncadd.tile.s32 @!p0 $0x1;
	_ =	shalt  }
.Lfunc_end2:
_tile_overlayer_lowered:
.L_overlay_start_2:
0xeb: {  	(tag) =	ssettag $0x2  }
0xec: {  	s0 =	rddreg [dreg:$0x0];
	s2 =	stileid.u32  }
0xed: {  	s1 =	rddreg [dreg:$0x1];
	p0 =	sne.s32 s2, $0x0  }
0xee: {  	s3 =	rddreg [dreg:$0x2];
	[bflag:$0x3] =	sbarrier.arrive $0xFFFF;
	s2 =	simm.s32 @!p0 $0x1C03  }
0xef: {  	[timem:s3], [sflag:s2] =	dma.local @!p0 [hbm:s0], s1  }
0xf0: {  	s0 =	simm.s32 @!p0 $0x3  }
0xf1: {  	_ =	swait.ge @!p0 [sflag:s0], s1  }
0xf2: {  	s1 =	ssub.s32 @!p0 $0x0, s1;
	[sflag:s0] =	ssyncset.done @!p0 $0x0  }
0xf3: {  	[sflag:s0] =	ssyncadd.s32 @!p0 s1  }
0xf4: {  	[bflag:$0x3] =	sbarrier.arrive $0xFFFF  }
0xf5: {  	_ =	shalt  }

// kernel: scatter_offload_async_start.1
scs
__scs_entry_jumppad:
0x0: {  	(pc) =	sbr.rel $0x88, $3  }
0x1: {  	(tag) =	ssettag $0x0;
	lr =	simm.s32 $0x1  }
0x2: {  	[smem:$0x3F85] =	sst lr;
	_ =	strace $0xD0000000  }
0x3: {  	_ = 	snop  }
0x4: {  	_ = 	snop  }
0x5: {  	_ = 	snop  }
0x6: {  	_ = 	snop  }
0x7: {  	_ = 	snop  }
__scs_overlays_trampoline_lowered:
0x8: {  	[smem:$0x3F94] =	sst s0  }
0x9: {  	[smem:$0x3F95] =	sst s1  }
0xa: {  	[smem:$0x3F96] =	sst s2  }
0xb: {  	[smem:$0x3F97] =	sst s3  }
0xc: {  	[smem:$0x3F98] =	sst s4  }
0xd: {  	[smem:$0x3F99] =	sst s5  }
0xe: {  	[smem:$0x3F9A] =	sst s6  }
0xf: {  	[smem:$0x3F9B] =	sst s7  }
0x10: {  	[smem:$0x3F9C] =	sst s8  }
0x11: {  	[smem:$0x3F9D] =	sst s9;
	s0 =	simm.s32 @!p0 $0x0  }
0x12: {  	s1 =	sld [smem:$0x3F83];
	s0 =	simm.s32 @p0 $0x1  }
0x13: {  	[smem:$0x3F9E] =	sst s0;
	s0 =	simm.s32 @!p1 $0x0  }
0x14: {  	s2 =	sld [smem:$0x3F82];
	s0 =	simm.s32 @p1 $0x1  }
0x15: {  	[smem:$0x3F9F] =	sst s0;
	s0 =	simm.s32 @!p2 $0x0  }
0x16: {  	s3 =	sld [smem:$0x3FDB];
	s0 =	simm.s32 @p2 $0x1  }
0x17: {  	s4 =	simm.s32 $0x1BF5;
	[smem:$0x3FA1] =	sst s0  }
0x18: {  	s0 =	sld [smem:$0x3F84];
	_ =	swait.ge [sflag:s4], $0x0  }
0x19: {  	s7 =	sld [smem:$0x3F85]  }
0x1a: {  	s8 =	sadd.s32 $0xFFFFE003, lr  }
0x1b: {  	s9 =	sadd.s32 $0xFFFFFEF7, lr;
	s5 =	simm.s32 $0xFFFFFFFF;
	p2 =	slt.u32 s8, $0xFFFFF086  }
0x1c: {  	p1 =	slt.u32 s9, $0xF7A;
	s5 =	simm.s32 @!p2 $0x0  }
0x1d: {  	s5 =	simm.s32 @p1 $0x1;
	p0 =	seq.s32 s7, s2  }
0x1e: {  	s7 =	smul.u32 @!p0 $0xF7A, s2;
	p2 =	seq.s32 @!p0 s5, $0x0  }
0x1f: {  	s9 =	smul.u32 $0xF7A, s1;
	s8 =	simm.s32 @!p0 $0x1BF5;
	p2 =	por !p2, p0  }
0x20: {  	[sflag:s8] =	ssyncset.s32 @!p0 $0xFFFFF086;
	s6 =	sadd.s32 @!p0 s3, s7;
	s7 =	simm.s32 @!p0 $0x108  }
0x21: {  	s3 =	sadd.s32 s3, s9;
	s6 =	sadd.s32 @!p0 $0x88, s6;
	s7 =	simm.s32 @p2 $0x1082  }
0x22: {  	[simem:s7], [sflag:s8] =	dma.local @!p0 [hbm:s6], $0xF7A  }
0x23: {  	s9 =	sor.u32 $0xD0000000, s2;
	s6 =	simm.s32 $0x108;
	_ =	swait.ge @!p0 [sflag:s8], $0x0  }
0x24: {  	s3 =	sadd.s32 $0x88, s3;
	s6 =	simm.s32 @!p1 $0x1082;
	[sflag:s4] =	ssyncset.s32 $0xFFFFF086  }
0x25: {  	[simem:s6], [sflag:s4] =	dma.local [hbm:s3], $0xF7A  }
0x26: {  	[smem:$0x3F85] =	sst s1;
	(tag) =	ssettag s2;
	_ =	strace s9  }
0x27: {  	s1 =	sld [smem:$0x3F95]  }
0x28: {  	s2 =	sld [smem:$0x3F96]  }
0x29: {  	s4 =	sld [smem:$0x3F98]  }
0x2a: {  	p0 =	seq.s32 s5, $0x0;
	s5 =	sld [smem:$0x3F99]  }
0x2b: {  	s6 =	sld [smem:$0x3F9A]  }
0x2c: {  	s7 =	sld [smem:$0x3F9B]  }
0x2d: {  	s3 =	simm.s32 $0x108;
	s8 =	sld [smem:$0x3F9C]  }
0x2e: {  	s3 =	simm.s32 @!p0 $0x1082;
	s9 =	sld [smem:$0x3F9D]  }
0x2f: {  	lr =	sadd.s32 s0, s3;
	s0 =	sld [smem:$0x3F94]  }
0x30: {  	s3 =	sld [smem:$0x3F97]  }
0x31: {  	[smem:$0x3FA0] =	sst s10  }
0x32: {  	s10 =	sld [smem:$0x3F9E];
	_ =	sdelay $0x3  }
0x33: {  	p0 =	seq.s32 s10, $0x1;
	s10 =	sld [smem:$0x3FA0];
	_ =	sdelay $0x3  }
0x34: {  	[smem:$0x3FA0] =	sst s10  }
0x35: {  	s10 =	sld [smem:$0x3F9F];
	_ =	sdelay $0x3  }
0x36: {  	p1 =	seq.s32 s10, $0x1;
	s10 =	sld [smem:$0x3FA0];
	_ =	sdelay $0x3  }
0x37: {  	[smem:$0x3FA0] =	sst s10  }
0x38: {  	s10 =	sld [smem:$0x3FA1]  }
0x39: {  	_ = 	snop;
	(pc) =	sbr.ind lr, $3  }
0x3a: {  	_ = 	snop  }
0x3b: {  	_ = 	snop  }
0x3c: {  	p2 =	seq.s32 s10, $0x1;
	s10 =	sld [smem:$0x3FA0]  }
0x3d: {  	_ =	shalt  }
0x3e: {  	_ =	shalt  }
0x3f: {  	_ =	shalt  }
0x40: {  	_ =	shalt  }
0x41: {  	_ =	shalt  }
0x42: {  	_ =	shalt  }
0x43: {  	_ =	shalt  }
0x44: {  	_ =	shalt  }
0x45: {  	_ =	shalt  }
0x46: {  	_ =	shalt  }
0x47: {  	_ =	shalt  }
0x48: {  	_ =	shalt  }
0x49: {  	_ =	shalt  }
0x4a: {  	_ =	shalt  }
0x4b: {  	_ =	shalt  }
0x4c: {  	_ =	shalt  }
0x4d: {  	_ =	shalt  }
0x4e: {  	_ =	shalt  }
0x4f: {  	_ =	shalt  }
0x50: {  	_ =	shalt  }
0x51: {  	_ =	shalt  }
0x52: {  	_ =	shalt  }
0x53: {  	_ =	shalt  }
0x54: {  	_ =	shalt  }
0x55: {  	_ =	shalt  }
0x56: {  	_ =	shalt  }
0x57: {  	_ =	shalt  }
0x58: {  	_ =	shalt  }
0x59: {  	_ =	shalt  }
0x5a: {  	_ =	shalt  }
0x5b: {  	_ =	shalt  }
0x5c: {  	_ =	shalt  }
0x5d: {  	_ =	shalt  }
0x5e: {  	_ =	shalt  }
0x5f: {  	_ =	shalt  }
0x60: {  	_ =	shalt  }
0x61: {  	_ =	shalt  }
0x62: {  	_ =	shalt  }
0x63: {  	_ =	shalt  }
0x64: {  	_ =	shalt  }
0x65: {  	_ =	shalt  }
0x66: {  	_ =	shalt  }
0x67: {  	_ =	shalt  }
0x68: {  	_ =	shalt  }
0x69: {  	_ =	shalt  }
0x6a: {  	_ =	shalt  }
0x6b: {  	_ =	shalt  }
0x6c: {  	_ =	shalt  }
0x6d: {  	_ =	shalt  }
0x6e: {  	_ =	shalt  }
0x6f: {  	_ =	shalt  }
0x70: {  	_ =	shalt  }
0x71: {  	_ =	shalt  }
0x72: {  	_ =	shalt  }
0x73: {  	_ =	shalt  }
0x74: {  	_ =	shalt  }
0x75: {  	_ =	shalt  }
0x76: {  	_ =	shalt  }
0x77: {  	_ =	shalt  }
0x78: {  	_ =	shalt  }
0x79: {  	_ =	shalt  }
0x7a: {  	_ =	shalt  }
0x7b: {  	_ =	shalt  }
0x7c: {  	_ =	shalt  }
0x7d: {  	_ =	shalt  }
0x7e: {  	_ =	shalt  }
0x7f: {  	_ =	shalt  }
0x80: {  	_ =	shalt  }
0x81: {  	_ =	shalt  }
0x82: {  	_ =	shalt  }
0x83: {  	_ =	shalt  }
0x84: {  	_ =	shalt  }
0x85: {  	_ =	shalt  }
0x86: {  	_ =	shalt  }
0x87: {  	_ =	shalt  }
.Lfunc_end0:
.L_simem_size_0:
called_computation.1_lowered:
.L_overlay_start_0:
0x88: {  	s0 =	sld [smem:$0x3FD9]  }
0x89: {  	s1 =	sld [smem:$0x3FFE];
	_ =	sdelay $0x3  }
0x8a: {  	s0 =	sadd.s32 s1, s0  }
0x8b: {  	[smem:$0x3FAC] =	sst s0  }
0x8c: {  	_ = 	snop  }
0x8d: {  	s0 =	sld [smem:$0x3FD0];
	_ =	sdelay $0x2  }
0x8e: {  	s12 =	simm.s32 $0xE;
	s2 =	simm.s32 $0x10  }
0x8f: {  	[smem:s2], [sflag:s12] =	dma.local [hbm:s0], $0x1  }
0x90: {  	_ =	swait.eq [sflag:s12], $0x1  }
0x91: {  	[sflag:s12] =	ssyncset.done $0x0  }
0x92: {  	s13 =	sld [smem:$0x10];
	[sflag:s12] =	ssyncadd.s32 $0xFFFFFFFF  }
0x93: {  	s14 =	sld [smem:$0x11];
	(tm) =	ssettm $0x1  }
0x94: {  	s15 =	sld [smem:$0x3FFB];
	_ =	sdelay $0x3  }
0x95: {  	_ =	strace s15  }
0x96: {  	s0 =	sld [smem:$0x3FFC];
	_ =	sdelay $0x3  }
0x97: {  	_ =	strace s0  }
0x98: {  	s0 =	sld [smem:$0x3FFD];
	_ =	sdelay $0x3  }
0x99: {  	_ =	strace s0  }
0x9a: {  	_ =	strace $0x8FFFFFFF  }
0x9b: {  	s16 =	sld [smem:$0x3FDB];
	_ =	sdelay $0x1  }
0x9c: {  	s3 =	simm.s32 $_scs_section_size  }
0x9d: {  	s4 =	simm.s32 $_size__tile_overlayer_lowered;
	s5 =	simm.s32 $_tile_overlayer_lowered  }
0x9e: {  	s6 =	simm.s32 $0x1BFF;
	s17 =	sshll.u32 s5, $0x1;
	s3 =	sadd.s32 s3, s16  }
0x9f: {  	s18 =	simm.s32 $0x0;
	s4 =	sshll.u32 s4, $0x1;
	s5 =	sadd.s32 s17, s3  }
0xa0: {  	[timem:s18], [sflag:s6] =	dma.local [hbm:s5], s4  }
0xa1: {  	_ =	swait.ge [sflag:s6], s4  }
0xa2: {  	s4 =	ssub.s32 $0x0, s4;
	[sflag:s6] =	ssyncset.done $0x0  }
0xa3: {  	[sflag:s6] =	ssyncadd.s32 s4;
	_ =	sdelay $0x1  }
0xa4: {  	s19 =	simm.s32 $0x1B8B  }
0xa5: {  	_ =	swait.ge [sflag:s19], $0x1  }
0xa6: {  	[sflag:s19] =	ssyncset.done $0x0  }
0xa7: {  	s21 =	simm.s32 $0x1B8E;
	s20 =	sld [smem:$0x3FFE];
	[sflag:s19] =	ssyncadd.s32 $0xFFFFFFFF  }
0xa8: {  	s22 =	simm.s32 $execute0_lowered;
	[smem:$0x3FD2] =	sst s21  }
0xa9: {  	s5 =	sshll.u32 s22, $0x1;
	_ =	strace $0x8000004F;
	[dreg:$0x1] =	wrdreg $0xFFFFFFFF  }
0xaa: {  	s23 =	simm.s32 $_size_execute0_lowered;
	s5 =	sadd.s32 s3, s5;
	[dreg:$0x0] =	wrdreg $0x0  }
0xab: {  	s6 =	sshll.u32 s23, $0x1;
	[dreg:$0x2] =	wrdreg s5  }
0xac: {  	[dreg:$0x3] =	wrdreg s6  }
0xad: {  	[dreg:$0x4] =	wrdreg $0xC0  }
0xae: {  	s24 =	simm.s32 $execute1_lowered;
	_ =	task [dreg:s18], $0x5FFFF  }
0xaf: {  	s5 =	sshll.u32 s24, $0x1;
	[dreg:$0x1] =	wrdreg $0xFFFFFFFF  }
0xb0: {  	s3 =	sadd.s32 s3, s5;
	[dreg:$0x0] =	wrdreg $0x60  }
0xb1: {  	[dreg:$0x2] =	wrdreg s3  }
0xb2: {  	[dreg:$0x3] =	wrdreg s13  }
0xb3: {  	[dreg:$0x4] =	wrdreg s14  }
0xb4: {  	[dreg:$0x5] =	wrdreg $0xB  }
0xb5: {  	_ =	task.clear_ibuf [dreg:s18], $0x6FFFF;
	_ =	strace $0x9000004F  }
0xb6: {  	s25 =	simm.s32 $0xB;
	_ =	strace $0x80000051  }
0xb7: {  	_ =	swait.ge [sflag:s25], $0x1  }
0xb8: {  	[sflag:s25] =	ssyncadd.s32 $0xFFFFFFFF  }
0xb9: {  	_ =	strace $0x90000051  }
0xba: {  	_ =	strace $0x80000052;
	[dreg:$0x1] =	wrdreg $0xFFFFFFFF  }
0xbb: {  	[dreg:$0x0] =	wrdreg $0x2030  }
0xbc: {  	[dreg:$0x2] =	wrdreg s14  }
0xbd: {  	[dreg:$0x3] =	wrdreg s20  }
0xbe: {  	[dreg:$0x4] =	wrdreg $0xC  }
0xbf: {  	_ =	task.clear_ibuf [dreg:s18], $0x5FFFF;
	_ =	strace $0x90000052  }
0xc0: {  	s26 =	simm.s32 $0xC;
	_ =	strace $0x80000054  }
0xc1: {  	_ =	swait.ge [sflag:s26], $0x1  }
0xc2: {  	[sflag:s26] =	ssyncadd.s32 $0xFFFFFFFF  }
0xc3: {  	_ =	strace $0x90000054  }
0xc4: {  	_ =	sfence  }
0xc5: {  	s28 =	sld [smem:$0x0];
	_ =	sdelay $0x1  }
0xc6: {  	s29 =	srdreg.scid  }
0xc7: {  	s30 =	sshll.u32 s29, $0xD;
	s31 =	sshrl.u32 s29, $0x2  }
0xc8: {  	s2 =	sand.u32 $0x1, s29;
	s3 =	sand.u32 $0x4000, s30;
	s1 =	sadd.s32 s31, s28  }
0xc9: {  	s2 =	sor.u32 s3, s2;
	s1 =	sshll.u32 s1, $0x11  }
0xca: {  	s1 =	sor.u32 s1, s2  }
0xcb: {  	s1 =	sadd.s32 $0x8F2B, s1  }
0xcc: {  	[sflag:s1] =	ssyncadd.remote.s32 $0x1  }
0xcd: {  	_ =	sfence.sel $0xFFFF  }
0xce: {  	[dreg:$0x0] =	wrdreg $0xFFFFFFFF;
	(pc) =	sbr.abs _section_cstart, $3  }
0xcf: {  	[dreg:$0x1] =	wrdreg $0xFFFFFFFF  }
0xd0: {  	_ =	task.clear_ibuf [dreg:s18], $0x2FFFF;
	_ =	strace $0x9FFFFFFF  }
0xd1: {  	(tm) =	ssettm $0x7FFFFFFF  }
tec
execute0_lowered:
.L_overlay_start_1:
0x0: {  	(tag) =	ssettag $0x1  }
0x1: {  	s3 =	rddreg [dreg:$0x0]  }
0x2: {  	s5 =	rddreg [dreg:$0x1]  }
0x3: {  	s2 =	rddreg [dreg:$0x2]  }
0x4: {  	s0 =	rddreg [dreg:$0x3];
	s4 =	stileid.u32  }
0x5: {  	[bflag:$0x3] =	sbarrier.arrive $0xFFFF;
	s1 =	simm.s32 $_size_execute1_lowered;
	p0 =	sne.s32 s4, $0x0  }
0x6: {  	s1 =	sshll.u32 s1, $0x1;
	s6 =	simm.s32 @!p0 $0x1C3F;
	s7 =	simm.s32 @!p0 $0x4060  }
0x7: {  	[timem:s7], [sflag:s6] =	dma.local @!p0 [hbm:s3], s1  }
.Ltmp0:
0x8: {  	s30 =	simm.s32 $0x2;
	(pc) =	sbr.rel .LBB2_1-.Ltmp0, $4  }
0x9: {  	s8 =	simm.s32 $0x780;
	s10 =	simm.s32 $0x0;
	s3 =	smul.u32 $0x280, s4  }
0xa: {  	s9 =	simm.s32 $0x0;
	s4 =	simm.s32 $0x1;
	_ =	strace $0x80000050  }
0xb: {  	s6 =	simm.s32 $0x0;
	[sflag:s4] =	ssyncpa.u1 $0x0;
	s31 =	sshrl.u32 s3, $0x3  }
0xc: {  	s7 =	simm.s32 $0x280;
	[sflag:s30] =	ssyncpa.u1 $0x0;
	s5 =	sadd.s32 s31, s5  }
.LBB2_8:
0xd: {  	p1 =	seq.s32 s9, $0x2  }
.Ltmp1:
0xe: {  	_ = 	snop;
	(pc) =	sbr.rel @p1 .LBB2_10-.Ltmp1, $1  }
0xf: {  	_ =	sdelay $0x3  }
.LBB2_9:
0x10: {  	s9 =	sadd.s32 $0x1, s9;
	s10 =	smov.u32 s3  }
.LBB2_1:
0x11: {  	p1 =	sne.s32 s9, $0x0  }
.Ltmp2:
0x12: {  	_ = 	snop;
	(pc) =	sbr.rel @!p1 .LBB2_2-.Ltmp2, $1  }
0x13: {  	_ =	sdelay $0x3  }
0x14: {  	s11 =	sand.u32 $0x1, s9  }
0x15: {  	p1 =	seq.s32 s11, $0x0  }
.Ltmp3:
0x16: {  	_ = 	snop;
	(pc) =	sbr.rel @p1 .LBB2_8-.Ltmp3, $1  }
0x17: {  	_ =	sdelay $0x3  }
0x18: {  	_ =	swait.ge [sflag:s4], $0x280  }
0x19: {  	[sflag:s4] =	ssyncset.done $0x0  }
0x1a: {  	s11 =	simm.s32 $0x0;
	p1 =	por $0x1, $0x1;
	[sflag:s4] =	ssyncadd.s32 $0xFFFFFD80  }
.LBB2_5:
0x1b: {  	v0 =	vld [tilespmem:s11+$0x280]  }
0x1c: {  	v1 =	vld [tilespmem:s11+$0x290]  }
0x1d: {  	v2 =	vld [tilespmem:s11+$0x2A0]  }
0x1e: {  	v3 =	vld [tilespmem:s11+$0x2B0]  }
0x1f: {  	v4 =	vld [tilespmem:s11+$0x2C0]  }
0x20: {  	v53 =	vld [tilespmem:s11+$0x2D0];
	[tilespmem:s11+$0x780] =	vst v0  }
0x21: {  	v54 =	vld [tilespmem:s11+$0x2E0];
	[tilespmem:s11+$0x790] =	vst v1  }
0x22: {  	v55 =	vld [tilespmem:s11+$0x2F0];
	[tilespmem:s11+$0x7A0] =	vst v2  }
0x23: {  	v56 =	vld [tilespmem:s11+$0x300];
	[tilespmem:s11+$0x7B0] =	vst v3  }
0x24: {  	v57 =	vld [tilespmem:s11+$0x310];
	[tilespmem:s11+$0x7C0] =	vst v4  }
0x25: {  	v58 =	vld [tilespmem:s11+$0x320];
	[tilespmem:s11+$0x7D0] =	vst v53  }
0x26: {  	v59 =	vld [tilespmem:s11+$0x330];
	[tilespmem:s11+$0x7E0] =	vst v54  }
0x27: {  	v60 =	vld [tilespmem:s11+$0x340];
	[tilespmem:s11+$0x7F0] =	vst v55  }
0x28: {  	v61 =	vld [tilespmem:s11+$0x350];
	[tilespmem:s11+$0x800] =	vst v56  }
0x29: {  	v62 =	vld [tilespmem:s11+$0x360];
	[tilespmem:s11+$0x810] =	vst v57  }
0x2a: {  	v63 =	vld [tilespmem:s11+$0x370];
	p2 =	por p1, p1;
	[tilespmem:s11+$0x820] =	vst v58  }
.Ltmp4:
0x2b: {  	[tilespmem:s11+$0x830] =	vst v59;
	(pc) =	sbr.rel @p2 .LBB2_5-.Ltmp4, $4  }
0x2c: {  	[tilespmem:s11+$0x840] =	vst v60  }
0x2d: {  	[tilespmem:s11+$0x850] =	vst v61  }
0x2e: {  	s12 =	simm.s32 $0x1F0;
	s13 =	simm.s32 $0x980;
	[tilespmem:s11+$0x860] =	vst v62  }
0x2f: {  	s14 =	simm.s32 $0x480;
	p1 =	por $0x0, $0x0;
	[tilespmem:s11+$0x870] =	vst v63;
	s11 =	simm.s32 $0x100  }
.LBB2_6:
0x30: {  	s12 =	sadd.s32 $0x10, s12  }
0x31: {  	v0 =	vld [tilespmem:s14+$0x0];
	p1 =	slt.u32 s12, $0x270  }
.Ltmp5:
0x32: {  	_ = 	snop;
	(pc) =	sbr.rel @p1 .LBB2_6-.Ltmp5, $2  }
0x33: {  	_ =	sdelay $0x2  }
0x34: {  	s14 =	sadd.s32 $0x10, s14;
	[tilespmem:s13+$0x0] =	vst v0;
	s13 =	sadd.s32 $0x10, s13  }
.Ltmp6:
0x35: {  	(pc) =	sbr.rel .LBB2_8-.Ltmp6, $4  }
0x36: {  	_ = 	snop  }
0x37: {  	s10 =	sshrl.u32 s10, $0x3  }
0x38: {  	s10 =	sadd.s32 s2, s10  }
0x39: {  	[hbm4b:s10+s6] =	stream.linear.scatter [tilespmem:s8], [sflag:$0x2], $0x280, $0x38;
	[tilespmem:$0xA00] =	vst v63  }
.LBB2_2:
.Ltmp7:
0x3a: {  	(pc) =	sbr.rel .LBB2_9-.Ltmp7, $2  }
0x3b: {  	_ =	sdelay $0x2  }
0x3c: {  	[tilespmem:s7], [sflag:$0x1] =	stream.linear.gather [hbm4b:s5+s6], $0x280, $0x38;
	[tilespmem:$0xA00] =	vst v63  }
.LBB2_10:
0x3d: {  	s2 =	simm.s32 $0x2  }
0x3e: {  	_ =	swait.ge [sflag:s2], $0x280  }
0x3f: {  	[sflag:s2] =	ssyncset.done $0x0  }
0x40: {  	[sflag:s2] =	ssyncadd.s32 $0xFFFFFD80  }
0x41: {  	_ =	sfence.sel $0x180000  }
0x42: {  	s3 =	simm.s32 $0x1;
	[bflag:$0x0] =	sbarrier.arrive $0xFFFF  }
0x43: {  	[sflag:s3] =	ssyncpa.u1 $0x1  }
0x44: {  	[sflag:s2] =	ssyncpa.u1 $0x1  }
0x45: {  	_ =	strace $0x90000050  }
0x46: {  	s0 =	sadd.s32 @!p0 $0x100000, s0;
	[bflag:$0x2] =	sbarrier.arrive $0xFFFF  }
0x47: {  	[sflag:s0] =	ssyncadd.tile.s32 @!p0 $0x1;
	s0 =	simm.s32 @!p0 $0x3F  }
0x48: {  	_ =	swait.ge @!p0 [sflag:s0], s1  }
0x49: {  	s1 =	ssub.s32 @!p0 $0x0, s1;
	[sflag:s0] =	ssyncset.done @!p0 $0x0  }
0x4a: {  	[sflag:s0] =	ssyncadd.s32 @!p0 s1  }
0x4b: {  	[bflag:$0x3] =	sbarrier.arrive $0xFFFF  }
0x4c: {  	_ =	shalt  }
.Lfunc_end2:
execute1_lowered:
.L_overlay_start_2:
0x4d: {  	(tag) =	ssettag $0x2  }
0x4e: {  	s1 =	rddreg [dreg:$0x0]  }
0x4f: {  	s0 =	rddreg [dreg:$0x1];
	s14 =	stileid.u32  }
0x50: {  	_ =	strace $0x80000053;
	s2 =	simm.s32 $0x1;
	s3 =	smin.u32 s14, $0x4  }
0x51: {  	v1 =	vimm.s32 $0xFFFFFFFF;
	[sflag:s2] =	ssyncpa.u1 $0x0;
	s3 =	sadd.s32 s14, s3  }
0x52: {  	s4 =	simm.s32 $0x3E80;
	p0 =	slt.u32 s14, $0x4;
	[tilespmem:$0x10] =	vst v1;
	s3 =	smul.u32 $0x1F40, s3  }
0x53: {  	v0 =	vimm.f32 $0.0e+00;
	[tilespmem:$0x20] =	vst v1;
	s4 =	simm.s32 @!p0 $0x1F40  }
0x54: {  	[tilespmem:$0x30] =	vst v0;
	s4 =	sadd.s32 s4, s3  }
0x55: {  	[tilespmem:$0x40] =	vst v0;
	s4 =	smin.u32 s4, $0x27100  }
0x56: {  	[tilespmem:$0x50] =	vst v0;
	s9 =	ssub.s32 s4, s3  }
0x57: {  	s7 =	simm.s32 $0x2;
	[tilespmem:$0x60] =	vst v1;
	p0 =	sgt.s32 s9, $0x0  }
0x58: {  	s8 =	simm.s32 $0x8;
	s31 =	simm.s32 $0x9;
	[tilespmem:$0x70] =	vst v1;
	s9 =	simm.s32 @!p0 $0x0  }
0x59: {  	s16 =	simm.s32 $0x0;
	s17 =	simm.s32 $0xF0;
	[tilespmem:$0x80] =	vst v1;
	s5 =	smulhi.u32 $0x10624DD3, s9  }
0x5a: {  	s18 =	simm.s32 $0xFFFFFFFF;
	s19 =	simm.s32 $0xFFFFC280;
	s20 =	simm.s32 $0xFFFFFFFE;
	v1 =	vimm.s32 $0x0;
	[tilespmem:$0xB0] =	vst v0  }
0x5b: {  	s21 =	simm.s32 $0xF;
	s25 =	simm.s32 $0x0;
	[tilespmem:$0x90] =	vst v1;
	s10 =	sshrl.u32 s5, $0x9  }
0x5c: {  	[tilespmem:$0xA0] =	vst v1;
	[sflag:s7] =	ssyncpa.u1 $0x0;
	s7 =	simm.s32 $0x7;
	s11 =	smul.u32 $0x1F40, s10  }
0x5d: {  	s24 =	simm.s32 $0x0;
	s6 =	sadd.s32 $0x7B400, s0;
	[sflag:s7] =	ssyncpa.u1 $0x0  }
.Ltmp8:
0x5e: {  	[sflag:s8] =	ssyncpa.u1 $0x0;
	p0 =	sne.s32 s9, s11;
	(pc) =	sbr.rel .LBB3_1-.Ltmp8, $4  }
0x5f: {  	s23 =	smov.u32 s3;
	[sflag:s31] =	ssyncpa.u1 $0x0;
	s2 =	simm.s32 @!p0 $0x0  }
0x60: {  	s5 =	sadd.s32 $0x66E00, s0;
	p0 =	por $0x0, $0x0;
	s9 =	sadd.s32 s2, s10  }
0x61: {  	vm0 =	vmmov $0xffff;
	v2 =	vlaneseq.u32;
	s10 =	sshll.u32 s14, $0x1;
	s14 =	sshllo.u32 s14, $0x1;
	s11 =	sadd.s32 $0x1, s9  }
0x62: {  	vm1 =	vmxor vm1, vm1;
	vm2 =	vmmov $0x1;
	vm3 =	vcmask $0x3F3C;
	s12 =	sadd.s32 $0x2, s9;
	s13 =	sor.u32 $0x81, s10;
	s15 =	sor.u32 $0x80, s10  }
.LBB3_9:
0x63: {  	p1 =	slt.u32 s24, $0x3  }
0x64: {  	s0 =	simm.s32 @!p1 $0x2  }
0x65: {  	_ =	swait.ge @!p1 [sflag:s0], $0x1F40  }
0x66: {  	[sflag:s0] =	ssyncset.done @!p1 $0x0  }
0x67: {  	[sflag:s0] =	ssyncadd.s32 @!p1 $0xFFFFE0C0;
	s0 =	simm.s32 @!p1 $0x9  }
0x68: {  	_ =	swait.ge @!p1 [sflag:s0], $0x10  }
0x69: {  	[sflag:s0] =	ssyncset.done @!p1 $0x0  }
0x6a: {  	[sflag:s0] =	ssyncadd.s32 @!p1 $0xFFFFFFF0;
	p1 =	sne.s32 s24, s12  }
.Ltmp9:
0x6b: {  	s2 =	sadd.s32 $0x1F40, s23;
	(pc) =	sbr.rel @!p1 .LBB3_10-.Ltmp9, $4  }
0x6c: {  	s22 =	smov.u32 s3;
	s31 =	sadd.s32 $0x1, s24;
	s17 =	sadd.s32 $0x1F40, s17  }
0x6d: {  	s18 =	sadd.s32 $0x1, s18;
	s25 =	smov.u32 s23;
	p2 =	slt.s32 s2, s4  }
0x6e: {  	p0 =	por !p0, !p0;
	s19 =	sadd.s32 $0x1F40, s19;
	s22 =	smov.u32 @p2 s2  }
0x6f: {  	s20 =	sadd.s32 $0x1, s20;
	s23 =	smov.u32 s22;
	s24 =	smov.u32 s31  }
.LBB3_1:
0x70: {  	p1 =	sge.u32 s24, s9  }
0x71: {  	s0 =	smulhi.u32 @!p1 $0xAAAAAAAB, s24;
	_ =	sdelay $0x1  }
0x72: {  	s0 =	sshrl.u32 @!p1 s0, $0x1  }
0x73: {  	s0 =	smul.u32 @!p1 $0x3, s0;
	_ =	sdelay $0x1  }
0x74: {  	s0 =	ssub.s32 @!p1 s24, s0  }
0x75: {  	s0 =	smul.u32 @!p1 $0x7D00, s0;
	_ =	sdelay $0x1  }
0x76: {  	s2 =	sshrl.u32 @!p1 s23, $0x3;
	s0 =	sshrl.u32 @!p1 s0, $0x2  }
0x77: {  	s22 =	sand.u32 @!p1 $0x7, s23;
	s2 =	sadd.s32 @!p1 s5, s2;
	s0 =	sadd.s32 @!p1 $0x100, s0  }
0x78: {  	[tilespmem:s0], [sflag:$0x7] =	stream.linear.gather @!p1 [hbm4b:s2+s22], $0x1F40, $0x38;
	[tilespmem:$0x11A60] =	vst v63  }
0x79: {  	s0 =	sadd.s32 $0xFFFFFFFF, s24  }
0x7a: {  	p1 =	sge.u32 s0, s9  }
.Ltmp10:
0x7b: {  	_ = 	snop;
	(pc) =	sbr.rel @p1 .LBB3_5-.Ltmp10, $1  }
0x7c: {  	_ =	sdelay $0x3  }
0x7d: {  	s2 =	smulhi.u32 $0xAAAAAAAB, s0;
	_ =	sdelay $0x1  }
0x7e: {  	s2 =	sshrl.u32 s2, $0x1  }
0x7f: {  	s2 =	smul.u32 $0x3, s2;
	_ =	sdelay $0x1  }
0x80: {  	s2 =	ssub.s32 s0, s2  }
0x81: {  	s2 =	smul.u32 $0x7D00, s2  }
0x82: {  	_ =	swait.ge [sflag:s7], $0x1F40  }
0x83: {  	[sflag:s7] =	ssyncset.done $0x0;
	s2 =	sshrl.u32 s2, $0x2  }
0x84: {  	[sflag:s7] =	ssyncadd.s32 $0xFFFFE0C0;
	(ifvalue) =	ssetifvalue $0xFFFFFFFF;
	v3 =	vld.msk [tilespmem:s2+$0x100 ss:$0x1], $0xffff;
	_ =	sdelay $0x2  }
0x85: {  	s30 =	smulhi.u32 $0xAAAAAAAB, s18;
	p1 =	sne.s32 s24, $0x1  }
0x86: {  	v4 =	vimm.s32 @!p1 $0x0  }
0x87: {  	s2 =	sshrl.u32 s30, $0x1;
	v4 =	vperm.xlane @!p1 v3, v4  }
0x88: {  	s22 =	sshll.u32 s24, $0x4;
	s2 =	smul.u32 $0xFFFE8900, s2;
	vm4 =	vlt.u32 v3, $0x2800  }
0x89: {  	s22 =	sand.u32 $0x10, s22;
	v3 =	vnsel vm4, $0xFFFFFFFE, v3;
	vm4 =	vlt.u32 @!p1 v4, $0x2800  }
0x8a: {  	s2 =	sshra.s32 s2, $0x2;
	[tilespmem:s22+$0x60] =	vst v3;
	v3 =	vnsel @!p1 vm4, $0xFFFFFFFE, v4  }
0x8b: {  	s28 =	sadd.s32 s2, s17;
	[tilespmem:$0x80] =	vst @!p1 v3  }
0x8c: {  	v3 =	vld.msk [tilespmem:s28+$0x0 ss:$0x1], $0xffff;
	_ =	sdelay $0x4  }
0x8d: {  	(xrf1) =	vunique.msk.u32 $0xffff, v3;
	_ =	sdelay $0xd  }
0x8e: {  	v4 =	vimm.s32 $0xFFFFFFFF;
	v5, _, _ =	vpop (xrf1)  }
0x8f: {  	vm5 =	vne.s32 v3, v4;
	vm4 =	veq.s32 v5, v2  }
0x90: {  	vm6 =	vlt.u32 v3, $0x2800;
	vm4 =	vmand vm5, vm4  }
0x91: {  	vm4 =	vmand vm6, vm4  }
0x92: {  	v4 =	vnsel vm4, $0xFFFFFFFF, v3  }
0x93: {  	s31 =	sand.u32 $0x1, s0  }
0x94: {  	s0 =	simm.s32 $0x1F40;
	p1 =	seq.s32 s31, $0x1  }
0x95: {  	s0 =	simm.s32 @!p1 $0x0  }
0x96: {  	s26 =	sadd.s32 $0x7DF0, s0;
	(ifvalue) =	ssetifvalue $0xFFFFFFFF  }
0x97: {  	v3 =	vperm.xlane v3, v1;
	[tilespmem:s26], [sflag:$0x8] =	stream.indirect_vreg.gather [hbm4b:s1+s16], $0x1, v4, vm0, $0x4038;
	v4 =	vnsel vm6, $0xFFFFFFFE, v4;
	[tilespmem:$0x11A60] =	vst v63  }
0x98: {  	s2 =	simm.s32 $0x0;
	s22 =	sadd.s32 $0xFFFFFFF0, s28;
	[tilespmem:s28+$0x0] =	vst v4  }
.LBB3_3:
0x99: {  	v4 =	vld.msk [tilespmem:s22+$0x0 ss:$0x1], $0xffff;
	s2 =	sadd.s32 $0x10, s2;
	v5 =	vmov v3;
	s28 =	smov.u32 s22  }
0x9a: {  	p1 =	slt.u32 s2, $0x1F30;
	_ =	sdelay $0x4  }
0x9b: {  	v3 =	vperm.xlane v4, v1;
	(xrf1) =	vunique.msk.u32 $0xffff, v4;
	_ =	sdelay $0xd  }
0x9c: {  	v6, _, _ =	vpop (xrf1)  }
0x9d: {  	vm5 =	vne.s32 v4, v5;
	vm4 =	veq.s32 v6, v2  }
0x9e: {  	vm6 =	vlt.u32 v4, $0x2800;
	vm4 =	vmand vm5, vm4  }
0x9f: {  	vm4 =	vmand vm6, vm4  }
0xa0: {  	v4 =	vnsel vm4, $0xFFFFFFFF, v4  }
.Ltmp11:
0xa1: {  	v5 =	vnsel vm6, $0xFFFFFFFE, v4;
	(pc) =	sbr.rel @p1 .LBB3_3-.Ltmp11, $3  }
0xa2: {  	_ =	sdelay $0x1  }
0xa3: {  	s22 =	sadd.s32 $0xFFFFFFF0, s22;
	s26 =	sadd.s32 $0xFFFFFFF0, s26;
	(ifvalue) =	ssetifvalue $0xFFFFFFFF  }
0xa4: {  	[tilespmem:s26], [sflag:$0x8] =	stream.indirect_vreg.gather [hbm4b:s1+s16], $0x1, v4, vm0, $0x4038;
	[tilespmem:s28+$0x0] =	vst v5  }
0xa5: {  	s2 =	sshrl.u32 s25, $0x3  }
0xa6: {  	s0 =	sadd.s32 $0x9D40, s0;
	s2 =	sadd.s32 s6, s2  }
0xa7: {  	[tilespmem:s0], [sflag:$0x8] =	stream.linear.gather [hbm:s2], $0x1F40, $0x38;
	[tilespmem:$0x11A60] =	vst v63  }
.LBB3_5:
0xa8: {  	p1 =	slt.u32 s24, $0x2  }
0xa9: {  	p2 =	sge.u32 @!p1 s24, s12  }
0xaa: {  	p1 =	por p1, p2  }
.Ltmp12:
0xab: {  	_ = 	snop;
	(pc) =	sbr.rel @p1 .LBB3_9-.Ltmp12, $1  }
0xac: {  	_ =	sdelay $0x3  }
0xad: {  	s0 =	sadd.s32 $0xFFFFFFFE, s24  }
0xae: {  	s2 =	smulhi.u32 $0xAAAAAAAB, s0;
	_ =	sdelay $0x1  }
0xaf: {  	s2 =	sshrl.u32 s2, $0x1  }
0xb0: {  	s2 =	smul.u32 $0x3, s2;
	_ =	sdelay $0x1  }
0xb1: {  	s0 =	ssub.s32 s0, s2  }
0xb2: {  	_ =	swait.ge [sflag:s8], $0x3E80;
	s0 =	smul.u32 $0x1F40, s0  }
0xb3: {  	p1 =	sne.s32 s24, s11;
	[sflag:s8] =	ssyncset.done $0x0  }
0xb4: {  	[sflag:s8] =	ssyncadd.s32 $0xFFFFC180;
	s2 =	sadd.s32 @!p1 $0x203F, s0  }
0xb5: {  	[spmem:s13] =	stream.linear.scatter @!p1 [tilespmem:s2], [sflag:$0x1], $0x1, $0x38;
	[tilespmem:$0x11A60] =	vst v63  }
0xb6: {  	s2 =	simm.s32 @!p1 $0x1  }
0xb7: {  	_ =	swait.ge @!p1 [sflag:s2], $0x1  }
0xb8: {  	s22 =	sshll.u32 s24, $0x4;
	[sflag:s2] =	ssyncset.done @!p1 $0x0  }
0xb9: {  	s25 =	sand.u32 $0x10, s22;
	[sflag:s2] =	ssyncadd.s32 @!p1 $0xFFFFFFFF  }
0xba: {  	s2 =	sxor.u32 $0x10, s25;
	v4 =	vld [tilespmem:s25+$0x10]  }
0xbb: {  	v5 =	vld [tilespmem:s2+$0x60]  }
0xbc: {  	v3 =	vld [tilespmem:$0x80];
	_ =	sdelay $0x2  }
0xbd: {  	(v2sf) =	vpush v4, $0x0  }
0xbe: {  	(v2sf) =	vpush v5, $0x0  }
0xbf: {  	(v2sf) =	vpush v3, $0x0;
	_ =	sdelay $0xc  }
0xc0: {  	s22 =	spop (v2sf)  }
0xc1: {  	s26 =	spop (v2sf)  }
0xc2: {  	s28 =	spop (v2sf)  }
0xc3: {  	p2 =	seq.s32 s22, s26;
	p3 =	seq.s32 s28, s22  }
0xc4: {  	p3 =	por p2, p3  }
0xc5: {  	s26 =	sand.u32 $0x1, s24;
	v4 =	vpsel p3, $0xFFFFFFFF, v4  }
0xc6: {  	s29 =	smul.u32 $0x1F40, s26;
	[tilespmem:s25+$0x10] =	vst.msk $0x1, v4  }
0xc7: {  	v4 =	vld [tilespmem:$0x30]  }
0xc8: {  	v5 =	vld [tilespmem:s29+$0x9D40]  }
0xc9: {  	v6 =	vld [tilespmem:s25+$0x40];
	_ =	sdelay $0x3  }
0xca: {  	vm4 =	vmmov vm1;
	v5 =	vadd.f32 v5, v4  }
0xcb: {  	vm5 =	vmmov vm2;
	vm4 =	vmmov @p2 vm2;
	s22 =	sshll.u32 s26, $0x4;
	v4 =	vadd.f32 v6, v4  }
0xcc: {  	s26 =	sor.u32 $0x11A40, s22;
	vm5 =	vmmov @p3 vm1;
	[tilespmem:s29+$0x9D40] =	vst.msk vm4, v5  }
0xcd: {  	[tilespmem:s26+$0x0] =	vst.msk vm5, v4  }
0xce: {  	v4 =	vld [tilespmem:s29+$0x7DF0];
	_ =	sdelay $0x3  }
0xcf: {  	v5 =	vimm.f32 $0.0e+00  }
0xd0: {  	v4 =	vshift.insert v4, v5, s21  }
0xd1: {  	s22 =	sor.u32 $0x40, s2  }
0xd2: {  	[tilespmem:s22+$0x0] =	vst.msk $0x1, v4  }
0xd3: {  	[tilespmem:s29+$0x7DFF] =	vst.msk $0x1, v5  }
0xd4: {  	v4 =	vld [tilespmem:s0+$0x2030];
	_ =	sdelay $0x1  }
0xd5: {  	s22 =	smulhi.u32 $0xAAAAAAAB, s20;
	s0 =	simm.s32 $0x1  }
0xd6: {  	s0 =	simm.s32 @!p0 $0x0  }
0xd7: {  	s22 =	sshrl.u32 s22, $0x1;
	s0 =	smul.u32 $0x7D00, s0  }
0xd8: {  	s22 =	smul.u32 $0xFFFE8900, s22;
	v4 =	vshift.insert v4, v1, s21  }
0xd9: {  	s0 =	sshrl.u32 s0, $0x2  }
0xda: {  	s22 =	sshra.s32 s22, $0x2;
	s30 =	sadd.s32 $0x9D40, s0;
	[tilespmem:s2+$0x10] =	vst.msk $0x1, v4  }
0xdb: {  	s22 =	sadd.s32 s22, s19;
	v6 =	vld [tilespmem:s30+$0x0]  }
0xdc: {  	v7 =	vld [tilespmem:s22+$0x0];
	_ =	sdelay $0x3  }
0xdd: {  	v5 =	vadd.f32 v6, v5  }
0xde: {  	vm4 =	vne.s32 v7, $0xFFFFFFFF  }
0xdf: {  	(xrf2) =	vadd.seg.scan.f32 vm4, v5;
	_ =	sdelay $0x3  }
0xe0: {  	s31 =	sadd.s32 $0x5EC0, s0;
	v5 =	vperm.xlane v4, v1  }
0xe1: {  	v6 =	vld [tilespmem:s31+$0x0]  }
0xe2: {  	vm5 =	veq.s32 v7, v3;
	vm6 =	veq.s32 v7, v5  }
0xe3: {  	vm7 =	vgt.u32 v7, $0xFFFFFFFD;
	vm6 =	vmor vm6, vm5  }
0xe4: {  	vm6 =	vmor vm6, vm7  }
0xe5: {  	v9 =	vld [tilespmem:$0xA0];
	v7 =	vsel vm6, $0xFFFFFFFF, v7  }
0xe6: {  	v10 =	vld [tilespmem:$0x90];
	v6 =	vsel vm5, $0x0, v6;
	v8, _, _ =	vpop (xrf2)  }
0xe7: {  	v6 =	vadd.f32 v8, v6  }
0xe8: {  	s0 =	sadd.s32 $0xDBC0, s0  }
0xe9: {  	vm4 =	vmand vm4, vm3;
	[tilespmem:s0+$0x0] =	vst v6;
	(ifvalue) =	ssetifvalue $0xFFFFFFFF  }
0xea: {  	vm6 =	veq.s32 v9, $0x1;
	[hbm4b:s1+s16] =	stream.indirect_vreg.scatter [tilespmem:s0], [sflag:$0x2], $0x1, v7, vm0, $0x4038;
	v7 =	vsel vm4, $0x0, v8;
	[tilespmem:$0x11A60] =	vst v63  }
0xeb: {  	s2 =	simm.s32 $0x0;
	s22 =	sadd.s32 $0x10, s22;
	vm4 =	vmor vm6, vm5;
	v6 =	vsel vm5, v8, v10;
	v7 =	vshift.insert v7, v0, s21  }
.LBB3_7:
0xec: {  	v8 =	vld [tilespmem:s22+$0x0];
	s30 =	sadd.s32 $0x10, s30  }
0xed: {  	s31 =	sadd.s32 $0x10, s31;
	v9 =	vld [tilespmem:s30+$0x0]  }
0xee: {  	s2 =	sadd.s32 $0x10, s2;
	v10 =	vld [tilespmem:s31+$0x0]  }
0xef: {  	p2 =	slt.u32 s2, $0x1F30;
	_ =	sdelay $0x2  }
0xf0: {  	v7 =	vadd.f32 v9, v7  }
0xf1: {  	vm5 =	vne.s32 v8, $0xFFFFFFFF  }
0xf2: {  	vm6 =	vmand vm5, vm3;
	(xrf2) =	vadd.seg.scan.f32 vm5, v7;
	_ =	sdelay $0x5  }
0xf3: {  	vm7 =	veq.s32 v8, v5;
	vm5 =	veq.s32 v8, v3  }
0xf4: {  	vm8 =	vgt.u32 v8, $0xFFFFFFFD;
	vm4 =	vmor vm4, vm5;
	vm7 =	vmor vm7, vm5  }
0xf5: {  	vm7 =	vmor vm7, vm8  }
0xf6: {  	v8 =	vsel vm7, $0xFFFFFFFF, v8  }
.Ltmp13:
0xf7: {  	v7 =	vsel vm5, $0x0, v10;
	v9, _, _ =	vpop (xrf2);
	(pc) =	sbr.rel @p2 .LBB3_7-.Ltmp13, $4  }
0xf8: {  	v6 =	vsel vm5, v9, v6;
	v10 =	vadd.f32 v9, v7;
	v7 =	vsel vm6, $0x0, v9  }
0xf9: {  	s0 =	sadd.s32 $0x10, s0;
	v7 =	vshift.insert v7, v0, s21  }
0xfa: {  	s22 =	sadd.s32 $0x10, s22;
	[tilespmem:s0+$0x0] =	vst v10;
	(ifvalue) =	ssetifvalue $0xFFFFFFFF  }
0xfb: {  	[hbm4b:s1+s16] =	stream.indirect_vreg.scatter [tilespmem:s0], [sflag:$0x2], $0x1, v8, vm0, $0x4038;
	[tilespmem:$0x11A60] =	vst v63  }
0xfc: {  	v3 =	vld [tilespmem:s29+$0xFAF0];
	_ =	sdelay $0x4  }
0xfd: {  	v3 =	vshift.insert v3, v0, s21  }
0xfe: {  	s0 =	simm.s32 $0x30  }
0xff: {  	[tilespmem:s0+$0x0] =	vst.msk $0x1, v3  }
0x100: {  	v3 =	vsel vm4, $0x1, v1;
	[tilespmem:$0x90] =	vst v6  }
0x101: {  	s0 =	sadd.s32 @!p1 $0xFAFF, s29;
	[tilespmem:$0xA0] =	vst v3  }
0x102: {  	[spmem:s14] =	stream.linear.scatter @!p1 [tilespmem:s0], [sflag:$0x1], $0x1, $0x38;
	[tilespmem:$0x11A60] =	vst v63  }
0x103: {  	s0 =	simm.s32 @!p1 $0x1  }
0x104: {  	v3 =	vmctz.xlane @!p1 vm4;
	_ =	swait.ge @!p1 [sflag:s0], $0x1  }
0x105: {  	(v2sf) =	vpush @!p1 v4, $0x0  }
0x106: {  	(v2sf) =	vpush @!p1 v3, $0x0;
	_ =	sdelay $0xd  }
0x107: {  	s2 =	spop @!p1 (v2sf)  }
0x108: {  	s22 =	spop @!p1 (v2sf)  }
0x109: {  	p2 =	sne.s32 @!p1 s28, s2;
	p3 =	slt.s32 @!p1 s22, $0xF  }
0x10a: {  	[sflag:s0] =	ssyncset.done @!p1 $0x0;
	p2 =	por p2, p1;
	p3 =	por !p3, p1  }
0x10b: {  	[sflag:s0] =	ssyncadd.s32 @!p1 $0xFFFFFFFF;
	v3 =	vimm.s32 @!p2 $0xFFFFFFFF;
	s22 =	simm.s32 @p3 $0xF  }
0x10c: {  	[tilespmem:$0x80] =	vst @!p2 v3;
	s2 =	sadd.s32 @!p1 $0x90, s22  }
0x10d: {  	[spmem:s10] =	stream.linear.scatter @!p1 [tilespmem:s2], [sflag:$0x1], $0x1, $0x38;
	[tilespmem:$0x11A60] =	vst v63  }
0x10e: {  	_ =	swait.ge @!p1 [sflag:s0], $0x1  }
0x10f: {  	[sflag:s0] =	ssyncset.done @!p1 $0x0  }
0x110: {  	s2 =	simm.s32 @!p1 $0x80;
	[sflag:s0] =	ssyncadd.s32 @!p1 $0xFFFFFFFF  }
0x111: {  	[spmem:s15] =	stream.linear.scatter @!p1 [tilespmem:s2], [sflag:$0x1], $0x1, $0x38;
	[tilespmem:$0x11A60] =	vst v63  }
0x112: {  	_ =	swait.ge @!p1 [sflag:s0], $0x1  }
0x113: {  	[sflag:s0] =	ssyncset.done @!p1 $0x0  }
0x114: {  	[sflag:s0] =	ssyncadd.s32 @!p1 $0xFFFFFFFF;
	(ifvalue) =	ssetifvalue $0xFFFFFFFF;
	v3 =	vld [tilespmem:s25+$0x10];
	_ =	sdelay $0x3  }
.Ltmp14:
0x115: {  	_ = 	snop;
	(pc) =	sbr.rel .LBB3_9-.Ltmp14, $3  }
0x116: {  	_ =	sdelay $0x1  }
0x117: {  	(ifvalue) =	ssetifvalue $0xFFFFFFFF  }
0x118: {  	[hbm4b:s1+s16] =	stream.indirect_vreg.scatter [tilespmem:s26], [sflag:$0x9], $0x1, v3, vm0, $0x4038;
	[tilespmem:$0x11A60] =	vst v63  }
.LBB3_10:
0x119: {  	_ =	sfence.sel $0x180000  }
0x11a: {  	s0 =	simm.s32 $0x7;
	[bflag:$0x0] =	sbarrier.arrive $0xFFFF  }
0x11b: {  	s26 =	simm.s32 $0x8;
	[sflag:s0] =	ssyncpa.u1 $0x1  }
0x11c: {  	s28 =	simm.s32 $0x9;
	[sflag:s26] =	ssyncpa.u1 $0x1  }
0x11d: {  	[sflag:s28] =	ssyncpa.u1 $0x1  }
0x11e: {  	_ =	sfence.stream.spmem  }
0x11f: {  	s29 =	simm.s32 $0x3;
	[bflag:$0x0] =	sbarrier.arrive $0xFFFF  }
0x120: {  	s30 =	simm.s32 $0x4;
	[sflag:s29] =	ssyncpa.u1 $0x1  }
0x121: {  	s31 =	simm.s32 $0x3C;
	s2 =	stileid.u32;
	[sflag:s30] =	ssyncpa.u1 $0x1  }
0x122: {  	p0 =	sne.s32 s2, $0x0;
	[sflag:s31] =	ssyncpa.u1 $0x1  }
0x123: {  	s0 =	simm.s32 @p0 $0x1;
	_ =	sfence @p0  }
0x124: {  	[sflag:s0] =	ssyncpa.u1 @p0 $0x1;
	s0 =	simm.s32 @p0 $0x2  }
0x125: {  	[sflag:s0] =	ssyncpa.u1 @p0 $0x1  }
0x126: {  	_ =	strace @p0 $0x90000053  }
0x127: {  	[bflag:$0x2] =	sbarrier.arrive @p0 $0xFFFF  }
0x128: {  	_ =	shalt @p0  }
.LBB3_11:
0x129: {  	_ =	sfence.stream.spmem;
	s0 =	simm.s32 $0x5  }
0x12a: {  	s2 =	simm.s32 $0x80;
	s3 =	simm.s32 $0xC0;
	[sflag:s0] =	ssyncpa.u1 $0x0  }
0x12b: {  	[tilespmem:s3], [sflag:$0x5] =	stream.linear.gather [spmem:s2], $0x20, $0x38;
	[tilespmem:$0x11A60] =	vst v63  }
0x12c: {  	s2 =	simm.s32 $0x0;
	s3 =	simm.s32 $0xE0  }
0x12d: {  	[tilespmem:s3], [sflag:$0x5] =	stream.linear.gather [spmem:s2], $0x20, $0x38;
	[tilespmem:$0x11A60] =	vst v63  }
.Ltmp15:
0x12e: {  	_ = 	snop;
	(pc) =	sbr.rel .LBB3_12-.Ltmp15, $4  }
0x12f: {  	_ =	swait.ge [sflag:s0], $0x40  }
0x130: {  	[sflag:s0] =	ssyncset.done $0x0  }
0x131: {  	s31 =	simm.s32 $0x6;
	[sflag:s0] =	ssyncadd.s32 $0xFFFFFFC0  }
0x132: {  	s4 =	simm.s32 $0x0;
	[sflag:s31] =	ssyncpa.u1 $0x0  }
.LBB3_17:
0x133: {  	p0 =	sgt.u32 s5, $0x27FF  }
0x134: {  	s0 =	sshrl.u32 @!p0 s5, $0x3  }
0x135: {  	s5 =	sand.u32 @!p0 $0x7, s5;
	s6 =	simm.s32 @!p0 $0xB0;
	s0 =	sadd.s32 @!p0 s1, s0  }
0x136: {  	[tilespmem:s6], [sflag:$0x6] =	stream.linear.gather @!p0 [hbm4b:s0+s5], $0x1, $0x38;
	[tilespmem:$0x11A60] =	vst v63  }
0x137: {  	s0 =	simm.s32 @!p0 $0x6  }
0x138: {  	_ =	swait.ge @!p0 [sflag:s0], $0x1  }
0x139: {  	[sflag:s0] =	ssyncset.done @!p0 $0x0  }
0x13a: {  	[sflag:s0] =	ssyncadd.s32 @!p0 $0xFFFFFFFF  }
0x13b: {  	v2 =	vmov @!p0 s4;
	v1 =	vld.msk @!p0 [tilespmem:$0xB0], $0x1;
	_ =	sdelay $0x3  }
0x13c: {  	s0 =	simm.s32 @!p0 $0xE0  }
0x13d: {  	[tilespmem:v2+s0+$0x0], v1 =	vst.idx.ret.add.f32.msk @!p0 $0x1, v1  }
0x13e: {  	[tilespmem:s2+$0xC0] =	vst.msk $0x1, v0  }
0x13f: {  	v0 =	vld.msk [tilespmem:s4+$0xE0], $0x1;
	_ =	sdelay $0x4  }
0x140: {  	[tilespmem:s2+$0xE0] =	vst.msk $0x1, v0;
	s2 =	sadd.s32 $0x1, s2  }
.LBB3_19:
0x141: {  	s4 =	sadd.s32 $0x1, s4  }
0x142: {  	p0 =	sne.s32 s4, $0x20  }
.Ltmp16:
0x143: {  	_ = 	snop;
	(pc) =	sbr.rel @!p0 .LBB3_20-.Ltmp16, $1  }
0x144: {  	_ =	sdelay $0x3  }
.LBB3_12:
0x145: {  	v0 =	vld.msk [tilespmem:s4+$0xC0], $0x1;
	_ =	sdelay $0x4  }
0x146: {  	(v2sf) =	vpush v0, $0x0;
	_ =	sdelay $0xe  }
0x147: {  	s5 =	spop (v2sf)  }
0x148: {  	p0 =	seq.s32 s5, $0xFFFFFFFF  }
.Ltmp17:
0x149: {  	_ = 	snop;
	(pc) =	sbr.rel @p0 .LBB3_19-.Ltmp17, $1  }
0x14a: {  	_ =	sdelay $0x3  }
0x14b: {  	p0 =	slt.s32 s2, $0x1  }
.Ltmp18:
0x14c: {  	_ = 	snop;
	(pc) =	sbr.rel @p0 .LBB3_17-.Ltmp18, $1  }
0x14d: {  	_ =	sdelay $0x3  }
0x14e: {  	s0 =	simm.s32 $0xC0;
	p0 =	por $0x0, $0x0  }
0x14f: {  	v1 =	vld.msk @!p0 [tilespmem:s0+$0x0], $0x1;
	_ =	sdelay $0x4  }
0x150: {  	(v2sf) =	vpush @!p0 v1, $0x0;
	_ =	sdelay $0xd  }
0x151: {  	p2 =	sne.s32 s2, $0x1  }
.Ltmp19:
0x152: {  	s6 =	spop @!p0 (v2sf);
	(pc) =	sbr.rel @!p2 .LBB3_16-.Ltmp19, $4  }
0x153: {  	p1 =	seq.s32 @!p0 s5, s6  }
0x154: {  	s6 =	simm.s32 $0x0;
	p1 =	por !p1, p0  }
0x155: {  	s8 =	simm.s32 $0xFFFFFFFF;
	s6 =	simm.s32 @p1 $0xFFFFFFFF  }
0x156: {  	s7 =	simm.s32 $0x1;
	s6 =	smov.u32 @p0 s8  }
.LBB3_15:
0x157: {  	s8 =	smov.u32 s6;
	p0 =	sne.s32 s6, $0xFFFFFFFF  }
0x158: {  	s0 =	sadd.s32 $0x1, s0;
	s6 =	smov.u32 s7;
	s7 =	sadd.s32 $0x1, s7  }
0x159: {  	p1 =	sne.s32 s2, s7;
	v1 =	vld.msk @!p0 [tilespmem:s0+$0x0], $0x1;
	_ =	sdelay $0x4  }
0x15a: {  	(v2sf) =	vpush @!p0 v1, $0x0;
	_ =	sdelay $0xe  }
.Ltmp20:
0x15b: {  	s9 =	spop @!p0 (v2sf);
	(pc) =	sbr.rel @p1 .LBB3_15-.Ltmp20, $4  }
0x15c: {  	p2 =	seq.s32 @!p0 s5, s9  }
0x15d: {  	p2 =	por !p2, p0  }
0x15e: {  	s6 =	simm.s32 @p2 $0xFFFFFFFF  }
0x15f: {  	s6 =	smov.u32 @p0 s8  }
.LBB3_16:
0x160: {  	p0 =	sne.s32 s6, $0xFFFFFFFF  }
.Ltmp21:
0x161: {  	_ = 	snop;
	(pc) =	sbr.rel @!p0 .LBB3_17-.Ltmp21, $1  }
0x162: {  	_ =	sdelay $0x3  }
0x163: {  	v0 =	vld.msk [tilespmem:s4+$0xE0], $0x1;
	v1 =	vmov s6  }
.Ltmp22:
0x164: {  	_ = 	snop;
	(pc) =	sbr.rel .LBB3_19-.Ltmp22, $2  }
0x165: {  	_ =	sdelay $0x2  }
0x166: {  	[tilespmem:v1+s3+$0x0], v0 =	vst.idx.ret.add.f32.msk $0x1, v0  }
.LBB3_20:
0x167: {  	p0 =	slt.s32 s2, $0x1  }
.Ltmp23:
0x168: {  	_ = 	snop;
	(pc) =	sbr.rel @p0 .LBB3_24-.Ltmp23, $3  }
0x169: {  	_ =	sdelay $0x1  }
0x16a: {  	s0 =	simm.s32 $0x6  }
0x16b: {  	s3 =	simm.s32 $0x0;
	[sflag:s0] =	ssyncpa.u1 $0x1  }
0x16c: {  	s0 =	simm.s32 $0xC0  }
0x16d: {  	v0 =	vld.msk [tilespmem:s0+$0x0], $0x1;
	_ =	sdelay $0x4  }
0x16e: {  	(v2sf) =	vpush v0, $0x0;
	_ =	sdelay $0xe  }
0x16f: {  	s2 =	sadd.s32 $0xFFFFFFFF, s2;
	s4 =	spop (v2sf)  }
0x170: {  	p1 =	sne.s32 s2, $0x0;
	p0 =	sgt.u32 s4, $0x27FF  }
.Ltmp24:
0x171: {  	s5 =	sshrl.u32 @!p0 s4, $0x3;
	(pc) =	sbr.rel @!p1 .LBB3_23-.Ltmp24, $4  }
0x172: {  	s0 =	simm.s32 $0xE0;
	s4 =	sand.u32 @!p0 $0x7, s4;
	s5 =	sadd.s32 @!p0 s1, s5  }
0x173: {  	[hbm4b:s5+s4] =	stream.linear.scatter @!p0 [tilespmem:s0], [sflag:$0x5], $0x1, $0x38;
	[tilespmem:$0x11A60] =	vst v63  }
0x174: {  	s5 =	simm.s32 $0x0  }
0x175: {  	s4 =	simm.s32 $0xC1;
	s5 =	simm.s32 @!p0 $0x4  }
.LBB3_22:
0x176: {  	v0 =	vld.msk [tilespmem:s4+$0x0], $0x1;
	s2 =	sadd.s32 $0xFFFFFFFF, s2;
	s3 =	sadd.s32 s3, s5  }
0x177: {  	p0 =	sne.s32 s2, $0x0;
	_ =	sdelay $0x3  }
0x178: {  	(v2sf) =	vpush v0, $0x0;
	_ =	sdelay $0xe  }
.Ltmp25:
0x179: {  	s6 =	spop (v2sf);
	(pc) =	sbr.rel @p0 .LBB3_22-.Ltmp25, $4  }
0x17a: {  	s5 =	simm.s32 $0x0;
	p1 =	sgt.u32 s6, $0x27FF  }
0x17b: {  	s0 =	sadd.s32 $0x1, s0;
	s5 =	simm.s32 @!p1 $0x4;
	s7 =	sshrl.u32 @!p1 s6, $0x3  }
0x17c: {  	s4 =	sadd.s32 $0x1, s4;
	s6 =	sand.u32 @!p1 $0x7, s6;
	s7 =	sadd.s32 @!p1 s1, s7  }
0x17d: {  	[hbm4b:s7+s6] =	stream.linear.scatter @!p1 [tilespmem:s0], [sflag:$0x5], $0x1, $0x38;
	[tilespmem:$0x11A60] =	vst v63  }
.LBB3_23:
0x17e: {  	s0 =	sadd.s32 s3, s5  }
0x17f: {  	s3 =	sshrl.u32 s0, $0x2  }
.LBB3_24:
0x180: {  	s0 =	simm.s32 $0x5  }
0x181: {  	_ =	swait.ge [sflag:s0], s3  }
0x182: {  	s1 =	ssub.s32 $0x0, s3;
	[sflag:s0] =	ssyncset.done $0x0  }
0x183: {  	[sflag:s0] =	ssyncadd.s32 s1  }
0x184: {  	[sflag:s0] =	ssyncpa.u1 $0x1  }
0x185: {  	s29 =	simm.s32 $0x1;
	_ =	sfence  }
0x186: {  	s30 =	simm.s32 $0x2;
	[sflag:s29] =	ssyncpa.u1 $0x1  }
0x187: {  	[sflag:s30] =	ssyncpa.u1 $0x1  }
0x188: {  	_ =	strace $0x90000053  }
0x189: {  	[bflag:$0x2] =	sbarrier.arrive $0xFFFF  }
0x18a: {  	s31 =	rddreg [dreg:$0x2]  }
0x18b: {  	s0 =	sadd.s32 $0x100000, s31  }
0x18c: {  	[sflag:s0] =	ssyncadd.tile.s32 $0x1;
	_ =	shalt  }
.Lfunc_end3:
_tile_overlayer_lowered:
.L_overlay_start_3:
0x18d: {  	(tag) =	ssettag $0x3  }
0x18e: {  	s0 =	rddreg [dreg:$0x0];
	s2 =	stileid.u32  }
0x18f: {  	s1 =	rddreg [dreg:$0x1];
	p0 =	sne.s32 s2, $0x0  }
0x190: {  	s3 =	rddreg [dreg:$0x2];
	[bflag:$0x3] =	sbarrier.arrive $0xFFFF;
	s2 =	simm.s32 @!p0 $0x1C01  }
0x191: {  	[timem:s3], [sflag:s2] =	dma.local @!p0 [hbm:s0], s1  }
0x192: {  	s0 =	simm.s32 @!p0 $0x1  }
0x193: {  	_ =	swait.ge @!p0 [sflag:s0], s1  }
0x194: {  	s1 =	ssub.s32 @!p0 $0x0, s1;
	[sflag:s0] =	ssyncset.done @!p0 $0x0  }
0x195: {  	[sflag:s0] =	ssyncadd.s32 @!p0 s1  }
0x196: {  	[bflag:$0x3] =	sbarrier.arrive $0xFFFF  }
0x197: {  	_ =	shalt  }

// kernel: scatter_offload_async_start
scs
__scs_entry_jumppad:
0x0: {  	(pc) =	sbr.rel $0x88, $3  }
0x1: {  	(tag) =	ssettag $0x0;
	lr =	simm.s32 $0x1  }
0x2: {  	[smem:$0x3F85] =	sst lr;
	_ =	strace $0xD0000000  }
0x3: {  	_ = 	snop  }
0x4: {  	_ = 	snop  }
0x5: {  	_ = 	snop  }
0x6: {  	_ = 	snop  }
0x7: {  	_ = 	snop  }
__scs_overlays_trampoline_lowered:
0x8: {  	[smem:$0x3F94] =	sst s0  }
0x9: {  	[smem:$0x3F95] =	sst s1  }
0xa: {  	[smem:$0x3F96] =	sst s2  }
0xb: {  	[smem:$0x3F97] =	sst s3  }
0xc: {  	[smem:$0x3F98] =	sst s4  }
0xd: {  	[smem:$0x3F99] =	sst s5  }
0xe: {  	[smem:$0x3F9A] =	sst s6  }
0xf: {  	[smem:$0x3F9B] =	sst s7  }
0x10: {  	[smem:$0x3F9C] =	sst s8  }
0x11: {  	[smem:$0x3F9D] =	sst s9;
	s0 =	simm.s32 @!p0 $0x0  }
0x12: {  	s1 =	sld [smem:$0x3F83];
	s0 =	simm.s32 @p0 $0x1  }
0x13: {  	[smem:$0x3F9E] =	sst s0;
	s0 =	simm.s32 @!p1 $0x0  }
0x14: {  	s2 =	sld [smem:$0x3F82];
	s0 =	simm.s32 @p1 $0x1  }
0x15: {  	[smem:$0x3F9F] =	sst s0;
	s0 =	simm.s32 @!p2 $0x0  }
0x16: {  	s3 =	sld [smem:$0x3FDB];
	s0 =	simm.s32 @p2 $0x1  }
0x17: {  	s4 =	simm.s32 $0x1BF5;
	[smem:$0x3FA1] =	sst s0  }
0x18: {  	s0 =	sld [smem:$0x3F84];
	_ =	swait.ge [sflag:s4], $0x0  }
0x19: {  	s7 =	sld [smem:$0x3F85]  }
0x1a: {  	s8 =	sadd.s32 $0xFFFFE003, lr  }
0x1b: {  	s9 =	sadd.s32 $0xFFFFFEF7, lr;
	s5 =	simm.s32 $0xFFFFFFFF;
	p2 =	slt.u32 s8, $0xFFFFF086  }
0x1c: {  	p1 =	slt.u32 s9, $0xF7A;
	s5 =	simm.s32 @!p2 $0x0  }
0x1d: {  	s5 =	simm.s32 @p1 $0x1;
	p0 =	seq.s32 s7, s2  }
0x1e: {  	s7 =	smul.u32 @!p0 $0xF7A, s2;
	p2 =	seq.s32 @!p0 s5, $0x0  }
0x1f: {  	s9 =	smul.u32 $0xF7A, s1;
	s8 =	simm.s32 @!p0 $0x1BF5;
	p2 =	por !p2, p0  }
0x20: {  	[sflag:s8] =	ssyncset.s32 @!p0 $0xFFFFF086;
	s6 =	sadd.s32 @!p0 s3, s7;
	s7 =	simm.s32 @!p0 $0x108  }
0x21: {  	s3 =	sadd.s32 s3, s9;
	s6 =	sadd.s32 @!p0 $0x88, s6;
	s7 =	simm.s32 @p2 $0x1082  }
0x22: {  	[simem:s7], [sflag:s8] =	dma.local @!p0 [hbm:s6], $0xF7A  }
0x23: {  	s9 =	sor.u32 $0xD0000000, s2;
	s6 =	simm.s32 $0x108;
	_ =	swait.ge @!p0 [sflag:s8], $0x0  }
0x24: {  	s3 =	sadd.s32 $0x88, s3;
	s6 =	simm.s32 @!p1 $0x1082;
	[sflag:s4] =	ssyncset.s32 $0xFFFFF086  }
0x25: {  	[simem:s6], [sflag:s4] =	dma.local [hbm:s3], $0xF7A  }
0x26: {  	[smem:$0x3F85] =	sst s1;
	(tag) =	ssettag s2;
	_ =	strace s9  }
0x27: {  	s1 =	sld [smem:$0x3F95]  }
0x28: {  	s2 =	sld [smem:$0x3F96]  }
0x29: {  	s4 =	sld [smem:$0x3F98]  }
0x2a: {  	p0 =	seq.s32 s5, $0x0;
	s5 =	sld [smem:$0x3F99]  }
0x2b: {  	s6 =	sld [smem:$0x3F9A]  }
0x2c: {  	s7 =	sld [smem:$0x3F9B]  }
0x2d: {  	s3 =	simm.s32 $0x108;
	s8 =	sld [smem:$0x3F9C]  }
0x2e: {  	s3 =	simm.s32 @!p0 $0x1082;
	s9 =	sld [smem:$0x3F9D]  }
0x2f: {  	lr =	sadd.s32 s0, s3;
	s0 =	sld [smem:$0x3F94]  }
0x30: {  	s3 =	sld [smem:$0x3F97]  }
0x31: {  	[smem:$0x3FA0] =	sst s10  }
0x32: {  	s10 =	sld [smem:$0x3F9E];
	_ =	sdelay $0x3  }
0x33: {  	p0 =	seq.s32 s10, $0x1;
	s10 =	sld [smem:$0x3FA0];
	_ =	sdelay $0x3  }
0x34: {  	[smem:$0x3FA0] =	sst s10  }
0x35: {  	s10 =	sld [smem:$0x3F9F];
	_ =	sdelay $0x3  }
0x36: {  	p1 =	seq.s32 s10, $0x1;
	s10 =	sld [smem:$0x3FA0];
	_ =	sdelay $0x3  }
0x37: {  	[smem:$0x3FA0] =	sst s10  }
0x38: {  	s10 =	sld [smem:$0x3FA1]  }
0x39: {  	_ = 	snop;
	(pc) =	sbr.ind lr, $3  }
0x3a: {  	_ = 	snop  }
0x3b: {  	_ = 	snop  }
0x3c: {  	p2 =	seq.s32 s10, $0x1;
	s10 =	sld [smem:$0x3FA0]  }
0x3d: {  	_ =	shalt  }
0x3e: {  	_ =	shalt  }
0x3f: {  	_ =	shalt  }
0x40: {  	_ =	shalt  }
0x41: {  	_ =	shalt  }
0x42: {  	_ =	shalt  }
0x43: {  	_ =	shalt  }
0x44: {  	_ =	shalt  }
0x45: {  	_ =	shalt  }
0x46: {  	_ =	shalt  }
0x47: {  	_ =	shalt  }
0x48: {  	_ =	shalt  }
0x49: {  	_ =	shalt  }
0x4a: {  	_ =	shalt  }
0x4b: {  	_ =	shalt  }
0x4c: {  	_ =	shalt  }
0x4d: {  	_ =	shalt  }
0x4e: {  	_ =	shalt  }
0x4f: {  	_ =	shalt  }
0x50: {  	_ =	shalt  }
0x51: {  	_ =	shalt  }
0x52: {  	_ =	shalt  }
0x53: {  	_ =	shalt  }
0x54: {  	_ =	shalt  }
0x55: {  	_ =	shalt  }
0x56: {  	_ =	shalt  }
0x57: {  	_ =	shalt  }
0x58: {  	_ =	shalt  }
0x59: {  	_ =	shalt  }
0x5a: {  	_ =	shalt  }
0x5b: {  	_ =	shalt  }
0x5c: {  	_ =	shalt  }
0x5d: {  	_ =	shalt  }
0x5e: {  	_ =	shalt  }
0x5f: {  	_ =	shalt  }
0x60: {  	_ =	shalt  }
0x61: {  	_ =	shalt  }
0x62: {  	_ =	shalt  }
0x63: {  	_ =	shalt  }
0x64: {  	_ =	shalt  }
0x65: {  	_ =	shalt  }
0x66: {  	_ =	shalt  }
0x67: {  	_ =	shalt  }
0x68: {  	_ =	shalt  }
0x69: {  	_ =	shalt  }
0x6a: {  	_ =	shalt  }
0x6b: {  	_ =	shalt  }
0x6c: {  	_ =	shalt  }
0x6d: {  	_ =	shalt  }
0x6e: {  	_ =	shalt  }
0x6f: {  	_ =	shalt  }
0x70: {  	_ =	shalt  }
0x71: {  	_ =	shalt  }
0x72: {  	_ =	shalt  }
0x73: {  	_ =	shalt  }
0x74: {  	_ =	shalt  }
0x75: {  	_ =	shalt  }
0x76: {  	_ =	shalt  }
0x77: {  	_ =	shalt  }
0x78: {  	_ =	shalt  }
0x79: {  	_ =	shalt  }
0x7a: {  	_ =	shalt  }
0x7b: {  	_ =	shalt  }
0x7c: {  	_ =	shalt  }
0x7d: {  	_ =	shalt  }
0x7e: {  	_ =	shalt  }
0x7f: {  	_ =	shalt  }
0x80: {  	_ =	shalt  }
0x81: {  	_ =	shalt  }
0x82: {  	_ =	shalt  }
0x83: {  	_ =	shalt  }
0x84: {  	_ =	shalt  }
0x85: {  	_ =	shalt  }
0x86: {  	_ =	shalt  }
0x87: {  	_ =	shalt  }
.Lfunc_end0:
.L_simem_size_0:
called_computation_lowered:
.L_overlay_start_0:
0x88: {  	s0 =	sld [smem:$0x3FD9]  }
0x89: {  	s1 =	sld [smem:$0x3FFE];
	_ =	sdelay $0x3  }
0x8a: {  	s0 =	sadd.s32 s1, s0  }
0x8b: {  	[smem:$0x3FAC] =	sst s0  }
0x8c: {  	_ = 	snop  }
0x8d: {  	s0 =	sld [smem:$0x3FD0];
	_ =	sdelay $0x2  }
0x8e: {  	s12 =	simm.s32 $0xE;
	s2 =	simm.s32 $0x10  }
0x8f: {  	[smem:s2], [sflag:s12] =	dma.local [hbm:s0], $0x1  }
0x90: {  	_ =	swait.eq [sflag:s12], $0x1  }
0x91: {  	[sflag:s12] =	ssyncset.done $0x0  }
0x92: {  	[sflag:s12] =	ssyncadd.s32 $0xFFFFFFFF  }
0x93: {  	s13 =	sld [smem:$0x10];
	(tm) =	ssettm $0x1  }
0x94: {  	s14 =	sld [smem:$0x3FFB];
	_ =	sdelay $0x3  }
0x95: {  	_ =	strace s14  }
0x96: {  	s0 =	sld [smem:$0x3FFC];
	_ =	sdelay $0x3  }
0x97: {  	_ =	strace s0  }
0x98: {  	s0 =	sld [smem:$0x3FFD];
	_ =	sdelay $0x3  }
0x99: {  	_ =	strace s0  }
0x9a: {  	_ =	strace $0x8FFFFFFF  }
0x9b: {  	s15 =	sld [smem:$0x3FDB];
	_ =	sdelay $0x1  }
0x9c: {  	s16 =	simm.s32 $_scs_section_size  }
0x9d: {  	s3 =	simm.s32 $_size__tile_overlayer_lowered;
	s4 =	simm.s32 $_tile_overlayer_lowered  }
0x9e: {  	s5 =	simm.s32 $0x1BFF;
	s17 =	sshll.u32 s4, $0x1;
	s2 =	sadd.s32 s16, s15  }
0x9f: {  	s18 =	simm.s32 $0x0;
	s3 =	sshll.u32 s3, $0x1;
	s4 =	sadd.s32 s17, s2  }
0xa0: {  	[timem:s18], [sflag:s5] =	dma.local [hbm:s4], s3  }
0xa1: {  	_ =	swait.ge [sflag:s5], s3  }
0xa2: {  	s3 =	ssub.s32 $0x0, s3;
	[sflag:s5] =	ssyncset.done $0x0  }
0xa3: {  	[sflag:s5] =	ssyncadd.s32 s3;
	_ =	sdelay $0x1  }
0xa4: {  	s19 =	simm.s32 $0x1B8B  }
0xa5: {  	_ =	swait.ge [sflag:s19], $0x1  }
0xa6: {  	[sflag:s19] =	ssyncset.done $0x0  }
0xa7: {  	s21 =	simm.s32 $0x1B8E;
	s20 =	sld [smem:$0x3FFE];
	[sflag:s19] =	ssyncadd.s32 $0xFFFFFFFF  }
0xa8: {  	s22 =	simm.s32 $execute0_lowered;
	[smem:$0x3FD2] =	sst s21  }
0xa9: {  	s4 =	sshll.u32 s22, $0x1;
	_ =	strace $0x80000049;
	[dreg:$0x1] =	wrdreg $0xFFFFFFFF  }
0xaa: {  	s23 =	simm.s32 $_size_execute0_lowered;
	s4 =	sadd.s32 s2, s4;
	[dreg:$0x0] =	wrdreg $0x0  }
0xab: {  	s5 =	sshll.u32 s23, $0x1;
	[dreg:$0x2] =	wrdreg s4  }
0xac: {  	[dreg:$0x3] =	wrdreg s5  }
0xad: {  	[dreg:$0x4] =	wrdreg $0xC0  }
0xae: {  	s24 =	simm.s32 $execute1_lowered;
	_ =	task [dreg:s18], $0x5FFFF  }
0xaf: {  	s4 =	sshll.u32 s24, $0x1;
	[dreg:$0x1] =	wrdreg $0xFFFFFFFF  }
0xb0: {  	s2 =	sadd.s32 s2, s4;
	[dreg:$0x0] =	wrdreg $0x60  }
0xb1: {  	[dreg:$0x2] =	wrdreg s2  }
0xb2: {  	[dreg:$0x3] =	wrdreg s13  }
0xb3: {  	[dreg:$0x4] =	wrdreg s20  }
0xb4: {  	[dreg:$0x5] =	wrdreg $0x9  }
0xb5: {  	_ =	task.clear_ibuf [dreg:s18], $0x6FFFF;
	_ =	strace $0x90000049  }
0xb6: {  	s25 =	simm.s32 $0x9;
	_ =	strace $0x8000004B  }
0xb7: {  	_ =	swait.ge [sflag:s25], $0x1  }
0xb8: {  	[sflag:s25] =	ssyncadd.s32 $0xFFFFFFFF  }
0xb9: {  	_ =	strace $0x9000004B  }
0xba: {  	_ =	strace $0x8000004C;
	[dreg:$0x1] =	wrdreg $0xFFFFFFFF  }
0xbb: {  	[dreg:$0x0] =	wrdreg $0x2030  }
0xbc: {  	[dreg:$0x2] =	wrdreg s20  }
0xbd: {  	[dreg:$0x3] =	wrdreg $0xA  }
0xbe: {  	_ =	task.clear_ibuf [dreg:s18], $0x4FFFF;
	_ =	strace $0x9000004C  }
0xbf: {  	s26 =	simm.s32 $0xA;
	_ =	strace $0x8000004E  }
0xc0: {  	_ =	swait.ge [sflag:s26], $0x1  }
0xc1: {  	[sflag:s26] =	ssyncadd.s32 $0xFFFFFFFF  }
0xc2: {  	_ =	strace $0x9000004E  }
0xc3: {  	_ =	sfence  }
0xc4: {  	s28 =	sld [smem:$0x0];
	_ =	sdelay $0x1  }
0xc5: {  	s29 =	srdreg.scid  }
0xc6: {  	s30 =	sshll.u32 s29, $0xD;
	s31 =	sshrl.u32 s29, $0x2  }
0xc7: {  	s3 =	sand.u32 $0x4000, s30;
	s2 =	sand.u32 $0x1, s29;
	s1 =	sadd.s32 s31, s28  }
0xc8: {  	s2 =	sor.u32 s3, s2;
	s1 =	sshll.u32 s1, $0x11  }
0xc9: {  	s1 =	sor.u32 s1, s2  }
0xca: {  	s1 =	sadd.s32 $0x8F2B, s1  }
0xcb: {  	[sflag:s1] =	ssyncadd.remote.s32 $0x1  }
0xcc: {  	_ =	sfence.sel $0xFFFF  }
0xcd: {  	[dreg:$0x0] =	wrdreg $0xFFFFFFFF;
	(pc) =	sbr.abs _section_cstart, $3  }
0xce: {  	[dreg:$0x1] =	wrdreg $0xFFFFFFFF  }
0xcf: {  	_ =	task.clear_ibuf [dreg:s18], $0x2FFFF;
	_ =	strace $0x9FFFFFFF  }
0xd0: {  	(tm) =	ssettm $0x7FFFFFFF  }
0xd1: {  	_ =	shalt  }
tec
execute0_lowered:
.L_overlay_start_1:
0x0: {  	(tag) =	ssettag $0x1  }
0x1: {  	s2 =	rddreg [dreg:$0x0]  }
0x2: {  	s5 =	rddreg [dreg:$0x1]  }
0x3: {  	s4 =	rddreg [dreg:$0x2]  }
0x4: {  	s0 =	rddreg [dreg:$0x3];
	s3 =	stileid.u32  }
0x5: {  	[bflag:$0x3] =	sbarrier.arrive $0xFFFF;
	s1 =	simm.s32 $_size_execute1_lowered;
	p0 =	sne.s32 s3, $0x0  }
0x6: {  	s1 =	sshll.u32 s1, $0x1;
	s6 =	simm.s32 @!p0 $0x1C3F;
	s7 =	simm.s32 @!p0 $0x4060  }
0x7: {  	[timem:s7], [sflag:s6] =	dma.local @!p0 [hbm:s2], s1  }
.Ltmp0:
0x8: {  	s30 =	simm.s32 $0x2;
	s8 =	simm.s32 $0x780;
	(pc) =	sbr.rel .LBB2_1-.Ltmp0, $4  }
0x9: {  	s10 =	simm.s32 $0x0;
	s9 =	simm.s32 $0x0;
	s2 =	smul.u32 $0x280, s3  }
0xa: {  	s4 =	sadd.s32 $0x7AE00, s4;
	s3 =	simm.s32 $0x1;
	_ =	strace $0x8000004A  }
0xb: {  	s6 =	simm.s32 $0x0;
	[sflag:s3] =	ssyncpa.u1 $0x0;
	s31 =	sshrl.u32 s2, $0x3  }
0xc: {  	s7 =	simm.s32 $0x280;
	[sflag:s30] =	ssyncpa.u1 $0x0;
	s5 =	sadd.s32 s31, s5  }
.LBB2_8:
0xd: {  	p1 =	seq.s32 s9, $0x2  }
.Ltmp1:
0xe: {  	_ = 	snop;
	(pc) =	sbr.rel @p1 .LBB2_10-.Ltmp1, $1  }
0xf: {  	_ =	sdelay $0x3  }
.LBB2_9:
0x10: {  	s9 =	sadd.s32 $0x1, s9;
	s10 =	smov.u32 s2  }
.LBB2_1:
0x11: {  	p1 =	sne.s32 s9, $0x0  }
.Ltmp2:
0x12: {  	_ = 	snop;
	(pc) =	sbr.rel @!p1 .LBB2_2-.Ltmp2, $1  }
0x13: {  	_ =	sdelay $0x3  }
0x14: {  	s11 =	sand.u32 $0x1, s9  }
0x15: {  	p1 =	seq.s32 s11, $0x0  }
.Ltmp3:
0x16: {  	_ = 	snop;
	(pc) =	sbr.rel @p1 .LBB2_8-.Ltmp3, $1  }
0x17: {  	_ =	sdelay $0x3  }
0x18: {  	_ =	swait.ge [sflag:s3], $0x280  }
0x19: {  	[sflag:s3] =	ssyncset.done $0x0  }
0x1a: {  	s11 =	simm.s32 $0x0;
	p1 =	por $0x1, $0x1;
	[sflag:s3] =	ssyncadd.s32 $0xFFFFFD80  }
.LBB2_5:
0x1b: {  	v0 =	vld [tilespmem:s11+$0x280]  }
0x1c: {  	v1 =	vld [tilespmem:s11+$0x290]  }
0x1d: {  	v2 =	vld [tilespmem:s11+$0x2A0]  }
0x1e: {  	v3 =	vld [tilespmem:s11+$0x2B0]  }
0x1f: {  	v4 =	vld [tilespmem:s11+$0x2C0]  }
0x20: {  	v53 =	vld [tilespmem:s11+$0x2D0];
	[tilespmem:s11+$0x780] =	vst v0  }
0x21: {  	v54 =	vld [tilespmem:s11+$0x2E0];
	[tilespmem:s11+$0x790] =	vst v1  }
0x22: {  	v55 =	vld [tilespmem:s11+$0x2F0];
	[tilespmem:s11+$0x7A0] =	vst v2  }
0x23: {  	v56 =	vld [tilespmem:s11+$0x300];
	[tilespmem:s11+$0x7B0] =	vst v3  }
0x24: {  	v57 =	vld [tilespmem:s11+$0x310];
	[tilespmem:s11+$0x7C0] =	vst v4  }
0x25: {  	v58 =	vld [tilespmem:s11+$0x320];
	[tilespmem:s11+$0x7D0] =	vst v53  }
0x26: {  	v59 =	vld [tilespmem:s11+$0x330];
	[tilespmem:s11+$0x7E0] =	vst v54  }
0x27: {  	v60 =	vld [tilespmem:s11+$0x340];
	[tilespmem:s11+$0x7F0] =	vst v55  }
0x28: {  	v61 =	vld [tilespmem:s11+$0x350];
	[tilespmem:s11+$0x800] =	vst v56  }
0x29: {  	v62 =	vld [tilespmem:s11+$0x360];
	[tilespmem:s11+$0x810] =	vst v57  }
0x2a: {  	v63 =	vld [tilespmem:s11+$0x370];
	p2 =	por p1, p1;
	[tilespmem:s11+$0x820] =	vst v58  }
.Ltmp4:
0x2b: {  	[tilespmem:s11+$0x830] =	vst v59;
	(pc) =	sbr.rel @p2 .LBB2_5-.Ltmp4, $4  }
0x2c: {  	[tilespmem:s11+$0x840] =	vst v60  }
0x2d: {  	[tilespmem:s11+$0x850] =	vst v61  }
0x2e: {  	s12 =	simm.s32 $0x1F0;
	s13 =	simm.s32 $0x980;
	[tilespmem:s11+$0x860] =	vst v62  }
0x2f: {  	s14 =	simm.s32 $0x480;
	p1 =	por $0x0, $0x0;
	[tilespmem:s11+$0x870] =	vst v63;
	s11 =	simm.s32 $0x100  }
.LBB2_6:
0x30: {  	s12 =	sadd.s32 $0x10, s12  }
0x31: {  	v0 =	vld [tilespmem:s14+$0x0];
	p1 =	slt.u32 s12, $0x270  }
.Ltmp5:
0x32: {  	_ = 	snop;
	(pc) =	sbr.rel @p1 .LBB2_6-.Ltmp5, $2  }
0x33: {  	_ =	sdelay $0x2  }
0x34: {  	s14 =	sadd.s32 $0x10, s14;
	[tilespmem:s13+$0x0] =	vst v0;
	s13 =	sadd.s32 $0x10, s13  }
.Ltmp6:
0x35: {  	(pc) =	sbr.rel .LBB2_8-.Ltmp6, $4  }
0x36: {  	_ = 	snop  }
0x37: {  	s10 =	sshrl.u32 s10, $0x3  }
0x38: {  	s10 =	sadd.s32 s4, s10  }
0x39: {  	[hbm4b:s10+s6] =	stream.linear.scatter [tilespmem:s8], [sflag:$0x2], $0x280, $0x38;
	[tilespmem:$0xA00] =	vst v63  }
.LBB2_2:
.Ltmp7:
0x3a: {  	(pc) =	sbr.rel .LBB2_9-.Ltmp7, $2  }
0x3b: {  	_ =	sdelay $0x2  }
0x3c: {  	[tilespmem:s7], [sflag:$0x1] =	stream.linear.gather [hbm4b:s5+s6], $0x280, $0x38;
	[tilespmem:$0xA00] =	vst v63  }
.LBB2_10:
0x3d: {  	s2 =	simm.s32 $0x2  }
0x3e: {  	_ =	swait.ge [sflag:s2], $0x280  }
0x3f: {  	[sflag:s2] =	ssyncset.done $0x0  }
0x40: {  	[sflag:s2] =	ssyncadd.s32 $0xFFFFFD80  }
0x41: {  	_ =	sfence.sel $0x180000  }
0x42: {  	s3 =	simm.s32 $0x1;
	[bflag:$0x0] =	sbarrier.arrive $0xFFFF  }
0x43: {  	[sflag:s3] =	ssyncpa.u1 $0x1  }
0x44: {  	[sflag:s2] =	ssyncpa.u1 $0x1  }
0x45: {  	_ =	strace $0x9000004A  }
0x46: {  	s0 =	sadd.s32 @!p0 $0x100000, s0;
	[bflag:$0x2] =	sbarrier.arrive $0xFFFF  }
0x47: {  	[sflag:s0] =	ssyncadd.tile.s32 @!p0 $0x1;
	s0 =	simm.s32 @!p0 $0x3F  }
0x48: {  	_ =	swait.ge @!p0 [sflag:s0], s1  }
0x49: {  	s1 =	ssub.s32 @!p0 $0x0, s1;
	[sflag:s0] =	ssyncset.done @!p0 $0x0  }
0x4a: {  	[sflag:s0] =	ssyncadd.s32 @!p0 s1  }
0x4b: {  	[bflag:$0x3] =	sbarrier.arrive $0xFFFF  }
0x4c: {  	_ =	shalt  }
.Lfunc_end2:
execute1_lowered:
.L_overlay_start_2:
0x4d: {  	(tag) =	ssettag $0x2  }
0x4e: {  	s0 =	rddreg [dreg:$0x0]  }
0x4f: {  	s14 =	stileid.u32;
	_ =	strace $0x8000004D;
	s2 =	simm.s32 $0x1  }
0x50: {  	v1 =	vimm.s32 $0xFFFFFFFF;
	s1 =	smin.u32 s14, $0x4;
	[sflag:s2] =	ssyncpa.u1 $0x0  }
0x51: {  	s1 =	sadd.s32 s14, s1;
	[tilespmem:$0x10] =	vst v1  }
0x52: {  	v0 =	vimm.f32 $0.0e+00;
	p0 =	slt.u32 s14, $0x4;
	[tilespmem:$0x20] =	vst v1;
	s3 =	smul.u32 $0x1F40, s1;
	s1 =	simm.s32 $0x3E80  }
0x53: {  	[tilespmem:$0x30] =	vst v0;
	s1 =	simm.s32 @!p0 $0x1F40  }
0x54: {  	[tilespmem:$0x40] =	vst v0;
	s1 =	sadd.s32 s1, s3  }
0x55: {  	[tilespmem:$0x50] =	vst v0;
	s4 =	smin.u32 s1, $0x27100  }
0x56: {  	[tilespmem:$0x60] =	vst v1;
	s9 =	ssub.s32 s4, s3  }
0x57: {  	s7 =	simm.s32 $0x2;
	s8 =	simm.s32 $0x8;
	[tilespmem:$0x70] =	vst v1;
	p0 =	sgt.s32 s9, $0x0  }
0x58: {  	s31 =	simm.s32 $0x9;
	s16 =	simm.s32 $0x0;
	[tilespmem:$0x80] =	vst v1;
	s9 =	simm.s32 @!p0 $0x0  }
0x59: {  	s17 =	simm.s32 $0xF0;
	s18 =	simm.s32 $0xFFFFFFFF;
	v1 =	vimm.s32 $0x0;
	[tilespmem:$0xB0] =	vst v0;
	s5 =	smulhi.u32 $0x10624DD3, s9  }
0x5a: {  	s19 =	simm.s32 $0xFFFFC280;
	s20 =	simm.s32 $0xFFFFFFFE;
	s21 =	simm.s32 $0xF;
	[tilespmem:$0x90] =	vst v1  }
0x5b: {  	[tilespmem:$0xA0] =	vst v1;
	[sflag:s7] =	ssyncpa.u1 $0x0;
	s7 =	simm.s32 $0x7;
	s10 =	sshrl.u32 s5, $0x9  }
0x5c: {  	s25 =	simm.s32 $0x0;
	[sflag:s7] =	ssyncpa.u1 $0x0;
	s11 =	smul.u32 $0x1F40, s10  }
0x5d: {  	s24 =	simm.s32 $0x0;
	s6 =	sadd.s32 $0x75E00, s0;
	[sflag:s8] =	ssyncpa.u1 $0x0  }
.Ltmp8:
0x5e: {  	s23 =	smov.u32 s3;
	p0 =	sne.s32 s9, s11;
	(pc) =	sbr.rel .LBB3_1-.Ltmp8, $4  }
0x5f: {  	s1 =	sadd.s32 $0x7AE00, s0;
	[sflag:s31] =	ssyncpa.u1 $0x0;
	s2 =	simm.s32 @!p0 $0x0  }
0x60: {  	s5 =	sadd.s32 $0x70E00, s0;
	p0 =	por $0x0, $0x0;
	s9 =	sadd.s32 s2, s10  }
0x61: {  	vm0 =	vmmov $0xffff;
	v2 =	vlaneseq.u32;
	s10 =	sshll.u32 s14, $0x1;
	s14 =	sshllo.u32 s14, $0x1;
	s11 =	sadd.s32 $0x1, s9  }
0x62: {  	vm1 =	vmxor vm1, vm1;
	vm2 =	vmmov $0x1;
	vm3 =	vcmask $0x3F3C;
	s12 =	sadd.s32 $0x2, s9;
	s13 =	sor.u32 $0x81, s10;
	s15 =	sor.u32 $0x80, s10  }
.LBB3_9:
0x63: {  	p1 =	slt.u32 s24, $0x3  }
0x64: {  	s0 =	simm.s32 @!p1 $0x2  }
0x65: {  	_ =	swait.ge @!p1 [sflag:s0], $0x1F40  }
0x66: {  	[sflag:s0] =	ssyncset.done @!p1 $0x0  }
0x67: {  	[sflag:s0] =	ssyncadd.s32 @!p1 $0xFFFFE0C0;
	s0 =	simm.s32 @!p1 $0x9  }
0x68: {  	_ =	swait.ge @!p1 [sflag:s0], $0x10  }
0x69: {  	[sflag:s0] =	ssyncset.done @!p1 $0x0  }
0x6a: {  	[sflag:s0] =	ssyncadd.s32 @!p1 $0xFFFFFFF0;
	p1 =	sne.s32 s24, s12  }
.Ltmp9:
0x6b: {  	s2 =	sadd.s32 $0x1F40, s23;
	(pc) =	sbr.rel @!p1 .LBB3_10-.Ltmp9, $4  }
0x6c: {  	s22 =	smov.u32 s3;
	s31 =	sadd.s32 $0x1, s24;
	s17 =	sadd.s32 $0x1F40, s17  }
0x6d: {  	s18 =	sadd.s32 $0x1, s18;
	s25 =	smov.u32 s23;
	p2 =	slt.s32 s2, s4  }
0x6e: {  	p0 =	por !p0, !p0;
	s19 =	sadd.s32 $0x1F40, s19;
	s22 =	smov.u32 @p2 s2  }
0x6f: {  	s20 =	sadd.s32 $0x1, s20;
	s23 =	smov.u32 s22;
	s24 =	smov.u32 s31  }
.LBB3_1:
0x70: {  	p1 =	sge.u32 s24, s9  }
0x71: {  	s0 =	smulhi.u32 @!p1 $0xAAAAAAAB, s24;
	_ =	sdelay $0x1  }
0x72: {  	s0 =	sshrl.u32 @!p1 s0, $0x1  }
0x73: {  	s0 =	smul.u32 @!p1 $0x3, s0;
	_ =	sdelay $0x1  }
0x74: {  	s0 =	ssub.s32 @!p1 s24, s0  }
0x75: {  	s0 =	smul.u32 @!p1 $0x7D00, s0;
	_ =	sdelay $0x1  }
0x76: {  	s2 =	sshrl.u32 @!p1 s23, $0x3;
	s0 =	sshrl.u32 @!p1 s0, $0x2  }
0x77: {  	s22 =	sand.u32 @!p1 $0x7, s23;
	s2 =	sadd.s32 @!p1 s5, s2;
	s0 =	sadd.s32 @!p1 $0x100, s0  }
0x78: {  	[tilespmem:s0], [sflag:$0x7] =	stream.linear.gather @!p1 [hbm4b:s2+s22], $0x1F40, $0x38;
	[tilespmem:$0x11A60] =	vst v63  }
0x79: {  	s0 =	sadd.s32 $0xFFFFFFFF, s24  }
0x7a: {  	p1 =	sge.u32 s0, s9  }
.Ltmp10:
0x7b: {  	_ = 	snop;
	(pc) =	sbr.rel @p1 .LBB3_5-.Ltmp10, $1  }
0x7c: {  	_ =	sdelay $0x3  }
0x7d: {  	s2 =	smulhi.u32 $0xAAAAAAAB, s0;
	_ =	sdelay $0x1  }
0x7e: {  	s2 =	sshrl.u32 s2, $0x1  }
0x7f: {  	s2 =	smul.u32 $0x3, s2;
	_ =	sdelay $0x1  }
0x80: {  	s2 =	ssub.s32 s0, s2  }
0x81: {  	s2 =	smul.u32 $0x7D00, s2  }
0x82: {  	_ =	swait.ge [sflag:s7], $0x1F40  }
0x83: {  	[sflag:s7] =	ssyncset.done $0x0;
	s2 =	sshrl.u32 s2, $0x2  }
0x84: {  	[sflag:s7] =	ssyncadd.s32 $0xFFFFE0C0;
	(ifvalue) =	ssetifvalue $0xFFFFFFFF;
	v3 =	vld.msk [tilespmem:s2+$0x100 ss:$0x1], $0xffff;
	_ =	sdelay $0x2  }
0x85: {  	s30 =	smulhi.u32 $0xAAAAAAAB, s18;
	p1 =	sne.s32 s24, $0x1  }
0x86: {  	v4 =	vimm.s32 @!p1 $0x0  }
0x87: {  	s2 =	sshrl.u32 s30, $0x1;
	v4 =	vperm.xlane @!p1 v3, v4  }
0x88: {  	s22 =	sshll.u32 s24, $0x4;
	s2 =	smul.u32 $0xFFFE8900, s2;
	vm4 =	vlt.u32 v3, $0x2800  }
0x89: {  	s22 =	sand.u32 $0x10, s22;
	v3 =	vnsel vm4, $0xFFFFFFFE, v3;
	vm4 =	vlt.u32 @!p1 v4, $0x2800  }
0x8a: {  	s2 =	sshra.s32 s2, $0x2;
	[tilespmem:s22+$0x60] =	vst v3;
	v3 =	vnsel @!p1 vm4, $0xFFFFFFFE, v4  }
0x8b: {  	s28 =	sadd.s32 s2, s17;
	[tilespmem:$0x80] =	vst @!p1 v3  }
0x8c: {  	v3 =	vld.msk [tilespmem:s28+$0x0 ss:$0x1], $0xffff;
	_ =	sdelay $0x4  }
0x8d: {  	(xrf1) =	vunique.msk.u32 $0xffff, v3;
	_ =	sdelay $0xd  }
0x8e: {  	v4 =	vimm.s32 $0xFFFFFFFF;
	v5, _, _ =	vpop (xrf1)  }
0x8f: {  	vm5 =	vne.s32 v3, v4;
	vm4 =	veq.s32 v5, v2  }
0x90: {  	vm6 =	vlt.u32 v3, $0x2800;
	vm4 =	vmand vm5, vm4  }
0x91: {  	vm4 =	vmand vm6, vm4  }
0x92: {  	v4 =	vnsel vm4, $0xFFFFFFFF, v3  }
0x93: {  	s31 =	sand.u32 $0x1, s0  }
0x94: {  	s0 =	simm.s32 $0x1F40;
	p1 =	seq.s32 s31, $0x1  }
0x95: {  	s0 =	simm.s32 @!p1 $0x0  }
0x96: {  	s26 =	sadd.s32 $0x7DF0, s0;
	(ifvalue) =	ssetifvalue $0xFFFFFFFF  }
0x97: {  	v3 =	vperm.xlane v3, v1;
	[tilespmem:s26], [sflag:$0x8] =	stream.indirect_vreg.gather [hbm4b:s1+s16], $0x1, v4, vm0, $0x4038;
	v4 =	vnsel vm6, $0xFFFFFFFE, v4;
	[tilespmem:$0x11A60] =	vst v63  }
0x98: {  	s2 =	simm.s32 $0x0;
	s22 =	sadd.s32 $0xFFFFFFF0, s28;
	[tilespmem:s28+$0x0] =	vst v4  }
.LBB3_3:
0x99: {  	v4 =	vld.msk [tilespmem:s22+$0x0 ss:$0x1], $0xffff;
	s2 =	sadd.s32 $0x10, s2;
	v5 =	vmov v3;
	s28 =	smov.u32 s22  }
0x9a: {  	p1 =	slt.u32 s2, $0x1F30;
	_ =	sdelay $0x4  }
0x9b: {  	v3 =	vperm.xlane v4, v1;
	(xrf1) =	vunique.msk.u32 $0xffff, v4;
	_ =	sdelay $0xd  }
0x9c: {  	v6, _, _ =	vpop (xrf1)  }
0x9d: {  	vm5 =	vne.s32 v4, v5;
	vm4 =	veq.s32 v6, v2  }
0x9e: {  	vm6 =	vlt.u32 v4, $0x2800;
	vm4 =	vmand vm5, vm4  }
0x9f: {  	vm4 =	vmand vm6, vm4  }
0xa0: {  	v4 =	vnsel vm4, $0xFFFFFFFF, v4  }
.Ltmp11:
0xa1: {  	v5 =	vnsel vm6, $0xFFFFFFFE, v4;
	(pc) =	sbr.rel @p1 .LBB3_3-.Ltmp11, $3  }
0xa2: {  	_ =	sdelay $0x1  }
0xa3: {  	s22 =	sadd.s32 $0xFFFFFFF0, s22;
	s26 =	sadd.s32 $0xFFFFFFF0, s26;
	(ifvalue) =	ssetifvalue $0xFFFFFFFF  }
0xa4: {  	[tilespmem:s26], [sflag:$0x8] =	stream.indirect_vreg.gather [hbm4b:s1+s16], $0x1, v4, vm0, $0x4038;
	[tilespmem:s28+$0x0] =	vst v5  }
0xa5: {  	s2 =	sshrl.u32 s25, $0x3  }
0xa6: {  	s0 =	sadd.s32 $0x9D40, s0;
	s2 =	sadd.s32 s6, s2  }
0xa7: {  	[tilespmem:s0], [sflag:$0x8] =	stream.linear.gather [hbm:s2], $0x1F40, $0x38;
	[tilespmem:$0x11A60] =	vst v63  }
.LBB3_5:
0xa8: {  	p1 =	slt.u32 s24, $0x2  }
0xa9: {  	p2 =	sge.u32 @!p1 s24, s12  }
0xaa: {  	p1 =	por p1, p2  }
.Ltmp12:
0xab: {  	_ = 	snop;
	(pc) =	sbr.rel @p1 .LBB3_9-.Ltmp12, $1  }
0xac: {  	_ =	sdelay $0x3  }
0xad: {  	s0 =	sadd.s32 $0xFFFFFFFE, s24  }
0xae: {  	s2 =	smulhi.u32 $0xAAAAAAAB, s0;
	_ =	sdelay $0x1  }
0xaf: {  	s2 =	sshrl.u32 s2, $0x1  }
0xb0: {  	s2 =	smul.u32 $0x3, s2;
	_ =	sdelay $0x1  }
0xb1: {  	s0 =	ssub.s32 s0, s2  }
0xb2: {  	_ =	swait.ge [sflag:s8], $0x3E80;
	s0 =	smul.u32 $0x1F40, s0  }
0xb3: {  	p1 =	sne.s32 s24, s11;
	[sflag:s8] =	ssyncset.done $0x0  }
0xb4: {  	[sflag:s8] =	ssyncadd.s32 $0xFFFFC180;
	s2 =	sadd.s32 @!p1 $0x203F, s0  }
0xb5: {  	[spmem:s13] =	stream.linear.scatter @!p1 [tilespmem:s2], [sflag:$0x1], $0x1, $0x38;
	[tilespmem:$0x11A60] =	vst v63  }
0xb6: {  	s2 =	simm.s32 @!p1 $0x1  }
0xb7: {  	_ =	swait.ge @!p1 [sflag:s2], $0x1  }
0xb8: {  	s22 =	sshll.u32 s24, $0x4;
	[sflag:s2] =	ssyncset.done @!p1 $0x0  }
0xb9: {  	s25 =	sand.u32 $0x10, s22;
	[sflag:s2] =	ssyncadd.s32 @!p1 $0xFFFFFFFF  }
0xba: {  	s2 =	sxor.u32 $0x10, s25;
	v4 =	vld [tilespmem:s25+$0x10]  }
0xbb: {  	v5 =	vld [tilespmem:s2+$0x60]  }
0xbc: {  	v3 =	vld [tilespmem:$0x80];
	_ =	sdelay $0x2  }
0xbd: {  	(v2sf) =	vpush v4, $0x0  }
0xbe: {  	(v2sf) =	vpush v5, $0x0  }
0xbf: {  	(v2sf) =	vpush v3, $0x0;
	_ =	sdelay $0xc  }
0xc0: {  	s22 =	spop (v2sf)  }
0xc1: {  	s26 =	spop (v2sf)  }
0xc2: {  	s28 =	spop (v2sf)  }
0xc3: {  	p2 =	seq.s32 s22, s26;
	p3 =	seq.s32 s28, s22  }
0xc4: {  	p3 =	por p2, p3  }
0xc5: {  	s26 =	sand.u32 $0x1, s24;
	v4 =	vpsel p3, $0xFFFFFFFF, v4  }
0xc6: {  	s29 =	smul.u32 $0x1F40, s26;
	[tilespmem:s25+$0x10] =	vst.msk $0x1, v4  }
0xc7: {  	v4 =	vld [tilespmem:$0x30]  }
0xc8: {  	v5 =	vld [tilespmem:s29+$0x9D40]  }
0xc9: {  	v6 =	vld [tilespmem:s25+$0x40];
	_ =	sdelay $0x3  }
0xca: {  	vm4 =	vmmov vm1;
	v5 =	vadd.f32 v5, v4  }
0xcb: {  	vm5 =	vmmov vm2;
	vm4 =	vmmov @p2 vm2;
	s22 =	sshll.u32 s26, $0x4;
	v4 =	vadd.f32 v6, v4  }
0xcc: {  	s26 =	sor.u32 $0x11A40, s22;
	vm5 =	vmmov @p3 vm1;
	[tilespmem:s29+$0x9D40] =	vst.msk vm4, v5  }
0xcd: {  	[tilespmem:s26+$0x0] =	vst.msk vm5, v4  }
0xce: {  	v4 =	vld [tilespmem:s29+$0x7DF0];
	_ =	sdelay $0x3  }
0xcf: {  	v5 =	vimm.f32 $0.0e+00  }
0xd0: {  	v4 =	vshift.insert v4, v5, s21  }
0xd1: {  	s22 =	sor.u32 $0x40, s2  }
0xd2: {  	[tilespmem:s22+$0x0] =	vst.msk $0x1, v4  }
0xd3: {  	[tilespmem:s29+$0x7DFF] =	vst.msk $0x1, v5  }
0xd4: {  	v4 =	vld [tilespmem:s0+$0x2030];
	_ =	sdelay $0x1  }
0xd5: {  	s22 =	smulhi.u32 $0xAAAAAAAB, s20;
	s0 =	simm.s32 $0x1  }
0xd6: {  	s0 =	simm.s32 @!p0 $0x0  }
0xd7: {  	s22 =	sshrl.u32 s22, $0x1;
	s0 =	smul.u32 $0x7D00, s0  }
0xd8: {  	s22 =	smul.u32 $0xFFFE8900, s22;
	v4 =	vshift.insert v4, v1, s21  }
0xd9: {  	s0 =	sshrl.u32 s0, $0x2  }
0xda: {  	s22 =	sshra.s32 s22, $0x2;
	s30 =	sadd.s32 $0x9D40, s0;
	[tilespmem:s2+$0x10] =	vst.msk $0x1, v4  }
0xdb: {  	s22 =	sadd.s32 s22, s19;
	v6 =	vld [tilespmem:s30+$0x0]  }
0xdc: {  	v7 =	vld [tilespmem:s22+$0x0];
	_ =	sdelay $0x3  }
0xdd: {  	v5 =	vadd.f32 v6, v5  }
0xde: {  	vm4 =	vne.s32 v7, $0xFFFFFFFF  }
0xdf: {  	(xrf2) =	vadd.seg.scan.f32 vm4, v5;
	_ =	sdelay $0x3  }
0xe0: {  	s31 =	sadd.s32 $0x5EC0, s0;
	v5 =	vperm.xlane v4, v1  }
0xe1: {  	v6 =	vld [tilespmem:s31+$0x0]  }
0xe2: {  	vm5 =	veq.s32 v7, v3;
	vm6 =	veq.s32 v7, v5  }
0xe3: {  	vm7 =	vgt.u32 v7, $0xFFFFFFFD;
	vm6 =	vmor vm6, vm5  }
0xe4: {  	vm6 =	vmor vm6, vm7  }
0xe5: {  	v9 =	vld [tilespmem:$0xA0];
	v7 =	vsel vm6, $0xFFFFFFFF, v7  }
0xe6: {  	v10 =	vld [tilespmem:$0x90];
	v6 =	vsel vm5, $0x0, v6;
	v8, _, _ =	vpop (xrf2)  }
0xe7: {  	v6 =	vadd.f32 v8, v6  }
0xe8: {  	s0 =	sadd.s32 $0xDBC0, s0  }
0xe9: {  	vm4 =	vmand vm4, vm3;
	[tilespmem:s0+$0x0] =	vst v6;
	(ifvalue) =	ssetifvalue $0xFFFFFFFF  }
0xea: {  	vm6 =	veq.s32 v9, $0x1;
	[hbm4b:s1+s16] =	stream.indirect_vreg.scatter [tilespmem:s0], [sflag:$0x2], $0x1, v7, vm0, $0x4038;
	v7 =	vsel vm4, $0x0, v8;
	[tilespmem:$0x11A60] =	vst v63  }
0xeb: {  	s2 =	simm.s32 $0x0;
	s22 =	sadd.s32 $0x10, s22;
	vm4 =	vmor vm6, vm5;
	v6 =	vsel vm5, v8, v10;
	v7 =	vshift.insert v7, v0, s21  }
.LBB3_7:
0xec: {  	v8 =	vld [tilespmem:s22+$0x0];
	s30 =	sadd.s32 $0x10, s30  }
0xed: {  	s31 =	sadd.s32 $0x10, s31;
	v9 =	vld [tilespmem:s30+$0x0]  }
0xee: {  	s2 =	sadd.s32 $0x10, s2;
	v10 =	vld [tilespmem:s31+$0x0]  }
0xef: {  	p2 =	slt.u32 s2, $0x1F30;
	_ =	sdelay $0x2  }
0xf0: {  	v7 =	vadd.f32 v9, v7  }
0xf1: {  	vm5 =	vne.s32 v8, $0xFFFFFFFF  }
0xf2: {  	vm6 =	vmand vm5, vm3;
	(xrf2) =	vadd.seg.scan.f32 vm5, v7;
	_ =	sdelay $0x5  }
0xf3: {  	vm7 =	veq.s32 v8, v5;
	vm5 =	veq.s32 v8, v3  }
0xf4: {  	vm8 =	vgt.u32 v8, $0xFFFFFFFD;
	vm4 =	vmor vm4, vm5;
	vm7 =	vmor vm7, vm5  }
0xf5: {  	vm7 =	vmor vm7, vm8  }
0xf6: {  	v8 =	vsel vm7, $0xFFFFFFFF, v8  }
.Ltmp13:
0xf7: {  	v7 =	vsel vm5, $0x0, v10;
	v9, _, _ =	vpop (xrf2);
	(pc) =	sbr.rel @p2 .LBB3_7-.Ltmp13, $4  }
0xf8: {  	v6 =	vsel vm5, v9, v6;
	v10 =	vadd.f32 v9, v7;
	v7 =	vsel vm6, $0x0, v9  }
0xf9: {  	s0 =	sadd.s32 $0x10, s0;
	v7 =	vshift.insert v7, v0, s21  }
0xfa: {  	s22 =	sadd.s32 $0x10, s22;
	[tilespmem:s0+$0x0] =	vst v10;
	(ifvalue) =	ssetifvalue $0xFFFFFFFF  }
0xfb: {  	[hbm4b:s1+s16] =	stream.indirect_vreg.scatter [tilespmem:s0], [sflag:$0x2], $0x1, v8, vm0, $0x4038;
	[tilespmem:$0x11A60] =	vst v63  }
0xfc: {  	v3 =	vld [tilespmem:s29+$0xFAF0];
	_ =	sdelay $0x4  }
0xfd: {  	v3 =	vshift.insert v3, v0, s21  }
0xfe: {  	s0 =	simm.s32 $0x30  }
0xff: {  	[tilespmem:s0+$0x0] =	vst.msk $0x1, v3  }
0x100: {  	v3 =	vsel vm4, $0x1, v1;
	[tilespmem:$0x90] =	vst v6  }
0x101: {  	s0 =	sadd.s32 @!p1 $0xFAFF, s29;
	[tilespmem:$0xA0] =	vst v3  }
0x102: {  	[spmem:s14] =	stream.linear.scatter @!p1 [tilespmem:s0], [sflag:$0x1], $0x1, $0x38;
	[tilespmem:$0x11A60] =	vst v63  }
0x103: {  	s0 =	simm.s32 @!p1 $0x1  }
0x104: {  	v3 =	vmctz.xlane @!p1 vm4;
	_ =	swait.ge @!p1 [sflag:s0], $0x1  }
0x105: {  	(v2sf) =	vpush @!p1 v4, $0x0  }
0x106: {  	(v2sf) =	vpush @!p1 v3, $0x0;
	_ =	sdelay $0xd  }
0x107: {  	s2 =	spop @!p1 (v2sf)  }
0x108: {  	s22 =	spop @!p1 (v2sf)  }
0x109: {  	p2 =	sne.s32 @!p1 s28, s2;
	p3 =	slt.s32 @!p1 s22, $0xF  }
0x10a: {  	[sflag:s0] =	ssyncset.done @!p1 $0x0;
	p2 =	por p2, p1;
	p3 =	por !p3, p1  }
0x10b: {  	[sflag:s0] =	ssyncadd.s32 @!p1 $0xFFFFFFFF;
	v3 =	vimm.s32 @!p2 $0xFFFFFFFF;
	s22 =	simm.s32 @p3 $0xF  }
0x10c: {  	[tilespmem:$0x80] =	vst @!p2 v3;
	s2 =	sadd.s32 @!p1 $0x90, s22  }
0x10d: {  	[spmem:s10] =	stream.linear.scatter @!p1 [tilespmem:s2], [sflag:$0x1], $0x1, $0x38;
	[tilespmem:$0x11A60] =	vst v63  }
0x10e: {  	_ =	swait.ge @!p1 [sflag:s0], $0x1  }
0x10f: {  	[sflag:s0] =	ssyncset.done @!p1 $0x0  }
0x110: {  	s2 =	simm.s32 @!p1 $0x80;
	[sflag:s0] =	ssyncadd.s32 @!p1 $0xFFFFFFFF  }
0x111: {  	[spmem:s15] =	stream.linear.scatter @!p1 [tilespmem:s2], [sflag:$0x1], $0x1, $0x38;
	[tilespmem:$0x11A60] =	vst v63  }
0x112: {  	_ =	swait.ge @!p1 [sflag:s0], $0x1  }
0x113: {  	[sflag:s0] =	ssyncset.done @!p1 $0x0  }
0x114: {  	[sflag:s0] =	ssyncadd.s32 @!p1 $0xFFFFFFFF;
	(ifvalue) =	ssetifvalue $0xFFFFFFFF;
	v3 =	vld [tilespmem:s25+$0x10];
	_ =	sdelay $0x3  }
.Ltmp14:
0x115: {  	_ = 	snop;
	(pc) =	sbr.rel .LBB3_9-.Ltmp14, $3  }
0x116: {  	_ =	sdelay $0x1  }
0x117: {  	(ifvalue) =	ssetifvalue $0xFFFFFFFF  }
0x118: {  	[hbm4b:s1+s16] =	stream.indirect_vreg.scatter [tilespmem:s26], [sflag:$0x9], $0x1, v3, vm0, $0x4038;
	[tilespmem:$0x11A60] =	vst v63  }
.LBB3_10:
0x119: {  	_ =	sfence.sel $0x180000  }
0x11a: {  	s0 =	simm.s32 $0x7;
	[bflag:$0x0] =	sbarrier.arrive $0xFFFF  }
0x11b: {  	s26 =	simm.s32 $0x8;
	[sflag:s0] =	ssyncpa.u1 $0x1  }
0x11c: {  	s28 =	simm.s32 $0x9;
	[sflag:s26] =	ssyncpa.u1 $0x1  }
0x11d: {  	[sflag:s28] =	ssyncpa.u1 $0x1  }
0x11e: {  	_ =	sfence.stream.spmem  }
0x11f: {  	s29 =	simm.s32 $0x3;
	[bflag:$0x0] =	sbarrier.arrive $0xFFFF  }
0x120: {  	s30 =	simm.s32 $0x4;
	[sflag:s29] =	ssyncpa.u1 $0x1  }
0x121: {  	s31 =	simm.s32 $0x3C;
	s2 =	stileid.u32;
	[sflag:s30] =	ssyncpa.u1 $0x1  }
0x122: {  	p0 =	sne.s32 s2, $0x0;
	[sflag:s31] =	ssyncpa.u1 $0x1  }
0x123: {  	s0 =	simm.s32 @p0 $0x1;
	_ =	sfence @p0  }
0x124: {  	[sflag:s0] =	ssyncpa.u1 @p0 $0x1;
	s0 =	simm.s32 @p0 $0x2  }
0x125: {  	[sflag:s0] =	ssyncpa.u1 @p0 $0x1  }
0x126: {  	_ =	strace @p0 $0x9000004D  }
0x127: {  	[bflag:$0x2] =	sbarrier.arrive @p0 $0xFFFF  }
0x128: {  	_ =	shalt @p0  }
.LBB3_11:
0x129: {  	_ =	sfence.stream.spmem;
	s0 =	simm.s32 $0x5  }
0x12a: {  	s2 =	simm.s32 $0x80;
	s3 =	simm.s32 $0xC0;
	[sflag:s0] =	ssyncpa.u1 $0x0  }
0x12b: {  	[tilespmem:s3], [sflag:$0x5] =	stream.linear.gather [spmem:s2], $0x20, $0x38;
	[tilespmem:$0x11A60] =	vst v63  }
0x12c: {  	s2 =	simm.s32 $0x0;
	s3 =	simm.s32 $0xE0  }
0x12d: {  	[tilespmem:s3], [sflag:$0x5] =	stream.linear.gather [spmem:s2], $0x20, $0x38;
	[tilespmem:$0x11A60] =	vst v63  }
.Ltmp15:
0x12e: {  	_ = 	snop;
	(pc) =	sbr.rel .LBB3_12-.Ltmp15, $4  }
0x12f: {  	_ =	swait.ge [sflag:s0], $0x40  }
0x130: {  	[sflag:s0] =	ssyncset.done $0x0  }
0x131: {  	s31 =	simm.s32 $0x6;
	[sflag:s0] =	ssyncadd.s32 $0xFFFFFFC0  }
0x132: {  	s4 =	simm.s32 $0x0;
	[sflag:s31] =	ssyncpa.u1 $0x0  }
.LBB3_17:
0x133: {  	p0 =	sgt.u32 s5, $0x27FF  }
0x134: {  	s0 =	sshrl.u32 @!p0 s5, $0x3  }
0x135: {  	s5 =	sand.u32 @!p0 $0x7, s5;
	s6 =	simm.s32 @!p0 $0xB0;
	s0 =	sadd.s32 @!p0 s1, s0  }
0x136: {  	[tilespmem:s6], [sflag:$0x6] =	stream.linear.gather @!p0 [hbm4b:s0+s5], $0x1, $0x38;
	[tilespmem:$0x11A60] =	vst v63  }
0x137: {  	s0 =	simm.s32 @!p0 $0x6  }
0x138: {  	_ =	swait.ge @!p0 [sflag:s0], $0x1  }
0x139: {  	[sflag:s0] =	ssyncset.done @!p0 $0x0  }
0x13a: {  	[sflag:s0] =	ssyncadd.s32 @!p0 $0xFFFFFFFF  }
0x13b: {  	v2 =	vmov @!p0 s4;
	v1 =	vld.msk @!p0 [tilespmem:$0xB0], $0x1;
	_ =	sdelay $0x3  }
0x13c: {  	s0 =	simm.s32 @!p0 $0xE0  }
0x13d: {  	[tilespmem:v2+s0+$0x0], v1 =	vst.idx.ret.add.f32.msk @!p0 $0x1, v1  }
0x13e: {  	[tilespmem:s2+$0xC0] =	vst.msk $0x1, v0  }
0x13f: {  	v0 =	vld.msk [tilespmem:s4+$0xE0], $0x1;
	_ =	sdelay $0x4  }
0x140: {  	[tilespmem:s2+$0xE0] =	vst.msk $0x1, v0;
	s2 =	sadd.s32 $0x1, s2  }
.LBB3_19:
0x141: {  	s4 =	sadd.s32 $0x1, s4  }
0x142: {  	p0 =	sne.s32 s4, $0x20  }
.Ltmp16:
0x143: {  	_ = 	snop;
	(pc) =	sbr.rel @!p0 .LBB3_20-.Ltmp16, $1  }
0x144: {  	_ =	sdelay $0x3  }
.LBB3_12:
0x145: {  	v0 =	vld.msk [tilespmem:s4+$0xC0], $0x1;
	_ =	sdelay $0x4  }
0x146: {  	(v2sf) =	vpush v0, $0x0;
	_ =	sdelay $0xe  }
0x147: {  	s5 =	spop (v2sf)  }
0x148: {  	p0 =	seq.s32 s5, $0xFFFFFFFF  }
.Ltmp17:
0x149: {  	_ = 	snop;
	(pc) =	sbr.rel @p0 .LBB3_19-.Ltmp17, $1  }
0x14a: {  	_ =	sdelay $0x3  }
0x14b: {  	p0 =	slt.s32 s2, $0x1  }
.Ltmp18:
0x14c: {  	_ = 	snop;
	(pc) =	sbr.rel @p0 .LBB3_17-.Ltmp18, $1  }
0x14d: {  	_ =	sdelay $0x3  }
0x14e: {  	s0 =	simm.s32 $0xC0;
	p0 =	por $0x0, $0x0  }
0x14f: {  	v1 =	vld.msk @!p0 [tilespmem:s0+$0x0], $0x1;
	_ =	sdelay $0x4  }
0x150: {  	(v2sf) =	vpush @!p0 v1, $0x0;
	_ =	sdelay $0xd  }
0x151: {  	p2 =	sne.s32 s2, $0x1  }
.Ltmp19:
0x152: {  	s6 =	spop @!p0 (v2sf);
	(pc) =	sbr.rel @!p2 .LBB3_16-.Ltmp19, $4  }
0x153: {  	p1 =	seq.s32 @!p0 s5, s6  }
0x154: {  	s6 =	simm.s32 $0x0;
	p1 =	por !p1, p0  }
0x155: {  	s8 =	simm.s32 $0xFFFFFFFF;
	s6 =	simm.s32 @p1 $0xFFFFFFFF  }
0x156: {  	s7 =	simm.s32 $0x1;
	s6 =	smov.u32 @p0 s8  }
.LBB3_15:
0x157: {  	s8 =	smov.u32 s6;
	p0 =	sne.s32 s6, $0xFFFFFFFF  }
0x158: {  	s0 =	sadd.s32 $0x1, s0;
	s6 =	smov.u32 s7;
	s7 =	sadd.s32 $0x1, s7  }
0x159: {  	p1 =	sne.s32 s2, s7;
	v1 =	vld.msk @!p0 [tilespmem:s0+$0x0], $0x1;
	_ =	sdelay $0x4  }
0x15a: {  	(v2sf) =	vpush @!p0 v1, $0x0;
	_ =	sdelay $0xe  }
.Ltmp20:
0x15b: {  	s9 =	spop @!p0 (v2sf);
	(pc) =	sbr.rel @p1 .LBB3_15-.Ltmp20, $4  }
0x15c: {  	p2 =	seq.s32 @!p0 s5, s9  }
0x15d: {  	p2 =	por !p2, p0  }
0x15e: {  	s6 =	simm.s32 @p2 $0xFFFFFFFF  }
0x15f: {  	s6 =	smov.u32 @p0 s8  }
.LBB3_16:
0x160: {  	p0 =	sne.s32 s6, $0xFFFFFFFF  }
.Ltmp21:
0x161: {  	_ = 	snop;
	(pc) =	sbr.rel @!p0 .LBB3_17-.Ltmp21, $1  }
0x162: {  	_ =	sdelay $0x3  }
0x163: {  	v0 =	vld.msk [tilespmem:s4+$0xE0], $0x1;
	v1 =	vmov s6  }
.Ltmp22:
0x164: {  	_ = 	snop;
	(pc) =	sbr.rel .LBB3_19-.Ltmp22, $2  }
0x165: {  	_ =	sdelay $0x2  }
0x166: {  	[tilespmem:v1+s3+$0x0], v0 =	vst.idx.ret.add.f32.msk $0x1, v0  }
.LBB3_20:
0x167: {  	p0 =	slt.s32 s2, $0x1  }
.Ltmp23:
0x168: {  	_ = 	snop;
	(pc) =	sbr.rel @p0 .LBB3_24-.Ltmp23, $3  }
0x169: {  	_ =	sdelay $0x1  }
0x16a: {  	s0 =	simm.s32 $0x6  }
0x16b: {  	s3 =	simm.s32 $0x0;
	[sflag:s0] =	ssyncpa.u1 $0x1  }
0x16c: {  	s0 =	simm.s32 $0xC0  }
0x16d: {  	v0 =	vld.msk [tilespmem:s0+$0x0], $0x1;
	_ =	sdelay $0x4  }
0x16e: {  	(v2sf) =	vpush v0, $0x0;
	_ =	sdelay $0xe  }
0x16f: {  	s2 =	sadd.s32 $0xFFFFFFFF, s2;
	s4 =	spop (v2sf)  }
0x170: {  	p1 =	sne.s32 s2, $0x0;
	p0 =	sgt.u32 s4, $0x27FF  }
.Ltmp24:
0x171: {  	s5 =	sshrl.u32 @!p0 s4, $0x3;
	(pc) =	sbr.rel @!p1 .LBB3_23-.Ltmp24, $4  }
0x172: {  	s0 =	simm.s32 $0xE0;
	s4 =	sand.u32 @!p0 $0x7, s4;
	s5 =	sadd.s32 @!p0 s1, s5  }
0x173: {  	[hbm4b:s5+s4] =	stream.linear.scatter @!p0 [tilespmem:s0], [sflag:$0x5], $0x1, $0x38;
	[tilespmem:$0x11A60] =	vst v63  }
0x174: {  	s5 =	simm.s32 $0x0  }
0x175: {  	s4 =	simm.s32 $0xC1;
	s5 =	simm.s32 @!p0 $0x4  }
.LBB3_22:
0x176: {  	v0 =	vld.msk [tilespmem:s4+$0x0], $0x1;
	s2 =	sadd.s32 $0xFFFFFFFF, s2;
	s3 =	sadd.s32 s3, s5  }
0x177: {  	p0 =	sne.s32 s2, $0x0;
	_ =	sdelay $0x3  }
0x178: {  	(v2sf) =	vpush v0, $0x0;
	_ =	sdelay $0xe  }
.Ltmp25:
0x179: {  	s6 =	spop (v2sf);
	(pc) =	sbr.rel @p0 .LBB3_22-.Ltmp25, $4  }
0x17a: {  	s5 =	simm.s32 $0x0;
	p1 =	sgt.u32 s6, $0x27FF  }
0x17b: {  	s0 =	sadd.s32 $0x1, s0;
	s5 =	simm.s32 @!p1 $0x4;
	s7 =	sshrl.u32 @!p1 s6, $0x3  }
0x17c: {  	s4 =	sadd.s32 $0x1, s4;
	s6 =	sand.u32 @!p1 $0x7, s6;
	s7 =	sadd.s32 @!p1 s1, s7  }
0x17d: {  	[hbm4b:s7+s6] =	stream.linear.scatter @!p1 [tilespmem:s0], [sflag:$0x5], $0x1, $0x38;
	[tilespmem:$0x11A60] =	vst v63  }
.LBB3_23:
0x17e: {  	s0 =	sadd.s32 s3, s5  }
0x17f: {  	s3 =	sshrl.u32 s0, $0x2  }
.LBB3_24:
0x180: {  	s0 =	simm.s32 $0x5  }
0x181: {  	_ =	swait.ge [sflag:s0], s3  }
0x182: {  	s1 =	ssub.s32 $0x0, s3;
	[sflag:s0] =	ssyncset.done $0x0  }
0x183: {  	[sflag:s0] =	ssyncadd.s32 s1  }
0x184: {  	[sflag:s0] =	ssyncpa.u1 $0x1  }
0x185: {  	s29 =	simm.s32 $0x1;
	_ =	sfence  }
0x186: {  	s30 =	simm.s32 $0x2;
	[sflag:s29] =	ssyncpa.u1 $0x1  }
0x187: {  	[sflag:s30] =	ssyncpa.u1 $0x1  }
0x188: {  	_ =	strace $0x9000004D  }
0x189: {  	[bflag:$0x2] =	sbarrier.arrive $0xFFFF  }
0x18a: {  	s31 =	rddreg [dreg:$0x1]  }
0x18b: {  	s0 =	sadd.s32 $0x100000, s31  }
0x18c: {  	[sflag:s0] =	ssyncadd.tile.s32 $0x1;
	_ =	shalt  }
.Lfunc_end3:
_tile_overlayer_lowered:
.L_overlay_start_3:
0x18d: {  	(tag) =	ssettag $0x3  }
0x18e: {  	s0 =	rddreg [dreg:$0x0];
	s2 =	stileid.u32  }
0x18f: {  	s1 =	rddreg [dreg:$0x1];
	p0 =	sne.s32 s2, $0x0  }
0x190: {  	s3 =	rddreg [dreg:$0x2];
	[bflag:$0x3] =	sbarrier.arrive $0xFFFF;
	s2 =	simm.s32 @!p0 $0x1C01  }
0x191: {  	[timem:s3], [sflag:s2] =	dma.local @!p0 [hbm:s0], s1  }
0x192: {  	s0 =	simm.s32 @!p0 $0x1  }
0x193: {  	_ =	swait.ge @!p0 [sflag:s0], s1  }
0x194: {  	s1 =	ssub.s32 @!p0 $0x0, s1;
	[sflag:s0] =	ssyncset.done @!p0 $0x0  }
0x195: {  	[sflag:s0] =	ssyncadd.s32 @!p0 s1  }
0x196: {  	[bflag:$0x3] =	sbarrier.arrive $0xFFFF  }
0x197: {  	_ =	shalt  }

</sc_bundles>
